<compile_context>
chip_gen: v7x
topology: tpu7x:2x2x1
jax: 0.10.2.dev20260603
libtpu: 0.0.44.dev20260713+nightly
codegen_flags: <defaults>
</compile_context>

<pallas_src>
import functools

import jax
import jax.numpy as jnp
from jax import lax
from jax.experimental import pallas as pl
from jax.experimental.pallas import tpu as pltpu
from jax.experimental.pallas import tpu_sc as plsc

_N = 10000
_E = 160000
_D = 256
_G = 16
_EPS = 1e-5

_BLK = 2000
_NBLK = _N // _BLK

_CH = 96
_PT = 10176
_NCH = _PT // _CH
_EPAD = 16 * _PT
_ACC_R = 10112
_RPT = 632




def _vn_add_body(x_ref, vn_ref, batch_ref, o_ref):
    b = batch_ref[0, 0, :]
    oh = (b[:, None] == lax.broadcasted_iota(jnp.int32, (_BLK, _G), 1)
          ).astype(jnp.float32)
    o_ref[...] = x_ref[...] + jnp.dot(oh, vn_ref[...],
                                      preferred_element_type=jnp.float32,
                      precision=lax.Precision.HIGHEST)


def _call_vn_add(x, vn, batch3):
    return pl.pallas_call(
        _vn_add_body,
        grid=(_NBLK,),
        in_specs=[
            pl.BlockSpec((_BLK, _D), lambda i: (i, 0)),
            pl.BlockSpec((_G, _D), lambda i: (0, 0)),
            pl.BlockSpec((1, 1, _BLK), lambda i: (i, 0, 0)),
        ],
        out_specs=pl.BlockSpec((_BLK, _D), lambda i: (i, 0)),
        out_shape=jax.ShapeDtypeStruct((_N, _D), jnp.float32),
    )(x, vn, batch3)


def _mlp_body(xv_ref, a0_ref, a1_ref, w1_ref, b1_ref, w2_ref, b2_ref,
              h2_ref, st_ref, acc_ref):
    i = pl.program_id(0)
    agg = jnp.concatenate([a0_ref[0], a1_ref[0]], axis=1)
    h = xv_ref[...] + agg
    h = jnp.maximum(
        jnp.dot(h, w1_ref[...], preferred_element_type=jnp.float32)
        + b1_ref[...], 0.0)
    h2 = jnp.dot(h, w2_ref[...], preferred_element_type=jnp.float32) + b2_ref[...]
    h2_ref[...] = h2

    @pl.when(i == 0)
    def _():
        acc_ref[...] = jnp.zeros_like(acc_ref)

    acc_ref[0:1, :] += jnp.sum(h2, axis=0, keepdims=True)
    acc_ref[1:2, :] += jnp.sum(h2 * h2, axis=0, keepdims=True)
    st_ref[...] = acc_ref[...]


def _call_mlp(xv, agg, w1, b1, w2, b2):
    return pl.pallas_call(
        _mlp_body,
        grid=(_NBLK,),
        in_specs=[
            pl.BlockSpec((_BLK, _D), lambda i: (i, 0)),
            pl.BlockSpec((1, _BLK, 128), lambda i: (0, i, 0)),
            pl.BlockSpec((1, _BLK, 128), lambda i: (1, i, 0)),
            pl.BlockSpec((_D, _D), lambda i: (0, 0)),
            pl.BlockSpec((1, _D), lambda i: (0, 0)),
            pl.BlockSpec((_D, _D), lambda i: (0, 0)),
            pl.BlockSpec((1, _D), lambda i: (0, 0)),
        ],
        out_specs=[
            pl.BlockSpec((_BLK, _D), lambda i: (i, 0)),
            pl.BlockSpec((8, _D), lambda i: (0, 0)),
        ],
        out_shape=[
            jax.ShapeDtypeStruct((_N, _D), jnp.float32),
            jax.ShapeDtypeStruct((8, _D), jnp.float32),
        ],
        scratch_shapes=[pltpu.VMEM((8, _D), jnp.float32)],
    )(xv, agg, agg, w1, b1, w2, b2)


def _bn_scale_shift(st_ref, g_ref, bb_ref):
    mu = st_ref[0:1, :] / _N
    var = st_ref[1:2, :] / _N - mu * mu
    scale = g_ref[...] * lax.rsqrt(var + _EPS)
    shift = bb_ref[...] - mu * scale
    return scale, shift


def _bnres_body(xv_ref, h2_ref, st_ref, g_ref, bb_ref, batch_ref,
                o_ref, pool_ref, pacc_ref):
    i = pl.program_id(0)
    scale, shift = _bn_scale_shift(st_ref, g_ref, bb_ref)
    xo = xv_ref[...] + jnp.maximum(h2_ref[...] * scale + shift, 0.0)
    o_ref[...] = xo
    b = batch_ref[0, 0, :]
    oh = (b[:, None] == lax.broadcasted_iota(jnp.int32, (_BLK, _G), 1)
          ).astype(jnp.float32)
    part = lax.dot_general(oh, xo, (((0,), (0,)), ((), ())),
                           preferred_element_type=jnp.float32,
                      precision=lax.Precision.HIGHEST)

    @pl.when(i == 0)
    def _():
        pacc_ref[...] = jnp.zeros_like(pacc_ref)

    pacc_ref[...] += part
    pool_ref[...] = pacc_ref[...]


def _call_bnres(xv, h2, st, g, bb, batch3):
    return pl.pallas_call(
        _bnres_body,
        grid=(_NBLK,),
        in_specs=[
            pl.BlockSpec((_BLK, _D), lambda i: (i, 0)),
            pl.BlockSpec((_BLK, _D), lambda i: (i, 0)),
            pl.BlockSpec((8, _D), lambda i: (0, 0)),
            pl.BlockSpec((1, _D), lambda i: (0, 0)),
            pl.BlockSpec((1, _D), lambda i: (0, 0)),
            pl.BlockSpec((1, 1, _BLK), lambda i: (i, 0, 0)),
        ],
        out_specs=[
            pl.BlockSpec((_BLK, _D), lambda i: (i, 0)),
            pl.BlockSpec((_G, _D), lambda i: (0, 0)),
        ],
        out_shape=[
            jax.ShapeDtypeStruct((_N, _D), jnp.float32),
            jax.ShapeDtypeStruct((_G, _D), jnp.float32),
        ],
        scratch_shapes=[pltpu.VMEM((_G, _D), jnp.float32)],
    )(xv, h2, st, g, bb, batch3)


def _bnres_head_body(xv_ref, h2_ref, st_ref, g_ref, bb_ref, hw_ref, hb_ref,
                     o_ref):
    scale, shift = _bn_scale_shift(st_ref, g_ref, bb_ref)
    xo = xv_ref[...] + jnp.maximum(h2_ref[...] * scale + shift, 0.0)
    o_ref[...] = jnp.dot(xo, hw_ref[...],
                         preferred_element_type=jnp.float32) + hb_ref[...]


def _call_bnres_head(xv, h2, st, g, bb, hw, hb):
    return pl.pallas_call(
        _bnres_head_body,
        grid=(_NBLK,),
        in_specs=[
            pl.BlockSpec((_BLK, _D), lambda i: (i, 0)),
            pl.BlockSpec((_BLK, _D), lambda i: (i, 0)),
            pl.BlockSpec((8, _D), lambda i: (0, 0)),
            pl.BlockSpec((1, _D), lambda i: (0, 0)),
            pl.BlockSpec((1, _D), lambda i: (0, 0)),
            pl.BlockSpec((_D, _D), lambda i: (0, 0)),
            pl.BlockSpec((1, _D), lambda i: (0, 0)),
        ],
        out_specs=pl.BlockSpec((_BLK, _D), lambda i: (i, 0)),
        out_shape=jax.ShapeDtypeStruct((_N, _D), jnp.float32),
    )(xv, h2, st, g, bb, hw, hb)


def _vn_mlp_body(pool_ref, vn_ref, w1_ref, b1_ref, g1_ref, bb1_ref,
                 w2_ref, b2_ref, g2_ref, bb2_ref, o_ref):
    t0 = pool_ref[...] + vn_ref[...]
    t = jnp.dot(t0, w1_ref[...], preferred_element_type=jnp.float32) + b1_ref[...]
    mu = jnp.mean(t, axis=0, keepdims=True)
    var = jnp.mean(t * t, axis=0, keepdims=True) - mu * mu
    t = jnp.maximum((t - mu) * lax.rsqrt(var + _EPS) * g1_ref[...]
                    + bb1_ref[...], 0.0)
    t = jnp.dot(t, w2_ref[...], preferred_element_type=jnp.float32) + b2_ref[...]
    mu = jnp.mean(t, axis=0, keepdims=True)
    var = jnp.mean(t * t, axis=0, keepdims=True) - mu * mu
    t = jnp.maximum((t - mu) * lax.rsqrt(var + _EPS) * g2_ref[...]
                    + bb2_ref[...], 0.0)
    o_ref[...] = vn_ref[...] + t


def _call_vn_mlp(pool, vn, w1, b1, g1, bb1, w2, b2, g2, bb2):
    full = lambda shape: pl.BlockSpec(shape, lambda: (0,) * len(shape))
    return pl.pallas_call(
        _vn_mlp_body,
        grid=(),
        in_specs=[
            full((_G, _D)), full((_G, _D)),
            full((_D, _D)), full((1, _D)), full((1, _D)), full((1, _D)),
            full((_D, _D)), full((1, _D)), full((1, _D)), full((1, _D)),
        ],
        out_specs=full((_G, _D)),
        out_shape=jax.ShapeDtypeStruct((_G, _D), jnp.float32),
    )(pool, vn, w1, b1, g1, bb1, w2, b2, g2, bb2)



def _sc_msgagg(xv2, eat2, src_p, dst_p, zrows):
    mesh = plsc.VectorSubcoreMesh(core_axis_name="c", subcore_axis_name="s")

    @functools.partial(
        pl.kernel,
        out_type=jax.ShapeDtypeStruct((2, _N, 128), jnp.float32),
        mesh=mesh,
        scratch_types=[
            pltpu.VMEM((_CH,), jnp.int32),
            pltpu.VMEM((_CH,), jnp.int32),
            pltpu.VMEM((_CH,), jnp.int32),
            pltpu.VMEM((_CH,), jnp.int32),
            pltpu.VMEM((_CH,), jnp.int32),
            pltpu.VMEM((_CH,), jnp.int32),
            pltpu.VMEM((_CH, 128), jnp.float32),
            pltpu.VMEM((_CH, 128), jnp.float32),
            pltpu.VMEM((_CH, 128), jnp.float32),
            pltpu.VMEM((_CH, 128), jnp.float32),
            pltpu.VMEM_SHARED((_ACC_R, 128), jnp.float32),
            pltpu.SemaphoreType.DMA,
            pltpu.SemaphoreType.DMA,
            pltpu.SemaphoreType.DMA,
            pltpu.SemaphoreType.DMA,
            pltpu.SemaphoreType.DMA,
            pltpu.SemaphoreType.DMA,
            pltpu.SemaphoreType.DMA,
            pltpu.SemaphoreType.DMA,
        ],
    )
    def k(xv2_hbm, eat2_hbm, src_hbm, dst_hbm, z_hbm, agg_hbm,
          srcv0, srcv1, dstv0, dstv1, giv0, giv1,
          xrows0, xrows1, earows0, earows1, acc,
          sem_i0, sem_i1, sem_g0, sem_g1, sem_e0, sem_e1, sem_c0, sem_c1):
        c = lax.axis_index("c")
        s = lax.axis_index("s")

        r0 = s * _RPT
        pltpu.sync_copy(z_hbm.at[pl.ds(r0, _RPT)], acc.at[pl.ds(r0, _RPT)])

        plsc.subcore_barrier()

        def compute_giv(srcv, giv):
            @pl.loop(0, _CH // 16)
            def _(j):
                sl = pl.ds(j * 16, 16)
                giv[sl] = srcv[sl] * 2 + c

        def compute_msg(xrows, earows):
            @pl.loop(0, _CH)
            def _(r):
                for kk in range(8):
                    sl = pl.ds(kk * 16, 16)
                    xrows[r, sl] = jnp.maximum(xrows[r, sl] + earows[r, sl],
                                               0.0)

        @pl.loop(0, _NCH, step=2)
        def _(i):
            @pl.when(i > 0)
            def _():
                pltpu.make_async_copy(xrows0, acc.at[dstv0], sem_c0).wait()
                pltpu.make_async_copy(xrows1, acc.at[dstv1], sem_c1).wait()

            e0 = s * _PT + i * _CH
            e1 = e0 + _CH
            hs0 = pltpu.async_copy(src_hbm.at[pl.ds(e0, _CH)], srcv0, sem_i0)
            hd0 = pltpu.async_copy(dst_hbm.at[pl.ds(e0, _CH)], dstv0, sem_i0)
            hs1 = pltpu.async_copy(src_hbm.at[pl.ds(e1, _CH)], srcv1, sem_i1)
            hd1 = pltpu.async_copy(dst_hbm.at[pl.ds(e1, _CH)], dstv1, sem_i1)
            hs0.wait()
            hd0.wait()
            compute_giv(srcv0, giv0)
            g0 = pltpu.async_copy(xv2_hbm.at[giv0], xrows0, sem_g0)
            a0 = pltpu.async_copy(eat2_hbm.at[pl.ds(c * _EPAD + e0, _CH)],
                                  earows0, sem_e0)
            hs1.wait()
            hd1.wait()
            compute_giv(srcv1, giv1)
            g1 = pltpu.async_copy(xv2_hbm.at[giv1], xrows1, sem_g1)
            a1 = pltpu.async_copy(eat2_hbm.at[pl.ds(c * _EPAD + e1, _CH)],
                                  earows1, sem_e1)
            g0.wait()
            a0.wait()
            compute_msg(xrows0, earows0)
            sc0 = pltpu.async_copy(xrows0, acc.at[dstv0], sem_c0, add=True)
            g1.wait()
            a1.wait()
            compute_msg(xrows1, earows1)
            sc1 = pltpu.async_copy(xrows1, acc.at[dstv1], sem_c1, add=True)

        pltpu.make_async_copy(xrows0, acc.at[dstv0], sem_c0).wait()
        pltpu.make_async_copy(xrows1, acc.at[dstv1], sem_c1).wait()

        plsc.subcore_barrier()

        @pl.when(s < 15)
        def _():
            pltpu.sync_copy(acc.at[pl.ds(r0, _RPT)],
                            agg_hbm.at[c, pl.ds(r0, _RPT)])

        @pl.when(s == 15)
        def _():
            pltpu.sync_copy(acc.at[pl.ds(r0, _N - 15 * _RPT)],
                            agg_hbm.at[c, pl.ds(r0, _N - 15 * _RPT)])

    return k(xv2, eat2, src_p, dst_p, zrows)



def kernel(x, edge_index, edge_attr, batch,
           gine_W1, gine_b1, gine_W2, gine_b2, bn_g, bn_b,
           vn_W1, vn_b1, vn_bn1_g, vn_bn1_b, vn_W2, vn_b2, vn_bn2_g, vn_bn2_b,
           head_W, head_b):
    src = edge_index[0]
    dst = edge_index[1]
    pad = _EPAD - _E
    src_p = jnp.concatenate([src, jnp.zeros((pad,), jnp.int32)])
    dst_p = jnp.concatenate([dst, jnp.full((pad,), _N, jnp.int32)])
    ea_p = jnp.concatenate([edge_attr,
                            jnp.full((pad, _D), -1e30, edge_attr.dtype)],
                           axis=0)
    eat2 = ea_p.reshape(_EPAD, 2, 128).transpose(1, 0, 2).reshape(2 * _EPAD, 128)
    zrows = jnp.zeros((_ACC_R, 128), jnp.float32)
    batch3 = batch.reshape(_NBLK, 1, _BLK)
    r1 = lambda v: v.reshape(1, _D)

    vn = jnp.zeros((_G, _D), jnp.float32)
    xv = x
    out = None
    for i in range(3):
        if i > 0:
            xv = _call_vn_add(xv, vn, batch3)
        agg = _sc_msgagg(xv.reshape(2 * _N, 128), eat2, src_p, dst_p, zrows)
        h2, st = _call_mlp(xv, agg, gine_W1[i], r1(gine_b1[i]),
                           gine_W2[i], r1(gine_b2[i]))
        if i < 2:
            xv, pooled = _call_bnres(xv, h2, st, r1(bn_g[i]), r1(bn_b[i]),
                                     batch3)
            vn = _call_vn_mlp(pooled, vn,
                              vn_W1[i], r1(vn_b1[i]),
                              r1(vn_bn1_g[i]), r1(vn_bn1_b[i]),
                              vn_W2[i], r1(vn_b2[i]),
                              r1(vn_bn2_g[i]), r1(vn_bn2_b[i]))
        else:
            out = _call_bnres_head(xv, h2, st, r1(bn_g[i]), r1(bn_b[i]),
                                   head_W, r1(head_b))
    return out

# --- scband reference (transcript-rebuilt; emitter-appended) ---
"""Pipeline reference for scband-custom-gnn-60430189855398 (READ-ONLY COPY).

The authoritative reference and input builder live on the scoring server;
editing this copy changes nothing except your own understanding.
"""

import jax, jax.numpy as jnp
import numpy as np

N = 10000
E = 160000
D = 256
G = 16
L = 3  # layers_mp
EPS_BN = 1e-5


def _bn(h, g, b):
    mu = jnp.mean(h, axis=0, keepdims=True)
    var = jnp.var(h, axis=0, keepdims=True)
    return (h - mu) / jnp.sqrt(var + EPS_BN) * g + b


def _forward(x, edge_index, batch, edge_attr,
             gine_W1, gine_b1, gine_W2, gine_b2, bn_g, bn_b,
             vn_W1, vn_b1, vn_bn1_g, vn_bn1_b, vn_W2, vn_b2, vn_bn2_g, vn_bn2_b,
             head_W, head_b):
    src = edge_index[0]
    dst = edge_index[1]
    # virtualnode_embedding initialized to zeros -> one vn state per graph
    vn = jnp.zeros((G, D), dtype=x.dtype)
    for i in range(L):
        # add virtual-node embedding to every node of its graph
        x = x + vn[batch]
        x_in = x
        # GINEConv: aggregate relu(x_j + edge_attr) over incoming edges (scatter-add)
        m = jax.nn.relu(x[src] + edge_attr)
        agg = jax.ops.segment_sum(m, dst, num_segments=N)
        h = x + agg  # (1 + eps) * x + agg with eps = 0
        # nn = Linear -> ReLU -> Linear
        h = jax.nn.relu(h @ gine_W1[i] + gine_b1[i])
        h = h @ gine_W2[i] + gine_b2[i]
        # GINEConvLayer post: BatchNorm -> ReLU -> residual
        h = _bn(h, bn_g[i], bn_b[i])
        h = jax.nn.relu(h)
        x = x_in + h
        if i < L - 1:
            # virtual-node update: global_add_pool per graph + vn, then MLP, vn_residual
            vn_tmp = jax.ops.segment_sum(x, batch, num_segments=G) + vn
            t = vn_tmp @ vn_W1[i] + vn_b1[i]
            t = jax.nn.relu(_bn(t, vn_bn1_g[i], vn_bn1_b[i]))
            t = t @ vn_W2[i] + vn_b2[i]
            t = jax.nn.relu(_bn(t, vn_bn2_g[i], vn_bn2_b[i]))
            vn = vn + t  # cfg.gnn.vn_residual = True, dropout = 0 (eval)
    # post_mp node head: Linear(dim_inner, dim_out)
    return x @ head_W + head_b


def setup_inputs(seed: int = 0) -> dict:
    key = jax.random.key(seed)
    ks = jax.random.split(key, 16)
    inp = {}
    inp["x"] = jax.random.normal(ks[0], (N, D), dtype=jnp.float32)
    inp["edge_index"] = jax.random.randint(ks[1], (2, E), 0, N, dtype=jnp.int32)
    inp["edge_attr"] = jax.random.normal(ks[2], (E, D), dtype=jnp.float32) * 0.1
    inp["batch"] = jnp.sort(jax.random.randint(ks[3], (N,), 0, G, dtype=jnp.int32))
    inp["gine_W1"] = jax.random.normal(ks[4], (L, D, D), dtype=jnp.float32) * 0.05
    inp["gine_b1"] = jnp.zeros((L, D), dtype=jnp.float32)
    inp["gine_W2"] = jax.random.normal(ks[5], (L, D, D), dtype=jnp.float32) * 0.05
    inp["gine_b2"] = jnp.zeros((L, D), dtype=jnp.float32)
    inp["bn_g"] = jnp.ones((L, D), dtype=jnp.float32)
    inp["bn_b"] = jnp.zeros((L, D), dtype=jnp.float32)
    inp["vn_W1"] = jax.random.normal(ks[6], (L - 1, D, D), dtype=jnp.float32) * 0.05
    inp["vn_b1"] = jnp.zeros((L - 1, D), dtype=jnp.float32)
    inp["vn_bn1_g"] = jnp.ones((L - 1, D), dtype=jnp.float32)
    inp["vn_bn1_b"] = jnp.zeros((L - 1, D), dtype=jnp.float32)
    inp["vn_W2"] = jax.random.normal(ks[7], (L - 1, D, D), dtype=jnp.float32) * 0.05
    inp["vn_b2"] = jnp.zeros((L - 1, D), dtype=jnp.float32)
    inp["vn_bn2_g"] = jnp.ones((L - 1, D), dtype=jnp.float32)
    inp["vn_bn2_b"] = jnp.zeros((L - 1, D), dtype=jnp.float32)
    inp["head_W"] = jax.random.normal(ks[8], (D, D), dtype=jnp.float32) * 0.05
    inp["head_b"] = jnp.zeros((D,), dtype=jnp.float32)
    return inp


def reference(x, edge_index, edge_attr, batch,
              gine_W1, gine_b1, gine_W2, gine_b2, bn_g, bn_b,
              vn_W1, vn_b1, vn_bn1_g, vn_bn1_b, vn_W2, vn_b2, vn_bn2_g, vn_bn2_b,
              head_W, head_b):
    return _forward(x, edge_index, batch, edge_attr,
                    gine_W1, gine_b1, gine_W2, gine_b2, bn_g, bn_b,
                    vn_W1, vn_b1, vn_bn1_g, vn_bn1_b, vn_W2, vn_b2, vn_bn2_g, vn_bn2_b,
                    head_W, head_b)

if __name__ == "__main__":
    import jax
    _d = setup_inputs()
    print(jax.jit(kernel)(*tuple(_d.values())))

</pallas_src>

<mosaic_0001>
#map = affine_map<(d0, d1) -> (0, 0)>
#map1 = affine_map<(d0, d1) -> (0)>
#map2 = affine_map<(d0, d1) -> (0, 0, 0)>
module attributes {stable_mosaic.version = 14 : i64} {
  func.func @k(%arg0: i32, %arg1: i32, %arg2: memref<20000x128xf32, #tpu.memory_space<hbm>>, %arg3: memref<325632x128xf32, #tpu.memory_space<hbm>>, %arg4: memref<162816xi32, #tpu.memory_space<hbm>>, %arg5: memref<162816xi32, #tpu.memory_space<hbm>>, %arg6: memref<10112x128xf32, #tpu.memory_space<hbm>>, %arg7: memref<2x10000x128xf32, #tpu.memory_space<hbm>>, %arg8: memref<96xi32, #tpu.memory_space<vmem>>, %arg9: memref<96xi32, #tpu.memory_space<vmem>>, %arg10: memref<96xi32, #tpu.memory_space<vmem>>, %arg11: memref<96xi32, #tpu.memory_space<vmem>>, %arg12: memref<96xi32, #tpu.memory_space<vmem>>, %arg13: memref<96xi32, #tpu.memory_space<vmem>>, %arg14: memref<96x128xf32, #tpu.memory_space<vmem>>, %arg15: memref<96x128xf32, #tpu.memory_space<vmem>>, %arg16: memref<96x128xf32, #tpu.memory_space<vmem>>, %arg17: memref<96x128xf32, #tpu.memory_space<vmem>>, %arg18: memref<10112x128xf32, #tpu.memory_space<vmem_shared>>, %arg19: memref<!tpu.dma_semaphore, #tpu.memory_space<semaphore_mem>>, %arg20: memref<!tpu.dma_semaphore, #tpu.memory_space<semaphore_mem>>, %arg21: memref<!tpu.dma_semaphore, #tpu.memory_space<semaphore_mem>>, %arg22: memref<!tpu.dma_semaphore, #tpu.memory_space<semaphore_mem>>, %arg23: memref<!tpu.dma_semaphore, #tpu.memory_space<semaphore_mem>>, %arg24: memref<!tpu.dma_semaphore, #tpu.memory_space<semaphore_mem>>, %arg25: memref<!tpu.dma_semaphore, #tpu.memory_space<semaphore_mem>>, %arg26: memref<!tpu.dma_semaphore, #tpu.memory_space<semaphore_mem>>) attributes {dimension_semantics = [#tpu.dimension_semantics<core_parallel>, #tpu.dimension_semantics<subcore_parallel>], iteration_bounds = array<i64: 2, 16>, scalar_prefetch = 0 : i64, scratch_operands = 19 : i64, tpu.core_type = #tpu.core_type<sc_vector_subcore>, window_params = [{transform_indices = #map}, {transform_indices = #map}, {transform_indices = #map1}, {transform_indices = #map1}, {transform_indices = #map}, {transform_indices = #map2}]} {
    %mul3A = arith.constant 632 : i32
    %mul3A_0 = arith.muli %arg1, %mul3A : i32
    "tpu.region"() ({
      %run_scoped3A = tpu.sem_alloc : memref<!tpu.dma_semaphore, #tpu.memory_space<semaphore_mem>>
      %dma_start3A = arith.constant 0 : i32
      %dma_start3A_17 = tpu.memref_slice %arg18[%mul3A_0, %dma_start3A] : memref<10112x128xf32, #tpu.memory_space<vmem_shared>> -> memref<632x128xf32, #tpu.memory_space<vmem_shared>>
      %dma_start3A_18 = arith.constant 0 : i32
      %dma_start3A_19 = tpu.memref_slice %arg6[%mul3A_0, %dma_start3A_18] : memref<10112x128xf32, #tpu.memory_space<hbm>> -> memref<632x128xf32, #tpu.memory_space<hbm>>
      tpu.enqueue_dma source(%dma_start3A_19 : memref<632x128xf32, #tpu.memory_space<hbm>>) target(%dma_start3A_17 : memref<632x128xf32, #tpu.memory_space<vmem_shared>>) target_semaphore(%run_scoped3A : memref<!tpu.dma_semaphore, #tpu.memory_space<semaphore_mem>>)
      %dma_wait3A_20 = arith.constant 0 : i32
      %dma_wait3A_21 = tpu.memref_slice %arg18[%mul3A_0, %dma_wait3A_20] : memref<10112x128xf32, #tpu.memory_space<vmem_shared>> -> memref<632x128xf32, #tpu.memory_space<vmem_shared>>
      %dma_wait3A_22 = arith.constant 0 : i32
      %dma_wait3A_23 = tpu.memref_slice %arg6[%mul3A_0, %dma_wait3A_22] : memref<10112x128xf32, #tpu.memory_space<hbm>> -> memref<632x128xf32, #tpu.memory_space<hbm>>
      tpu.wait_dma2 semaphore(%run_scoped3A : memref<!tpu.dma_semaphore, #tpu.memory_space<semaphore_mem>>) src(%dma_wait3A_23 : memref<632x128xf32, #tpu.memory_space<hbm>>) dst(%dma_wait3A_21 : memref<632x128xf32, #tpu.memory_space<vmem_shared>>)
      tpu.yield
    }) : () -> ()
    %barrier3A = arith.constant 0 : index
    tpu.barrier barrier_id(%barrier3A)
    %scan3A = arith.constant 0 : i32
    %scan3A_1 = arith.constant 53 : i32
    %scan3A_2 = arith.addi %scan3A, %scan3A_1 : i32
    %scan3A_3 = arith.constant 1 : i32
    scf.for %scan3A_17 = %scan3A to %scan3A_2 step %scan3A_3  : i32 {
      %mul3A_18 = arith.constant 2 : i32
      %mul3A_19 = arith.muli %scan3A_17, %mul3A_18 : i32
      %add3A = arith.constant 0 : i32
      %add3A_20 = arith.addi %add3A, %mul3A_19 : i32
      %gt3A = arith.constant 0 : i32
      %gt3A_21 = arith.cmpi sgt, %add3A_20, %gt3A : i32
      %convert_element_type3A_22 = arith.extui %gt3A_21 : i1 to i32
      %cond3A_23 = arith.constant 0 : i32
      %cond3A_24 = arith.cmpi ne, %convert_element_type3A_22, %cond3A_23 : i32
      scf.if %cond3A_24 {
        %dma_wait3A_107 = arith.constant 0 : i32
        %dma_wait3A_108 = arith.constant 0 : i32
        %dma_wait3A_109 = tpu.memref_slice %arg18[%dma_wait3A_107, %dma_wait3A_108] : memref<10112x128xf32, #tpu.memory_space<vmem_shared>> -> memref<10112x128xf32, #tpu.memory_space<vmem_shared>>
        tpu.wait_indirect_dma semaphore(%arg25 : memref<!tpu.dma_semaphore, #tpu.memory_space<semaphore_mem>>) src(%arg14 : memref<96x128xf32, #tpu.memory_space<vmem>>) dst(%dma_wait3A_109 : memref<10112x128xf32, #tpu.memory_space<vmem_shared>>)
        %dma_wait3A_110 = arith.constant 0 : i32
        %dma_wait3A_111 = arith.constant 0 : i32
        %dma_wait3A_112 = tpu.memref_slice %arg18[%dma_wait3A_110, %dma_wait3A_111] : memref<10112x128xf32, #tpu.memory_space<vmem_shared>> -> memref<10112x128xf32, #tpu.memory_space<vmem_shared>>
        tpu.wait_indirect_dma semaphore(%arg26 : memref<!tpu.dma_semaphore, #tpu.memory_space<semaphore_mem>>) src(%arg15 : memref<96x128xf32, #tpu.memory_space<vmem>>) dst(%dma_wait3A_112 : memref<10112x128xf32, #tpu.memory_space<vmem_shared>>)
      } else {
      }
      %mul3A_25 = arith.constant 10176 : i32
      %mul3A_26 = arith.muli %arg1, %mul3A_25 : i32
      %mul3A_27 = arith.constant 96 : i32
      %mul3A_28 = arith.muli %add3A_20, %mul3A_27 : i32
      %add3A_29 = arith.addi %mul3A_26, %mul3A_28 : i32
      %add3A_30 = arith.constant 96 : i32
      %add3A_31 = arith.addi %add3A_29, %add3A_30 : i32
      %dma_start3A = tpu.memref_slice %arg4[%add3A_29] : memref<162816xi32, #tpu.memory_space<hbm>> -> memref<96xi32, #tpu.memory_space<hbm>>
      %dma_start3A_32 = tpu.memref_slice %arg4[%add3A_29] : memref<162816xi32, #tpu.memory_space<hbm>> -> memref<96xi32, #tpu.memory_space<hbm>>
      tpu.enqueue_dma source(%dma_start3A_32 : memref<96xi32, #tpu.memory_space<hbm>>) target(%arg8 : memref<96xi32, #tpu.memory_space<vmem>>) target_semaphore(%arg19 : memref<!tpu.dma_semaphore, #tpu.memory_space<semaphore_mem>>)
      %dma_start3A_33 = tpu.memref_slice %arg5[%add3A_29] : memref<162816xi32, #tpu.memory_space<hbm>> -> memref<96xi32, #tpu.memory_space<hbm>>
      %dma_start3A_34 = tpu.memref_slice %arg5[%add3A_29] : memref<162816xi32, #tpu.memory_space<hbm>> -> memref<96xi32, #tpu.memory_space<hbm>>
      tpu.enqueue_dma source(%dma_start3A_34 : memref<96xi32, #tpu.memory_space<hbm>>) target(%arg10 : memref<96xi32, #tpu.memory_space<vmem>>) target_semaphore(%arg19 : memref<!tpu.dma_semaphore, #tpu.memory_space<semaphore_mem>>)
      %dma_start3A_35 = tpu.memref_slice %arg4[%add3A_31] : memref<162816xi32, #tpu.memory_space<hbm>> -> memref<96xi32, #tpu.memory_space<hbm>>
      %dma_start3A_36 = tpu.memref_slice %arg4[%add3A_31] : memref<162816xi32, #tpu.memory_space<hbm>> -> memref<96xi32, #tpu.memory_space<hbm>>
      tpu.enqueue_dma source(%dma_start3A_36 : memref<96xi32, #tpu.memory_space<hbm>>) target(%arg9 : memref<96xi32, #tpu.memory_space<vmem>>) target_semaphore(%arg20 : memref<!tpu.dma_semaphore, #tpu.memory_space<semaphore_mem>>)
      %dma_start3A_37 = tpu.memref_slice %arg5[%add3A_31] : memref<162816xi32, #tpu.memory_space<hbm>> -> memref<96xi32, #tpu.memory_space<hbm>>
      %dma_start3A_38 = tpu.memref_slice %arg5[%add3A_31] : memref<162816xi32, #tpu.memory_space<hbm>> -> memref<96xi32, #tpu.memory_space<hbm>>
      tpu.enqueue_dma source(%dma_start3A_38 : memref<96xi32, #tpu.memory_space<hbm>>) target(%arg11 : memref<96xi32, #tpu.memory_space<vmem>>) target_semaphore(%arg20 : memref<!tpu.dma_semaphore, #tpu.memory_space<semaphore_mem>>)
      %dma_wait3A_39 = tpu.memref_slice %arg4[%add3A_29] : memref<162816xi32, #tpu.memory_space<hbm>> -> memref<96xi32, #tpu.memory_space<hbm>>
      %dma_wait3A_40 = tpu.memref_slice %arg4[%add3A_29] : memref<162816xi32, #tpu.memory_space<hbm>> -> memref<96xi32, #tpu.memory_space<hbm>>
      tpu.wait_dma2 semaphore(%arg19 : memref<!tpu.dma_semaphore, #tpu.memory_space<semaphore_mem>>) src(%dma_wait3A_40 : memref<96xi32, #tpu.memory_space<hbm>>) dst(%arg8 : memref<96xi32, #tpu.memory_space<vmem>>)
      %dma_wait3A_41 = tpu.memref_slice %arg5[%add3A_29] : memref<162816xi32, #tpu.memory_space<hbm>> -> memref<96xi32, #tpu.memory_space<hbm>>
      %dma_wait3A_42 = tpu.memref_slice %arg5[%add3A_29] : memref<162816xi32, #tpu.memory_space<hbm>> -> memref<96xi32, #tpu.memory_space<hbm>>
      tpu.wait_dma2 semaphore(%arg19 : memref<!tpu.dma_semaphore, #tpu.memory_space<semaphore_mem>>) src(%dma_wait3A_42 : memref<96xi32, #tpu.memory_space<hbm>>) dst(%arg10 : memref<96xi32, #tpu.memory_space<vmem>>)
      %scan3A_43 = arith.constant 0 : i32
      %scan3A_44 = arith.constant 6 : i32
      %scan3A_45 = arith.addi %scan3A_43, %scan3A_44 : i32
      %scan3A_46 = arith.constant 1 : i32
      scf.for %scan3A_107 = %scan3A_43 to %scan3A_45 step %scan3A_46  : i32 {
        %mul3A_108 = arith.constant 1 : i32
        %mul3A_109 = arith.muli %scan3A_107, %mul3A_108 : i32
        %add3A_110 = arith.constant 0 : i32
        %add3A_111 = arith.addi %add3A_110, %mul3A_109 : i32
        %mul3A_112 = arith.constant 16 : i32
        %mul3A_113 = arith.muli %add3A_111, %mul3A_112 : i32
        %get3A = arith.index_cast %mul3A_113 : i32 to index
        %get3A_114 = tpu.vector_load %arg8[%get3A] {strides = array<i32>} : memref<96xi32, #tpu.memory_space<vmem>>, vector<16xi32>,
        %get3A_115 = vector.shape_cast %get3A_114 : vector<16xi32> to vector<16xi32>
        %mul3A_116 = arith.constant 2 : i32
        %mul3A_117 = vector.broadcast %mul3A_116 : i32 to vector<16xi32>
        %mul3A_118 = arith.muli %get3A_115, %mul3A_117 : vector<16xi32>
        %add3A_119 = vector.broadcast %arg0 : i32 to vector<16xi32>
        %add3A_120 = arith.addi %mul3A_118, %add3A_119 : vector<16xi32>
        %swap3A = arith.index_cast %mul3A_113 : i32 to index
        %swap3A_121 = tpu.vector_load %arg12[%swap3A] {strides = array<i32>} : memref<96xi32, #tpu.memory_space<vmem>>, vector<16xi32>,
        %swap3A_122 = vector.shape_cast %swap3A_121 : vector<16xi32> to vector<16xi32>
        %swap3A_123 = vector.shape_cast %add3A_120 : vector<16xi32> to vector<16xi32>
        tpu.vector_store %arg12[%swap3A], %swap3A_123 {strides = array<i32>} : memref<96xi32, #tpu.memory_space<vmem>>, vector<16xi32>,
      }
      %scan3A_47 = arith.constant 6 : i32
      %dma_start3A_48 = arith.constant 0 : i32
      %dma_start3A_49 = arith.constant 0 : i32
      %dma_start3A_50 = tpu.memref_slice %arg2[%dma_start3A_48, %dma_start3A_49] : memref<20000x128xf32, #tpu.memory_space<hbm>> -> memref<20000x128xf32, #tpu.memory_space<hbm>>
      tpu.enqueue_indirect_dma source(%dma_start3A_50 : memref<20000x128xf32, #tpu.memory_space<hbm>>) target(%arg14 : memref<96x128xf32, #tpu.memory_space<vmem>>) offsets(%arg12 : memref<96xi32, #tpu.memory_space<vmem>>) semaphore(%arg21 : memref<!tpu.dma_semaphore, #tpu.memory_space<semaphore_mem>>)
      %mul3A_51 = arith.constant 162816 : i32
      %mul3A_52 = arith.muli %arg0, %mul3A_51 : i32
      %add3A_53 = arith.addi %mul3A_52, %add3A_29 : i32
      %dma_start3A_54 = arith.constant 0 : i32
      %dma_start3A_55 = tpu.memref_slice %arg3[%add3A_53, %dma_start3A_54] : memref<325632x128xf32, #tpu.memory_space<hbm>> -> memref<96x128xf32, #tpu.memory_space<hbm>>
      %dma_start3A_56 = arith.constant 0 : i32
      %dma_start3A_57 = tpu.memref_slice %arg3[%add3A_53, %dma_start3A_56] : memref<325632x128xf32, #tpu.memory_space<hbm>> -> memref<96x128xf32, #tpu.memory_space<hbm>>
      tpu.enqueue_dma source(%dma_start3A_57 : memref<96x128xf32, #tpu.memory_space<hbm>>) target(%arg16 : memref<96x128xf32, #tpu.memory_space<vmem>>) target_semaphore(%arg23 : memref<!tpu.dma_semaphore, #tpu.memory_space<semaphore_mem>>)
      %dma_wait3A_58 = tpu.memref_slice %arg4[%add3A_31] : memref<162816xi32, #tpu.memory_space<hbm>> -> memref<96xi32, #tpu.memory_space<hbm>>
      %dma_wait3A_59 = tpu.memref_slice %arg4[%add3A_31] : memref<162816xi32, #tpu.memory_space<hbm>> -> memref<96xi32, #tpu.memory_space<hbm>>
      tpu.wait_dma2 semaphore(%arg20 : memref<!tpu.dma_semaphore, #tpu.memory_space<semaphore_mem>>) src(%dma_wait3A_59 : memref<96xi32, #tpu.memory_space<hbm>>) dst(%arg9 : memref<96xi32, #tpu.memory_space<vmem>>)
      %dma_wait3A_60 = tpu.memref_slice %arg5[%add3A_31] : memref<162816xi32, #tpu.memory_space<hbm>> -> memref<96xi32, #tpu.memory_space<hbm>>
      %dma_wait3A_61 = tpu.memref_slice %arg5[%add3A_31] : memref<162816xi32, #tpu.memory_space<hbm>> -> memref<96xi32, #tpu.memory_space<hbm>>
      tpu.wait_dma2 semaphore(%arg20 : memref<!tpu.dma_semaphore, #tpu.memory_space<semaphore_mem>>) src(%dma_wait3A_61 : memref<96xi32, #tpu.memory_space<hbm>>) dst(%arg11 : memref<96xi32, #tpu.memory_space<vmem>>)
      %scan3A_62 = arith.constant 0 : i32
      %scan3A_63 = arith.constant 6 : i32
      %scan3A_64 = arith.addi %scan3A_62, %scan3A_63 : i32
      %scan3A_65 = arith.constant 1 : i32
      scf.for %scan3A_107 = %scan3A_62 to %scan3A_64 step %scan3A_65  : i32 {
        %mul3A_108 = arith.constant 1 : i32
        %mul3A_109 = arith.muli %scan3A_107, %mul3A_108 : i32
        %add3A_110 = arith.constant 0 : i32
        %add3A_111 = arith.addi %add3A_110, %mul3A_109 : i32
        %mul3A_112 = arith.constant 16 : i32
        %mul3A_113 = arith.muli %add3A_111, %mul3A_112 : i32
        %get3A = arith.index_cast %mul3A_113 : i32 to index
        %get3A_114 = tpu.vector_load %arg9[%get3A] {strides = array<i32>} : memref<96xi32, #tpu.memory_space<vmem>>, vector<16xi32>,
        %get3A_115 = vector.shape_cast %get3A_114 : vector<16xi32> to vector<16xi32>
        %mul3A_116 = arith.constant 2 : i32
        %mul3A_117 = vector.broadcast %mul3A_116 : i32 to vector<16xi32>
        %mul3A_118 = arith.muli %get3A_115, %mul3A_117 : vector<16xi32>
        %add3A_119 = vector.broadcast %arg0 : i32 to vector<16xi32>
        %add3A_120 = arith.addi %mul3A_118, %add3A_119 : vector<16xi32>
        %swap3A = arith.index_cast %mul3A_113 : i32 to index
        %swap3A_121 = tpu.vector_load %arg13[%swap3A] {strides = array<i32>} : memref<96xi32, #tpu.memory_space<vmem>>, vector<16xi32>,
        %swap3A_122 = vector.shape_cast %swap3A_121 : vector<16xi32> to vector<16xi32>
        %swap3A_123 = vector.shape_cast %add3A_120 : vector<16xi32> to vector<16xi32>
        tpu.vector_store %arg13[%swap3A], %swap3A_123 {strides = array<i32>} : memref<96xi32, #tpu.memory_space<vmem>>, vector<16xi32>,
      }
      %scan3A_66 = arith.constant 6 : i32
      %dma_start3A_67 = arith.constant 0 : i32
      %dma_start3A_68 = arith.constant 0 : i32
      %dma_start3A_69 = tpu.memref_slice %arg2[%dma_start3A_67, %dma_start3A_68] : memref<20000x128xf32, #tpu.memory_space<hbm>> -> memref<20000x128xf32, #tpu.memory_space<hbm>>
      tpu.enqueue_indirect_dma source(%dma_start3A_69 : memref<20000x128xf32, #tpu.memory_space<hbm>>) target(%arg15 : memref<96x128xf32, #tpu.memory_space<vmem>>) offsets(%arg13 : memref<96xi32, #tpu.memory_space<vmem>>) semaphore(%arg22 : memref<!tpu.dma_semaphore, #tpu.memory_space<semaphore_mem>>)
      %mul3A_70 = arith.constant 162816 : i32
      %mul3A_71 = arith.muli %arg0, %mul3A_70 : i32
      %add3A_72 = arith.addi %mul3A_71, %add3A_31 : i32
      %dma_start3A_73 = arith.constant 0 : i32
      %dma_start3A_74 = tpu.memref_slice %arg3[%add3A_72, %dma_start3A_73] : memref<325632x128xf32, #tpu.memory_space<hbm>> -> memref<96x128xf32, #tpu.memory_space<hbm>>
      %dma_start3A_75 = arith.constant 0 : i32
      %dma_start3A_76 = tpu.memref_slice %arg3[%add3A_72, %dma_start3A_75] : memref<325632x128xf32, #tpu.memory_space<hbm>> -> memref<96x128xf32, #tpu.memory_space<hbm>>
      tpu.enqueue_dma source(%dma_start3A_76 : memref<96x128xf32, #tpu.memory_space<hbm>>) target(%arg17 : memref<96x128xf32, #tpu.memory_space<vmem>>) target_semaphore(%arg24 : memref<!tpu.dma_semaphore, #tpu.memory_space<semaphore_mem>>)
      %dma_wait3A_77 = arith.constant 0 : i32
      %dma_wait3A_78 = arith.constant 0 : i32
      %dma_wait3A_79 = tpu.memref_slice %arg2[%dma_wait3A_77, %dma_wait3A_78] : memref<20000x128xf32, #tpu.memory_space<hbm>> -> memref<20000x128xf32, #tpu.memory_space<hbm>>
      tpu.wait_indirect_dma semaphore(%arg21 : memref<!tpu.dma_semaphore, #tpu.memory_space<semaphore_mem>>) src(%dma_wait3A_79 : memref<20000x128xf32, #tpu.memory_space<hbm>>) dst(%arg14 : memref<96x128xf32, #tpu.memory_space<vmem>>)
      %dma_wait3A_80 = arith.constant 0 : i32
      %dma_wait3A_81 = tpu.memref_slice %arg3[%add3A_53, %dma_wait3A_80] : memref<325632x128xf32, #tpu.memory_space<hbm>> -> memref<96x128xf32, #tpu.memory_space<hbm>>
      %dma_wait3A_82 = arith.constant 0 : i32
      %dma_wait3A_83 = tpu.memref_slice %arg3[%add3A_53, %dma_wait3A_82] : memref<325632x128xf32, #tpu.memory_space<hbm>> -> memref<96x128xf32, #tpu.memory_space<hbm>>
      tpu.wait_dma2 semaphore(%arg23 : memref<!tpu.dma_semaphore, #tpu.memory_space<semaphore_mem>>) src(%dma_wait3A_83 : memref<96x128xf32, #tpu.memory_space<hbm>>) dst(%arg16 : memref<96x128xf32, #tpu.memory_space<vmem>>)
      %scan3A_84 = arith.constant 0 : i32
      %scan3A_85 = arith.constant 96 : i32
      %scan3A_86 = arith.addi %scan3A_84, %scan3A_85 : i32
      %scan3A_87 = arith.constant 1 : i32
      scf.for %scan3A_107 = %scan3A_84 to %scan3A_86 step %scan3A_87  : i32 {
        %mul3A_108 = arith.constant 1 : i32
        %mul3A_109 = arith.muli %scan3A_107, %mul3A_108 : i32
        %add3A_110 = arith.constant 0 : i32
        %add3A_111 = arith.addi %add3A_110, %mul3A_109 : i32
        %get3A = arith.index_cast %add3A_111 : i32 to index
        %get3A_112 = arith.constant 0 : index
        %get3A_113 = tpu.vector_load %arg14[%get3A, %get3A_112] {strides = array<i32>} : memref<96x128xf32, #tpu.memory_space<vmem>>, vector<1x16xf32>,
        %get3A_114 = vector.shape_cast %get3A_113 : vector<1x16xf32> to vector<16xf32>
        %get3A_115 = arith.index_cast %add3A_111 : i32 to index
        %get3A_116 = arith.constant 0 : index
        %get3A_117 = tpu.vector_load %arg16[%get3A_115, %get3A_116] {strides = array<i32>} : memref<96x128xf32, #tpu.memory_space<vmem>>, vector<1x16xf32>,
        %get3A_118 = vector.shape_cast %get3A_117 : vector<1x16xf32> to vector<16xf32>
        %add3A_119 = arith.addf %get3A_114, %get3A_118 : vector<16xf32>
        %max3A = arith.constant 0.000000e+00 : f32
        %max3A_120 = vector.broadcast %max3A : f32 to vector<16xf32>
        %max3A_121 = arith.maximumf %add3A_119, %max3A_120 : vector<16xf32>
        %swap3A = arith.index_cast %add3A_111 : i32 to index
        %swap3A_122 = arith.constant 0 : index
        %swap3A_123 = tpu.vector_load %arg14[%swap3A, %swap3A_122] {strides = array<i32>} : memref<96x128xf32, #tpu.memory_space<vmem>>, vector<1x16xf32>,
        %swap3A_124 = vector.shape_cast %swap3A_123 : vector<1x16xf32> to vector<16xf32>
        %swap3A_125 = vector.shape_cast %max3A_121 : vector<16xf32> to vector<1x16xf32>
        tpu.vector_store %arg14[%swap3A, %swap3A_122], %swap3A_125 {strides = array<i32>} : memref<96x128xf32, #tpu.memory_space<vmem>>, vector<1x16xf32>,
        %get3A_126 = arith.index_cast %add3A_111 : i32 to index
        %get3A_127 = arith.constant 16 : index
        %get3A_128 = tpu.vector_load %arg14[%get3A_126, %get3A_127] {strides = array<i32>} : memref<96x128xf32, #tpu.memory_space<vmem>>, vector<1x16xf32>,
        %get3A_129 = vector.shape_cast %get3A_128 : vector<1x16xf32> to vector<16xf32>
        %get3A_130 = arith.index_cast %add3A_111 : i32 to index
        %get3A_131 = arith.constant 16 : index
        %get3A_132 = tpu.vector_load %arg16[%get3A_130, %get3A_131] {strides = array<i32>} : memref<96x128xf32, #tpu.memory_space<vmem>>, vector<1x16xf32>,
        %get3A_133 = vector.shape_cast %get3A_132 : vector<1x16xf32> to vector<16xf32>
        %add3A_134 = arith.addf %get3A_129, %get3A_133 : vector<16xf32>
        %max3A_135 = arith.constant 0.000000e+00 : f32
        %max3A_136 = vector.broadcast %max3A_135 : f32 to vector<16xf32>
        %max3A_137 = arith.maximumf %add3A_134, %max3A_136 : vector<16xf32>
        %swap3A_138 = arith.index_cast %add3A_111 : i32 to index
        %swap3A_139 = arith.constant 16 : index
        %swap3A_140 = tpu.vector_load %arg14[%swap3A_138, %swap3A_139] {strides = array<i32>} : memref<96x128xf32, #tpu.memory_space<vmem>>, vector<1x16xf32>,
        %swap3A_141 = vector.shape_cast %swap3A_140 : vector<1x16xf32> to vector<16xf32>
        %swap3A_142 = vector.shape_cast %max3A_137 : vector<16xf32> to vector<1x16xf32>
        tpu.vector_store %arg14[%swap3A_138, %swap3A_139], %swap3A_142 {strides = array<i32>} : memref<96x128xf32, #tpu.memory_space<vmem>>, vector<1x16xf32>,
        %get3A_143 = arith.index_cast %add3A_111 : i32 to index
        %get3A_144 = arith.constant 32 : index
        %get3A_145 = tpu.vector_load %arg14[%get3A_143, %get3A_144] {strides = array<i32>} : memref<96x128xf32, #tpu.memory_space<vmem>>, vector<1x16xf32>,
        %get3A_146 = vector.shape_cast %get3A_145 : vector<1x16xf32> to vector<16xf32>
        %get3A_147 = arith.index_cast %add3A_111 : i32 to index
        %get3A_148 = arith.constant 32 : index
        %get3A_149 = tpu.vector_load %arg16[%get3A_147, %get3A_148] {strides = array<i32>} : memref<96x128xf32, #tpu.memory_space<vmem>>, vector<1x16xf32>,
        %get3A_150 = vector.shape_cast %get3A_149 : vector<1x16xf32> to vector<16xf32>
        %add3A_151 = arith.addf %get3A_146, %get3A_150 : vector<16xf32>
        %max3A_152 = arith.constant 0.000000e+00 : f32
        %max3A_153 = vector.broadcast %max3A_152 : f32 to vector<16xf32>
        %max3A_154 = arith.maximumf %add3A_151, %max3A_153 : vector<16xf32>
        %swap3A_155 = arith.index_cast %add3A_111 : i32 to index
        %swap3A_156 = arith.constant 32 : index
        %swap3A_157 = tpu.vector_load %arg14[%swap3A_155, %swap3A_156] {strides = array<i32>} : memref<96x128xf32, #tpu.memory_space<vmem>>, vector<1x16xf32>,
        %swap3A_158 = vector.shape_cast %swap3A_157 : vector<1x16xf32> to vector<16xf32>
        %swap3A_159 = vector.shape_cast %max3A_154 : vector<16xf32> to vector<1x16xf32>
        tpu.vector_store %arg14[%swap3A_155, %swap3A_156], %swap3A_159 {strides = array<i32>} : memref<96x128xf32, #tpu.memory_space<vmem>>, vector<1x16xf32>,
        %get3A_160 = arith.index_cast %add3A_111 : i32 to index
        %get3A_161 = arith.constant 48 : index
        %get3A_162 = tpu.vector_load %arg14[%get3A_160, %get3A_161] {strides = array<i32>} : memref<96x128xf32, #tpu.memory_space<vmem>>, vector<1x16xf32>,
        %get3A_163 = vector.shape_cast %get3A_162 : vector<1x16xf32> to vector<16xf32>
        %get3A_164 = arith.index_cast %add3A_111 : i32 to index
        %get3A_165 = arith.constant 48 : index
        %get3A_166 = tpu.vector_load %arg16[%get3A_164, %get3A_165] {strides = array<i32>} : memref<96x128xf32, #tpu.memory_space<vmem>>, vector<1x16xf32>,
        %get3A_167 = vector.shape_cast %get3A_166 : vector<1x16xf32> to vector<16xf32>
        %add3A_168 = arith.addf %get3A_163, %get3A_167 : vector<16xf32>
        %max3A_169 = arith.constant 0.000000e+00 : f32
        %max3A_170 = vector.broadcast %max3A_169 : f32 to vector<16xf32>
        %max3A_171 = arith.maximumf %add3A_168, %max3A_170 : vector<16xf32>
        %swap3A_172 = arith.index_cast %add3A_111 : i32 to index
        %swap3A_173 = arith.constant 48 : index
        %swap3A_174 = tpu.vector_load %arg14[%swap3A_172, %swap3A_173] {strides = array<i32>} : memref<96x128xf32, #tpu.memory_space<vmem>>, vector<1x16xf32>,
        %swap3A_175 = vector.shape_cast %swap3A_174 : vector<1x16xf32> to vector<16xf32>
        %swap3A_176 = vector.shape_cast %max3A_171 : vector<16xf32> to vector<1x16xf32>
        tpu.vector_store %arg14[%swap3A_172, %swap3A_173], %swap3A_176 {strides = array<i32>} : memref<96x128xf32, #tpu.memory_space<vmem>>, vector<1x16xf32>,
        %get3A_177 = arith.index_cast %add3A_111 : i32 to index
        %get3A_178 = arith.constant 64 : index
        %get3A_179 = tpu.vector_load %arg14[%get3A_177, %get3A_178] {strides = array<i32>} : memref<96x128xf32, #tpu.memory_space<vmem>>, vector<1x16xf32>,
        %get3A_180 = vector.shape_cast %get3A_179 : vector<1x16xf32> to vector<16xf32>
        %get3A_181 = arith.index_cast %add3A_111 : i32 to index
        %get3A_182 = arith.constant 64 : index
        %get3A_183 = tpu.vector_load %arg16[%get3A_181, %get3A_182] {strides = array<i32>} : memref<96x128xf32, #tpu.memory_space<vmem>>, vector<1x16xf32>,
        %get3A_184 = vector.shape_cast %get3A_183 : vector<1x16xf32> to vector<16xf32>
        %add3A_185 = arith.addf %get3A_180, %get3A_184 : vector<16xf32>
        %max3A_186 = arith.constant 0.000000e+00 : f32
        %max3A_187 = vector.broadcast %max3A_186 : f32 to vector<16xf32>
        %max3A_188 = arith.maximumf %add3A_185, %max3A_187 : vector<16xf32>
        %swap3A_189 = arith.index_cast %add3A_111 : i32 to index
        %swap3A_190 = arith.constant 64 : index
        %swap3A_191 = tpu.vector_load %arg14[%swap3A_189, %swap3A_190] {strides = array<i32>} : memref<96x128xf32, #tpu.memory_space<vmem>>, vector<1x16xf32>,
        %swap3A_192 = vector.shape_cast %swap3A_191 : vector<1x16xf32> to vector<16xf32>
        %swap3A_193 = vector.shape_cast %max3A_188 : vector<16xf32> to vector<1x16xf32>
        tpu.vector_store %arg14[%swap3A_189, %swap3A_190], %swap3A_193 {strides = array<i32>} : memref<96x128xf32, #tpu.memory_space<vmem>>, vector<1x16xf32>,
        %get3A_194 = arith.index_cast %add3A_111 : i32 to index
        %get3A_195 = arith.constant 80 : index
        %get3A_196 = tpu.vector_load %arg14[%get3A_194, %get3A_195] {strides = array<i32>} : memref<96x128xf32, #tpu.memory_space<vmem>>, vector<1x16xf32>,
        %get3A_197 = vector.shape_cast %get3A_196 : vector<1x16xf32> to vector<16xf32>
        %get3A_198 = arith.index_cast %add3A_111 : i32 to index
        %get3A_199 = arith.constant 80 : index
        %get3A_200 = tpu.vector_load %arg16[%get3A_198, %get3A_199] {strides = array<i32>} : memref<96x128xf32, #tpu.memory_space<vmem>>, vector<1x16xf32>,
        %get3A_201 = vector.shape_cast %get3A_200 : vector<1x16xf32> to vector<16xf32>
        %add3A_202 = arith.addf %get3A_197, %get3A_201 : vector<16xf32>
        %max3A_203 = arith.constant 0.000000e+00 : f32
        %max3A_204 = vector.broadcast %max3A_203 : f32 to vector<16xf32>
        %max3A_205 = arith.maximumf %add3A_202, %max3A_204 : vector<16xf32>
        %swap3A_206 = arith.index_cast %add3A_111 : i32 to index
        %swap3A_207 = arith.constant 80 : index
        %swap3A_208 = tpu.vector_load %arg14[%swap3A_206, %swap3A_207] {strides = array<i32>} : memref<96x128xf32, #tpu.memory_space<vmem>>, vector<1x16xf32>,
        %swap3A_209 = vector.shape_cast %swap3A_208 : vector<1x16xf32> to vector<16xf32>
        %swap3A_210 = vector.shape_cast %max3A_205 : vector<16xf32> to vector<1x16xf32>
        tpu.vector_store %arg14[%swap3A_206, %swap3A_207], %swap3A_210 {strides = array<i32>} : memref<96x128xf32, #tpu.memory_space<vmem>>, vector<1x16xf32>,
        %get3A_211 = arith.index_cast %add3A_111 : i32 to index
        %get3A_212 = arith.constant 96 : index
        %get3A_213 = tpu.vector_load %arg14[%get3A_211, %get3A_212] {strides = array<i32>} : memref<96x128xf32, #tpu.memory_space<vmem>>, vector<1x16xf32>,
        %get3A_214 = vector.shape_cast %get3A_213 : vector<1x16xf32> to vector<16xf32>
        %get3A_215 = arith.index_cast %add3A_111 : i32 to index
        %get3A_216 = arith.constant 96 : index
        %get3A_217 = tpu.vector_load %arg16[%get3A_215, %get3A_216] {strides = array<i32>} : memref<96x128xf32, #tpu.memory_space<vmem>>, vector<1x16xf32>,
        %get3A_218 = vector.shape_cast %get3A_217 : vector<1x16xf32> to vector<16xf32>
        %add3A_219 = arith.addf %get3A_214, %get3A_218 : vector<16xf32>
        %max3A_220 = arith.constant 0.000000e+00 : f32
        %max3A_221 = vector.broadcast %max3A_220 : f32 to vector<16xf32>
        %max3A_222 = arith.maximumf %add3A_219, %max3A_221 : vector<16xf32>
        %swap3A_223 = arith.index_cast %add3A_111 : i32 to index
        %swap3A_224 = arith.constant 96 : index
        %swap3A_225 = tpu.vector_load %arg14[%swap3A_223, %swap3A_224] {strides = array<i32>} : memref<96x128xf32, #tpu.memory_space<vmem>>, vector<1x16xf32>,
        %swap3A_226 = vector.shape_cast %swap3A_225 : vector<1x16xf32> to vector<16xf32>
        %swap3A_227 = vector.shape_cast %max3A_222 : vector<16xf32> to vector<1x16xf32>
        tpu.vector_store %arg14[%swap3A_223, %swap3A_224], %swap3A_227 {strides = array<i32>} : memref<96x128xf32, #tpu.memory_space<vmem>>, vector<1x16xf32>,
        %get3A_228 = arith.index_cast %add3A_111 : i32 to index
        %get3A_229 = arith.constant 112 : index
        %get3A_230 = tpu.vector_load %arg14[%get3A_228, %get3A_229] {strides = array<i32>} : memref<96x128xf32, #tpu.memory_space<vmem>>, vector<1x16xf32>,
        %get3A_231 = vector.shape_cast %get3A_230 : vector<1x16xf32> to vector<16xf32>
        %get3A_232 = arith.index_cast %add3A_111 : i32 to index
        %get3A_233 = arith.constant 112 : index
        %get3A_234 = tpu.vector_load %arg16[%get3A_232, %get3A_233] {strides = array<i32>} : memref<96x128xf32, #tpu.memory_space<vmem>>, vector<1x16xf32>,
        %get3A_235 = vector.shape_cast %get3A_234 : vector<1x16xf32> to vector<16xf32>
        %add3A_236 = arith.addf %get3A_231, %get3A_235 : vector<16xf32>
        %max3A_237 = arith.constant 0.000000e+00 : f32
        %max3A_238 = vector.broadcast %max3A_237 : f32 to vector<16xf32>
        %max3A_239 = arith.maximumf %add3A_236, %max3A_238 : vector<16xf32>
        %swap3A_240 = arith.index_cast %add3A_111 : i32 to index
        %swap3A_241 = arith.constant 112 : index
        %swap3A_242 = tpu.vector_load %arg14[%swap3A_240, %swap3A_241] {strides = array<i32>} : memref<96x128xf32, #tpu.memory_space<vmem>>, vector<1x16xf32>,
        %swap3A_243 = vector.shape_cast %swap3A_242 : vector<1x16xf32> to vector<16xf32>
        %swap3A_244 = vector.shape_cast %max3A_239 : vector<16xf32> to vector<1x16xf32>
        tpu.vector_store %arg14[%swap3A_240, %swap3A_241], %swap3A_244 {strides = array<i32>} : memref<96x128xf32, #tpu.memory_space<vmem>>, vector<1x16xf32>,
      }
      %scan3A_88 = arith.constant 96 : i32
      %dma_start3A_89 = arith.constant 0 : i32
      %dma_start3A_90 = arith.constant 0 : i32
      %dma_start3A_91 = tpu.memref_slice %arg18[%dma_start3A_89, %dma_start3A_90] : memref<10112x128xf32, #tpu.memory_space<vmem_shared>> -> memref<10112x128xf32, #tpu.memory_space<vmem_shared>>
      tpu.enqueue_indirect_dma source(%arg14 : memref<96x128xf32, #tpu.memory_space<vmem>>) target(%dma_start3A_91 : memref<10112x128xf32, #tpu.memory_space<vmem_shared>>) offsets(%arg10 : memref<96xi32, #tpu.memory_space<vmem>>) semaphore(%arg25 : memref<!tpu.dma_semaphore, #tpu.memory_space<semaphore_mem>>) {add = true}
      %dma_wait3A_92 = arith.constant 0 : i32
      %dma_wait3A_93 = arith.constant 0 : i32
      %dma_wait3A_94 = tpu.memref_slice %arg2[%dma_wait3A_92, %dma_wait3A_93] : memref<20000x128xf32, #tpu.memory_space<hbm>> -> memref<20000x128xf32, #tpu.memory_space<hbm>>
      tpu.wait_indirect_dma semaphore(%arg22 : memref<!tpu.dma_semaphore, #tpu.memory_space<semaphore_mem>>) src(%dma_wait3A_94 : memref<20000x128xf32, #tpu.memory_space<hbm>>) dst(%arg15 : memref<96x128xf32, #tpu.memory_space<vmem>>)
      %dma_wait3A_95 = arith.constant 0 : i32
      %dma_wait3A_96 = tpu.memref_slice %arg3[%add3A_72, %dma_wait3A_95] : memref<325632x128xf32, #tpu.memory_space<hbm>> -> memref<96x128xf32, #tpu.memory_space<hbm>>
      %dma_wait3A_97 = arith.constant 0 : i32
      %dma_wait3A_98 = tpu.memref_slice %arg3[%add3A_72, %dma_wait3A_97] : memref<325632x128xf32, #tpu.memory_space<hbm>> -> memref<96x128xf32, #tpu.memory_space<hbm>>
      tpu.wait_dma2 semaphore(%arg24 : memref<!tpu.dma_semaphore, #tpu.memory_space<semaphore_mem>>) src(%dma_wait3A_98 : memref<96x128xf32, #tpu.memory_space<hbm>>) dst(%arg17 : memref<96x128xf32, #tpu.memory_space<vmem>>)
      %scan3A_99 = arith.constant 0 : i32
      %scan3A_100 = arith.constant 96 : i32
      %scan3A_101 = arith.addi %scan3A_99, %scan3A_100 : i32
      %scan3A_102 = arith.constant 1 : i32
      scf.for %scan3A_107 = %scan3A_99 to %scan3A_101 step %scan3A_102  : i32 {
        %mul3A_108 = arith.constant 1 : i32
        %mul3A_109 = arith.muli %scan3A_107, %mul3A_108 : i32
        %add3A_110 = arith.constant 0 : i32
        %add3A_111 = arith.addi %add3A_110, %mul3A_109 : i32
        %get3A = arith.index_cast %add3A_111 : i32 to index
        %get3A_112 = arith.constant 0 : index
        %get3A_113 = tpu.vector_load %arg15[%get3A, %get3A_112] {strides = array<i32>} : memref<96x128xf32, #tpu.memory_space<vmem>>, vector<1x16xf32>,
        %get3A_114 = vector.shape_cast %get3A_113 : vector<1x16xf32> to vector<16xf32>
        %get3A_115 = arith.index_cast %add3A_111 : i32 to index
        %get3A_116 = arith.constant 0 : index
        %get3A_117 = tpu.vector_load %arg17[%get3A_115, %get3A_116] {strides = array<i32>} : memref<96x128xf32, #tpu.memory_space<vmem>>, vector<1x16xf32>,
        %get3A_118 = vector.shape_cast %get3A_117 : vector<1x16xf32> to vector<16xf32>
        %add3A_119 = arith.addf %get3A_114, %get3A_118 : vector<16xf32>
        %max3A = arith.constant 0.000000e+00 : f32
        %max3A_120 = vector.broadcast %max3A : f32 to vector<16xf32>
        %max3A_121 = arith.maximumf %add3A_119, %max3A_120 : vector<16xf32>
        %swap3A = arith.index_cast %add3A_111 : i32 to index
        %swap3A_122 = arith.constant 0 : index
        %swap3A_123 = tpu.vector_load %arg15[%swap3A, %swap3A_122] {strides = array<i32>} : memref<96x128xf32, #tpu.memory_space<vmem>>, vector<1x16xf32>,
        %swap3A_124 = vector.shape_cast %swap3A_123 : vector<1x16xf32> to vector<16xf32>
        %swap3A_125 = vector.shape_cast %max3A_121 : vector<16xf32> to vector<1x16xf32>
        tpu.vector_store %arg15[%swap3A, %swap3A_122], %swap3A_125 {strides = array<i32>} : memref<96x128xf32, #tpu.memory_space<vmem>>, vector<1x16xf32>,
        %get3A_126 = arith.index_cast %add3A_111 : i32 to index
        %get3A_127 = arith.constant 16 : index
        %get3A_128 = tpu.vector_load %arg15[%get3A_126, %get3A_127] {strides = array<i32>} : memref<96x128xf32, #tpu.memory_space<vmem>>, vector<1x16xf32>,
        %get3A_129 = vector.shape_cast %get3A_128 : vector<1x16xf32> to vector<16xf32>
        %get3A_130 = arith.index_cast %add3A_111 : i32 to index
        %get3A_131 = arith.constant 16 : index
        %get3A_132 = tpu.vector_load %arg17[%get3A_130, %get3A_131] {strides = array<i32>} : memref<96x128xf32, #tpu.memory_space<vmem>>, vector<1x16xf32>,
        %get3A_133 = vector.shape_cast %get3A_132 : vector<1x16xf32> to vector<16xf32>
        %add3A_134 = arith.addf %get3A_129, %get3A_133 : vector<16xf32>
        %max3A_135 = arith.constant 0.000000e+00 : f32
        %max3A_136 = vector.broadcast %max3A_135 : f32 to vector<16xf32>
        %max3A_137 = arith.maximumf %add3A_134, %max3A_136 : vector<16xf32>
        %swap3A_138 = arith.index_cast %add3A_111 : i32 to index
        %swap3A_139 = arith.constant 16 : index
        %swap3A_140 = tpu.vector_load %arg15[%swap3A_138, %swap3A_139] {strides = array<i32>} : memref<96x128xf32, #tpu.memory_space<vmem>>, vector<1x16xf32>,
        %swap3A_141 = vector.shape_cast %swap3A_140 : vector<1x16xf32> to vector<16xf32>
        %swap3A_142 = vector.shape_cast %max3A_137 : vector<16xf32> to vector<1x16xf32>
        tpu.vector_store %arg15[%swap3A_138, %swap3A_139], %swap3A_142 {strides = array<i32>} : memref<96x128xf32, #tpu.memory_space<vmem>>, vector<1x16xf32>,
        %get3A_143 = arith.index_cast %add3A_111 : i32 to index
        %get3A_144 = arith.constant 32 : index
        %get3A_145 = tpu.vector_load %arg15[%get3A_143, %get3A_144] {strides = array<i32>} : memref<96x128xf32, #tpu.memory_space<vmem>>, vector<1x16xf32>,
        %get3A_146 = vector.shape_cast %get3A_145 : vector<1x16xf32> to vector<16xf32>
        %get3A_147 = arith.index_cast %add3A_111 : i32 to index
        %get3A_148 = arith.constant 32 : index
        %get3A_149 = tpu.vector_load %arg17[%get3A_147, %get3A_148] {strides = array<i32>} : memref<96x128xf32, #tpu.memory_space<vmem>>, vector<1x16xf32>,
        %get3A_150 = vector.shape_cast %get3A_149 : vector<1x16xf32> to vector<16xf32>
        %add3A_151 = arith.addf %get3A_146, %get3A_150 : vector<16xf32>
        %max3A_152 = arith.constant 0.000000e+00 : f32
        %max3A_153 = vector.broadcast %max3A_152 : f32 to vector<16xf32>
        %max3A_154 = arith.maximumf %add3A_151, %max3A_153 : vector<16xf32>
        %swap3A_155 = arith.index_cast %add3A_111 : i32 to index
        %swap3A_156 = arith.constant 32 : index
        %swap3A_157 = tpu.vector_load %arg15[%swap3A_155, %swap3A_156] {strides = array<i32>} : memref<96x128xf32, #tpu.memory_space<vmem>>, vector<1x16xf32>,
        %swap3A_158 = vector.shape_cast %swap3A_157 : vector<1x16xf32> to vector<16xf32>
        %swap3A_159 = vector.shape_cast %max3A_154 : vector<16xf32> to vector<1x16xf32>
        tpu.vector_store %arg15[%swap3A_155, %swap3A_156], %swap3A_159 {strides = array<i32>} : memref<96x128xf32, #tpu.memory_space<vmem>>, vector<1x16xf32>,
        %get3A_160 = arith.index_cast %add3A_111 : i32 to index
        %get3A_161 = arith.constant 48 : index
        %get3A_162 = tpu.vector_load %arg15[%get3A_160, %get3A_161] {strides = array<i32>} : memref<96x128xf32, #tpu.memory_space<vmem>>, vector<1x16xf32>,
        %get3A_163 = vector.shape_cast %get3A_162 : vector<1x16xf32> to vector<16xf32>
        %get3A_164 = arith.index_cast %add3A_111 : i32 to index
        %get3A_165 = arith.constant 48 : index
        %get3A_166 = tpu.vector_load %arg17[%get3A_164, %get3A_165] {strides = array<i32>} : memref<96x128xf32, #tpu.memory_space<vmem>>, vector<1x16xf32>,
        %get3A_167 = vector.shape_cast %get3A_166 : vector<1x16xf32> to vector<16xf32>
        %add3A_168 = arith.addf %get3A_163, %get3A_167 : vector<16xf32>
        %max3A_169 = arith.constant 0.000000e+00 : f32
        %max3A_170 = vector.broadcast %max3A_169 : f32 to vector<16xf32>
        %max3A_171 = arith.maximumf %add3A_168, %max3A_170 : vector<16xf32>
        %swap3A_172 = arith.index_cast %add3A_111 : i32 to index
        %swap3A_173 = arith.constant 48 : index
        %swap3A_174 = tpu.vector_load %arg15[%swap3A_172, %swap3A_173] {strides = array<i32>} : memref<96x128xf32, #tpu.memory_space<vmem>>, vector<1x16xf32>,
        %swap3A_175 = vector.shape_cast %swap3A_174 : vector<1x16xf32> to vector<16xf32>
        %swap3A_176 = vector.shape_cast %max3A_171 : vector<16xf32> to vector<1x16xf32>
        tpu.vector_store %arg15[%swap3A_172, %swap3A_173], %swap3A_176 {strides = array<i32>} : memref<96x128xf32, #tpu.memory_space<vmem>>, vector<1x16xf32>,
        %get3A_177 = arith.index_cast %add3A_111 : i32 to index
        %get3A_178 = arith.constant 64 : index
        %get3A_179 = tpu.vector_load %arg15[%get3A_177, %get3A_178] {strides = array<i32>} : memref<96x128xf32, #tpu.memory_space<vmem>>, vector<1x16xf32>,
        %get3A_180 = vector.shape_cast %get3A_179 : vector<1x16xf32> to vector<16xf32>
        %get3A_181 = arith.index_cast %add3A_111 : i32 to index
        %get3A_182 = arith.constant 64 : index
        %get3A_183 = tpu.vector_load %arg17[%get3A_181, %get3A_182] {strides = array<i32>} : memref<96x128xf32, #tpu.memory_space<vmem>>, vector<1x16xf32>,
        %get3A_184 = vector.shape_cast %get3A_183 : vector<1x16xf32> to vector<16xf32>
        %add3A_185 = arith.addf %get3A_180, %get3A_184 : vector<16xf32>
        %max3A_186 = arith.constant 0.000000e+00 : f32
        %max3A_187 = vector.broadcast %max3A_186 : f32 to vector<16xf32>
        %max3A_188 = arith.maximumf %add3A_185, %max3A_187 : vector<16xf32>
        %swap3A_189 = arith.index_cast %add3A_111 : i32 to index
        %swap3A_190 = arith.constant 64 : index
        %swap3A_191 = tpu.vector_load %arg15[%swap3A_189, %swap3A_190] {strides = array<i32>} : memref<96x128xf32, #tpu.memory_space<vmem>>, vector<1x16xf32>,
        %swap3A_192 = vector.shape_cast %swap3A_191 : vector<1x16xf32> to vector<16xf32>
        %swap3A_193 = vector.shape_cast %max3A_188 : vector<16xf32> to vector<1x16xf32>
        tpu.vector_store %arg15[%swap3A_189, %swap3A_190], %swap3A_193 {strides = array<i32>} : memref<96x128xf32, #tpu.memory_space<vmem>>, vector<1x16xf32>,
        %get3A_194 = arith.index_cast %add3A_111 : i32 to index
        %get3A_195 = arith.constant 80 : index
        %get3A_196 = tpu.vector_load %arg15[%get3A_194, %get3A_195] {strides = array<i32>} : memref<96x128xf32, #tpu.memory_space<vmem>>, vector<1x16xf32>,
        %get3A_197 = vector.shape_cast %get3A_196 : vector<1x16xf32> to vector<16xf32>
        %get3A_198 = arith.index_cast %add3A_111 : i32 to index
        %get3A_199 = arith.constant 80 : index
        %get3A_200 = tpu.vector_load %arg17[%get3A_198, %get3A_199] {strides = array<i32>} : memref<96x128xf32, #tpu.memory_space<vmem>>, vector<1x16xf32>,
        %get3A_201 = vector.shape_cast %get3A_200 : vector<1x16xf32> to vector<16xf32>
        %add3A_202 = arith.addf %get3A_197, %get3A_201 : vector<16xf32>
        %max3A_203 = arith.constant 0.000000e+00 : f32
        %max3A_204 = vector.broadcast %max3A_203 : f32 to vector<16xf32>
        %max3A_205 = arith.maximumf %add3A_202, %max3A_204 : vector<16xf32>
        %swap3A_206 = arith.index_cast %add3A_111 : i32 to index
        %swap3A_207 = arith.constant 80 : index
        %swap3A_208 = tpu.vector_load %arg15[%swap3A_206, %swap3A_207] {strides = array<i32>} : memref<96x128xf32, #tpu.memory_space<vmem>>, vector<1x16xf32>,
        %swap3A_209 = vector.shape_cast %swap3A_208 : vector<1x16xf32> to vector<16xf32>
        %swap3A_210 = vector.shape_cast %max3A_205 : vector<16xf32> to vector<1x16xf32>
        tpu.vector_store %arg15[%swap3A_206, %swap3A_207], %swap3A_210 {strides = array<i32>} : memref<96x128xf32, #tpu.memory_space<vmem>>, vector<1x16xf32>,
        %get3A_211 = arith.index_cast %add3A_111 : i32 to index
        %get3A_212 = arith.constant 96 : index
        %get3A_213 = tpu.vector_load %arg15[%get3A_211, %get3A_212] {strides = array<i32>} : memref<96x128xf32, #tpu.memory_space<vmem>>, vector<1x16xf32>,
        %get3A_214 = vector.shape_cast %get3A_213 : vector<1x16xf32> to vector<16xf32>
        %get3A_215 = arith.index_cast %add3A_111 : i32 to index
        %get3A_216 = arith.constant 96 : index
        %get3A_217 = tpu.vector_load %arg17[%get3A_215, %get3A_216] {strides = array<i32>} : memref<96x128xf32, #tpu.memory_space<vmem>>, vector<1x16xf32>,
        %get3A_218 = vector.shape_cast %get3A_217 : vector<1x16xf32> to vector<16xf32>
        %add3A_219 = arith.addf %get3A_214, %get3A_218 : vector<16xf32>
        %max3A_220 = arith.constant 0.000000e+00 : f32
        %max3A_221 = vector.broadcast %max3A_220 : f32 to vector<16xf32>
        %max3A_222 = arith.maximumf %add3A_219, %max3A_221 : vector<16xf32>
        %swap3A_223 = arith.index_cast %add3A_111 : i32 to index
        %swap3A_224 = arith.constant 96 : index
        %swap3A_225 = tpu.vector_load %arg15[%swap3A_223, %swap3A_224] {strides = array<i32>} : memref<96x128xf32, #tpu.memory_space<vmem>>, vector<1x16xf32>,
        %swap3A_226 = vector.shape_cast %swap3A_225 : vector<1x16xf32> to vector<16xf32>
        %swap3A_227 = vector.shape_cast %max3A_222 : vector<16xf32> to vector<1x16xf32>
        tpu.vector_store %arg15[%swap3A_223, %swap3A_224], %swap3A_227 {strides = array<i32>} : memref<96x128xf32, #tpu.memory_space<vmem>>, vector<1x16xf32>,
        %get3A_228 = arith.index_cast %add3A_111 : i32 to index
        %get3A_229 = arith.constant 112 : index
        %get3A_230 = tpu.vector_load %arg15[%get3A_228, %get3A_229] {strides = array<i32>} : memref<96x128xf32, #tpu.memory_space<vmem>>, vector<1x16xf32>,
        %get3A_231 = vector.shape_cast %get3A_230 : vector<1x16xf32> to vector<16xf32>
        %get3A_232 = arith.index_cast %add3A_111 : i32 to index
        %get3A_233 = arith.constant 112 : index
        %get3A_234 = tpu.vector_load %arg17[%get3A_232, %get3A_233] {strides = array<i32>} : memref<96x128xf32, #tpu.memory_space<vmem>>, vector<1x16xf32>,
        %get3A_235 = vector.shape_cast %get3A_234 : vector<1x16xf32> to vector<16xf32>
        %add3A_236 = arith.addf %get3A_231, %get3A_235 : vector<16xf32>
        %max3A_237 = arith.constant 0.000000e+00 : f32
        %max3A_238 = vector.broadcast %max3A_237 : f32 to vector<16xf32>
        %max3A_239 = arith.maximumf %add3A_236, %max3A_238 : vector<16xf32>
        %swap3A_240 = arith.index_cast %add3A_111 : i32 to index
        %swap3A_241 = arith.constant 112 : index
        %swap3A_242 = tpu.vector_load %arg15[%swap3A_240, %swap3A_241] {strides = array<i32>} : memref<96x128xf32, #tpu.memory_space<vmem>>, vector<1x16xf32>,
        %swap3A_243 = vector.shape_cast %swap3A_242 : vector<1x16xf32> to vector<16xf32>
        %swap3A_244 = vector.shape_cast %max3A_239 : vector<16xf32> to vector<1x16xf32>
        tpu.vector_store %arg15[%swap3A_240, %swap3A_241], %swap3A_244 {strides = array<i32>} : memref<96x128xf32, #tpu.memory_space<vmem>>, vector<1x16xf32>,
      }
      %scan3A_103 = arith.constant 96 : i32
      %dma_start3A_104 = arith.constant 0 : i32
      %dma_start3A_105 = arith.constant 0 : i32
      %dma_start3A_106 = tpu.memref_slice %arg18[%dma_start3A_104, %dma_start3A_105] : memref<10112x128xf32, #tpu.memory_space<vmem_shared>> -> memref<10112x128xf32, #tpu.memory_space<vmem_shared>>
      tpu.enqueue_indirect_dma source(%arg15 : memref<96x128xf32, #tpu.memory_space<vmem>>) target(%dma_start3A_106 : memref<10112x128xf32, #tpu.memory_space<vmem_shared>>) offsets(%arg11 : memref<96xi32, #tpu.memory_space<vmem>>) semaphore(%arg26 : memref<!tpu.dma_semaphore, #tpu.memory_space<semaphore_mem>>) {add = true}
    }
    %scan3A_4 = arith.constant 53 : i32
    %dma_wait3A = arith.constant 0 : i32
    %dma_wait3A_5 = arith.constant 0 : i32
    %dma_wait3A_6 = tpu.memref_slice %arg18[%dma_wait3A, %dma_wait3A_5] : memref<10112x128xf32, #tpu.memory_space<vmem_shared>> -> memref<10112x128xf32, #tpu.memory_space<vmem_shared>>
    tpu.wait_indirect_dma semaphore(%arg25 : memref<!tpu.dma_semaphore, #tpu.memory_space<semaphore_mem>>) src(%arg14 : memref<96x128xf32, #tpu.memory_space<vmem>>) dst(%dma_wait3A_6 : memref<10112x128xf32, #tpu.memory_space<vmem_shared>>)
    %dma_wait3A_7 = arith.constant 0 : i32
    %dma_wait3A_8 = arith.constant 0 : i32
    %dma_wait3A_9 = tpu.memref_slice %arg18[%dma_wait3A_7, %dma_wait3A_8] : memref<10112x128xf32, #tpu.memory_space<vmem_shared>> -> memref<10112x128xf32, #tpu.memory_space<vmem_shared>>
    tpu.wait_indirect_dma semaphore(%arg26 : memref<!tpu.dma_semaphore, #tpu.memory_space<semaphore_mem>>) src(%arg15 : memref<96x128xf32, #tpu.memory_space<vmem>>) dst(%dma_wait3A_9 : memref<10112x128xf32, #tpu.memory_space<vmem_shared>>)
    %barrier3A_10 = arith.constant 0 : index
    tpu.barrier barrier_id(%barrier3A_10)
    %lt3A = arith.constant 15 : i32
    %lt3A_11 = arith.cmpi slt, %arg1, %lt3A : i32
    %convert_element_type3A = arith.extui %lt3A_11 : i1 to i32
    %cond3A = arith.constant 0 : i32
    %cond3A_12 = arith.cmpi ne, %convert_element_type3A, %cond3A : i32
    scf.if %cond3A_12 {
      "tpu.region"() ({
        %run_scoped3A = tpu.sem_alloc : memref<!tpu.dma_semaphore, #tpu.memory_space<semaphore_mem>>
        %dma_start3A = arith.constant 0 : i32
        %dma_start3A_17 = tpu.memref_slice %arg7[%arg0, %mul3A_0, %dma_start3A] : memref<2x10000x128xf32, #tpu.memory_space<hbm>> -> memref<1x632x128xf32, #tpu.memory_space<hbm>>
        %dma_start3A_18 = tpu.memref_squeeze %dma_start3A_17 : memref<1x632x128xf32, #tpu.memory_space<hbm>> -> memref<632x128xf32, #tpu.memory_space<hbm>>
        %dma_start3A_19 = arith.constant 0 : i32
        %dma_start3A_20 = tpu.memref_slice %arg18[%mul3A_0, %dma_start3A_19] : memref<10112x128xf32, #tpu.memory_space<vmem_shared>> -> memref<632x128xf32, #tpu.memory_space<vmem_shared>>
        tpu.enqueue_dma source(%dma_start3A_20 : memref<632x128xf32, #tpu.memory_space<vmem_shared>>) target(%dma_start3A_18 : memref<632x128xf32, #tpu.memory_space<hbm>>) target_semaphore(%run_scoped3A : memref<!tpu.dma_semaphore, #tpu.memory_space<semaphore_mem>>)
        %dma_wait3A_21 = arith.constant 0 : i32
        %dma_wait3A_22 = tpu.memref_slice %arg7[%arg0, %mul3A_0, %dma_wait3A_21] : memref<2x10000x128xf32, #tpu.memory_space<hbm>> -> memref<1x632x128xf32, #tpu.memory_space<hbm>>
        %dma_wait3A_23 = tpu.memref_squeeze %dma_wait3A_22 : memref<1x632x128xf32, #tpu.memory_space<hbm>> -> memref<632x128xf32, #tpu.memory_space<hbm>>
        %dma_wait3A_24 = arith.constant 0 : i32
        %dma_wait3A_25 = tpu.memref_slice %arg18[%mul3A_0, %dma_wait3A_24] : memref<10112x128xf32, #tpu.memory_space<vmem_shared>> -> memref<632x128xf32, #tpu.memory_space<vmem_shared>>
        tpu.wait_dma2 semaphore(%run_scoped3A : memref<!tpu.dma_semaphore, #tpu.memory_space<semaphore_mem>>) src(%dma_wait3A_25 : memref<632x128xf32, #tpu.memory_space<vmem_shared>>) dst(%dma_wait3A_23 : memref<632x128xf32, #tpu.memory_space<hbm>>)
        tpu.yield
      }) : () -> ()
    } else {
    }
    %eq3A = arith.constant 15 : i32
    %eq3A_13 = arith.cmpi eq, %arg1, %eq3A : i32
    %convert_element_type3A_14 = arith.extui %eq3A_13 : i1 to i32
    %cond3A_15 = arith.constant 0 : i32
    %cond3A_16 = arith.cmpi ne, %convert_element_type3A_14, %cond3A_15 : i32
    scf.if %cond3A_16 {
      "tpu.region"() ({
        %run_scoped3A = tpu.sem_alloc : memref<!tpu.dma_semaphore, #tpu.memory_space<semaphore_mem>>
        %dma_start3A = arith.constant 0 : i32
        %dma_start3A_17 = tpu.memref_slice %arg7[%arg0, %mul3A_0, %dma_start3A] : memref<2x10000x128xf32, #tpu.memory_space<hbm>> -> memref<1x520x128xf32, #tpu.memory_space<hbm>>
        %dma_start3A_18 = tpu.memref_squeeze %dma_start3A_17 : memref<1x520x128xf32, #tpu.memory_space<hbm>> -> memref<520x128xf32, #tpu.memory_space<hbm>>
        %dma_start3A_19 = arith.constant 0 : i32
        %dma_start3A_20 = tpu.memref_slice %arg18[%mul3A_0, %dma_start3A_19] : memref<10112x128xf32, #tpu.memory_space<vmem_shared>> -> memref<520x128xf32, #tpu.memory_space<vmem_shared>>
        tpu.enqueue_dma source(%dma_start3A_20 : memref<520x128xf32, #tpu.memory_space<vmem_shared>>) target(%dma_start3A_18 : memref<520x128xf32, #tpu.memory_space<hbm>>) target_semaphore(%run_scoped3A : memref<!tpu.dma_semaphore, #tpu.memory_space<semaphore_mem>>)
        %dma_wait3A_21 = arith.constant 0 : i32
        %dma_wait3A_22 = tpu.memref_slice %arg7[%arg0, %mul3A_0, %dma_wait3A_21] : memref<2x10000x128xf32, #tpu.memory_space<hbm>> -> memref<1x520x128xf32, #tpu.memory_space<hbm>>
        %dma_wait3A_23 = tpu.memref_squeeze %dma_wait3A_22 : memref<1x520x128xf32, #tpu.memory_space<hbm>> -> memref<520x128xf32, #tpu.memory_space<hbm>>
        %dma_wait3A_24 = arith.constant 0 : i32
        %dma_wait3A_25 = tpu.memref_slice %arg18[%mul3A_0, %dma_wait3A_24] : memref<10112x128xf32, #tpu.memory_space<vmem_shared>> -> memref<520x128xf32, #tpu.memory_space<vmem_shared>>
        tpu.wait_dma2 semaphore(%run_scoped3A : memref<!tpu.dma_semaphore, #tpu.memory_space<semaphore_mem>>) src(%dma_wait3A_25 : memref<520x128xf32, #tpu.memory_space<vmem_shared>>) dst(%dma_wait3A_23 : memref<520x128xf32, #tpu.memory_space<hbm>>)
        tpu.yield
      }) : () -> ()
    } else {
    }
    return
  }
}

#map = affine_map<(d0, d1) -> (0, 0)>
#map1 = affine_map<(d0, d1) -> (0)>
#map2 = affine_map<(d0, d1) -> (0, 0, 0)>
module attributes {stable_mosaic.version = 14 : i64} {
  func.func @k(%arg0: i32, %arg1: i32, %arg2: memref<20000x128xf32, #tpu.memory_space<hbm>>, %arg3: memref<325632x128xf32, #tpu.memory_space<hbm>>, %arg4: memref<162816xi32, #tpu.memory_space<hbm>>, %arg5: memref<162816xi32, #tpu.memory_space<hbm>>, %arg6: memref<10112x128xf32, #tpu.memory_space<hbm>>, %arg7: memref<2x10000x128xf32, #tpu.memory_space<hbm>>, %arg8: memref<96xi32, #tpu.memory_space<vmem>>, %arg9: memref<96xi32, #tpu.memory_space<vmem>>, %arg10: memref<96xi32, #tpu.memory_space<vmem>>, %arg11: memref<96xi32, #tpu.memory_space<vmem>>, %arg12: memref<96xi32, #tpu.memory_space<vmem>>, %arg13: memref<96xi32, #tpu.memory_space<vmem>>, %arg14: memref<96x128xf32, #tpu.memory_space<vmem>>, %arg15: memref<96x128xf32, #tpu.memory_space<vmem>>, %arg16: memref<96x128xf32, #tpu.memory_space<vmem>>, %arg17: memref<96x128xf32, #tpu.memory_space<vmem>>, %arg18: memref<10112x128xf32, #tpu.memory_space<vmem_shared>>, %arg19: memref<!tpu.dma_semaphore, #tpu.memory_space<semaphore_mem>>, %arg20: memref<!tpu.dma_semaphore, #tpu.memory_space<semaphore_mem>>, %arg21: memref<!tpu.dma_semaphore, #tpu.memory_space<semaphore_mem>>, %arg22: memref<!tpu.dma_semaphore, #tpu.memory_space<semaphore_mem>>, %arg23: memref<!tpu.dma_semaphore, #tpu.memory_space<semaphore_mem>>, %arg24: memref<!tpu.dma_semaphore, #tpu.memory_space<semaphore_mem>>, %arg25: memref<!tpu.dma_semaphore, #tpu.memory_space<semaphore_mem>>, %arg26: memref<!tpu.dma_semaphore, #tpu.memory_space<semaphore_mem>>) attributes {dimension_semantics = [#tpu.dimension_semantics<core_parallel>, #tpu.dimension_semantics<subcore_parallel>], iteration_bounds = array<i64: 2, 16>, scalar_prefetch = 0 : i64, scratch_operands = 19 : i64, tpu.core_type = #tpu.core_type<sc_vector_subcore>, window_params = [{transform_indices = #map}, {transform_indices = #map}, {transform_indices = #map1}, {transform_indices = #map1}, {transform_indices = #map}, {transform_indices = #map2}]} {
    %mul3A = arith.constant 632 : i32
    %mul3A_0 = arith.muli %arg1, %mul3A : i32
    "tpu.region"() ({
      %run_scoped3A = tpu.sem_alloc : memref<!tpu.dma_semaphore, #tpu.memory_space<semaphore_mem>>
      %dma_start3A = arith.constant 0 : i32
      %dma_start3A_17 = tpu.memref_slice %arg18[%mul3A_0, %dma_start3A] : memref<10112x128xf32, #tpu.memory_space<vmem_shared>> -> memref<632x128xf32, #tpu.memory_space<vmem_shared>>
      %dma_start3A_18 = arith.constant 0 : i32
      %dma_start3A_19 = tpu.memref_slice %arg6[%mul3A_0, %dma_start3A_18] : memref<10112x128xf32, #tpu.memory_space<hbm>> -> memref<632x128xf32, #tpu.memory_space<hbm>>
      tpu.enqueue_dma source(%dma_start3A_19 : memref<632x128xf32, #tpu.memory_space<hbm>>) target(%dma_start3A_17 : memref<632x128xf32, #tpu.memory_space<vmem_shared>>) target_semaphore(%run_scoped3A : memref<!tpu.dma_semaphore, #tpu.memory_space<semaphore_mem>>)
      %dma_wait3A_20 = arith.constant 0 : i32
      %dma_wait3A_21 = tpu.memref_slice %arg18[%mul3A_0, %dma_wait3A_20] : memref<10112x128xf32, #tpu.memory_space<vmem_shared>> -> memref<632x128xf32, #tpu.memory_space<vmem_shared>>
      %dma_wait3A_22 = arith.constant 0 : i32
      %dma_wait3A_23 = tpu.memref_slice %arg6[%mul3A_0, %dma_wait3A_22] : memref<10112x128xf32, #tpu.memory_space<hbm>> -> memref<632x128xf32, #tpu.memory_space<hbm>>
      tpu.wait_dma2 semaphore(%run_scoped3A : memref<!tpu.dma_semaphore, #tpu.memory_space<semaphore_mem>>) src(%dma_wait3A_23 : memref<632x128xf32, #tpu.memory_space<hbm>>) dst(%dma_wait3A_21 : memref<632x128xf32, #tpu.memory_space<vmem_shared>>)
      tpu.yield
    }) : () -> ()
    %barrier3A = arith.constant 0 : index
    tpu.barrier barrier_id(%barrier3A)
    %scan3A = arith.constant 0 : i32
    %scan3A_1 = arith.constant 53 : i32
    %scan3A_2 = arith.addi %scan3A, %scan3A_1 : i32
    %scan3A_3 = arith.constant 1 : i32
    scf.for %scan3A_17 = %scan3A to %scan3A_2 step %scan3A_3  : i32 {
      %mul3A_18 = arith.constant 2 : i32
      %mul3A_19 = arith.muli %scan3A_17, %mul3A_18 : i32
      %add3A = arith.constant 0 : i32
      %add3A_20 = arith.addi %add3A, %mul3A_19 : i32
      %gt3A = arith.constant 0 : i32
      %gt3A_21 = arith.cmpi sgt, %add3A_20, %gt3A : i32
      %convert_element_type3A_22 = arith.extui %gt3A_21 : i1 to i32
      %cond3A_23 = arith.constant 0 : i32
      %cond3A_24 = arith.cmpi ne, %convert_element_type3A_22, %cond3A_23 : i32
      scf.if %cond3A_24 {
        %dma_wait3A_107 = arith.constant 0 : i32
        %dma_wait3A_108 = arith.constant 0 : i32
        %dma_wait3A_109 = tpu.memref_slice %arg18[%dma_wait3A_107, %dma_wait3A_108] : memref<10112x128xf32, #tpu.memory_space<vmem_shared>> -> memref<10112x128xf32, #tpu.memory_space<vmem_shared>>
        tpu.wait_indirect_dma semaphore(%arg25 : memref<!tpu.dma_semaphore, #tpu.memory_space<semaphore_mem>>) src(%arg14 : memref<96x128xf32, #tpu.memory_space<vmem>>) dst(%dma_wait3A_109 : memref<10112x128xf32, #tpu.memory_space<vmem_shared>>)
        %dma_wait3A_110 = arith.constant 0 : i32
        %dma_wait3A_111 = arith.constant 0 : i32
        %dma_wait3A_112 = tpu.memref_slice %arg18[%dma_wait3A_110, %dma_wait3A_111] : memref<10112x128xf32, #tpu.memory_space<vmem_shared>> -> memref<10112x128xf32, #tpu.memory_space<vmem_shared>>
        tpu.wait_indirect_dma semaphore(%arg26 : memref<!tpu.dma_semaphore, #tpu.memory_space<semaphore_mem>>) src(%arg15 : memref<96x128xf32, #tpu.memory_space<vmem>>) dst(%dma_wait3A_112 : memref<10112x128xf32, #tpu.memory_space<vmem_shared>>)
      } else {
      }
      %mul3A_25 = arith.constant 10176 : i32
      %mul3A_26 = arith.muli %arg1, %mul3A_25 : i32
      %mul3A_27 = arith.constant 96 : i32
      %mul3A_28 = arith.muli %add3A_20, %mul3A_27 : i32
      %add3A_29 = arith.addi %mul3A_26, %mul3A_28 : i32
      %add3A_30 = arith.constant 96 : i32
      %add3A_31 = arith.addi %add3A_29, %add3A_30 : i32
      %dma_start3A = tpu.memref_slice %arg4[%add3A_29] : memref<162816xi32, #tpu.memory_space<hbm>> -> memref<96xi32, #tpu.memory_space<hbm>>
      %dma_start3A_32 = tpu.memref_slice %arg4[%add3A_29] : memref<162816xi32, #tpu.memory_space<hbm>> -> memref<96xi32, #tpu.memory_space<hbm>>
      tpu.enqueue_dma source(%dma_start3A_32 : memref<96xi32, #tpu.memory_space<hbm>>) target(%arg8 : memref<96xi32, #tpu.memory_space<vmem>>) target_semaphore(%arg19 : memref<!tpu.dma_semaphore, #tpu.memory_space<semaphore_mem>>)
      %dma_start3A_33 = tpu.memref_slice %arg5[%add3A_29] : memref<162816xi32, #tpu.memory_space<hbm>> -> memref<96xi32, #tpu.memory_space<hbm>>
      %dma_start3A_34 = tpu.memref_slice %arg5[%add3A_29] : memref<162816xi32, #tpu.memory_space<hbm>> -> memref<96xi32, #tpu.memory_space<hbm>>
      tpu.enqueue_dma source(%dma_start3A_34 : memref<96xi32, #tpu.memory_space<hbm>>) target(%arg10 : memref<96xi32, #tpu.memory_space<vmem>>) target_semaphore(%arg19 : memref<!tpu.dma_semaphore, #tpu.memory_space<semaphore_mem>>)
      %dma_start3A_35 = tpu.memref_slice %arg4[%add3A_31] : memref<162816xi32, #tpu.memory_space<hbm>> -> memref<96xi32, #tpu.memory_space<hbm>>
      %dma_start3A_36 = tpu.memref_slice %arg4[%add3A_31] : memref<162816xi32, #tpu.memory_space<hbm>> -> memref<96xi32, #tpu.memory_space<hbm>>
      tpu.enqueue_dma source(%dma_start3A_36 : memref<96xi32, #tpu.memory_space<hbm>>) target(%arg9 : memref<96xi32, #tpu.memory_space<vmem>>) target_semaphore(%arg20 : memref<!tpu.dma_semaphore, #tpu.memory_space<semaphore_mem>>)
      %dma_start3A_37 = tpu.memref_slice %arg5[%add3A_31] : memref<162816xi32, #tpu.memory_space<hbm>> -> memref<96xi32, #tpu.memory_space<hbm>>
      %dma_start3A_38 = tpu.memref_slice %arg5[%add3A_31] : memref<162816xi32, #tpu.memory_space<hbm>> -> memref<96xi32, #tpu.memory_space<hbm>>
      tpu.enqueue_dma source(%dma_start3A_38 : memref<96xi32, #tpu.memory_space<hbm>>) target(%arg11 : memref<96xi32, #tpu.memory_space<vmem>>) target_semaphore(%arg20 : memref<!tpu.dma_semaphore, #tpu.memory_space<semaphore_mem>>)
      %dma_wait3A_39 = tpu.memref_slice %arg4[%add3A_29] : memref<162816xi32, #tpu.memory_space<hbm>> -> memref<96xi32, #tpu.memory_space<hbm>>
      %dma_wait3A_40 = tpu.memref_slice %arg4[%add3A_29] : memref<162816xi32, #tpu.memory_space<hbm>> -> memref<96xi32, #tpu.memory_space<hbm>>
      tpu.wait_dma2 semaphore(%arg19 : memref<!tpu.dma_semaphore, #tpu.memory_space<semaphore_mem>>) src(%dma_wait3A_40 : memref<96xi32, #tpu.memory_space<hbm>>) dst(%arg8 : memref<96xi32, #tpu.memory_space<vmem>>)
      %dma_wait3A_41 = tpu.memref_slice %arg5[%add3A_29] : memref<162816xi32, #tpu.memory_space<hbm>> -> memref<96xi32, #tpu.memory_space<hbm>>
      %dma_wait3A_42 = tpu.memref_slice %arg5[%add3A_29] : memref<162816xi32, #tpu.memory_space<hbm>> -> memref<96xi32, #tpu.memory_space<hbm>>
      tpu.wait_dma2 semaphore(%arg19 : memref<!tpu.dma_semaphore, #tpu.memory_space<semaphore_mem>>) src(%dma_wait3A_42 : memref<96xi32, #tpu.memory_space<hbm>>) dst(%arg10 : memref<96xi32, #tpu.memory_space<vmem>>)
      %scan3A_43 = arith.constant 0 : i32
      %scan3A_44 = arith.constant 6 : i32
      %scan3A_45 = arith.addi %scan3A_43, %scan3A_44 : i32
      %scan3A_46 = arith.constant 1 : i32
      scf.for %scan3A_107 = %scan3A_43 to %scan3A_45 step %scan3A_46  : i32 {
        %mul3A_108 = arith.constant 1 : i32
        %mul3A_109 = arith.muli %scan3A_107, %mul3A_108 : i32
        %add3A_110 = arith.constant 0 : i32
        %add3A_111 = arith.addi %add3A_110, %mul3A_109 : i32
        %mul3A_112 = arith.constant 16 : i32
        %mul3A_113 = arith.muli %add3A_111, %mul3A_112 : i32
        %get3A = arith.index_cast %mul3A_113 : i32 to index
        %get3A_114 = tpu.vector_load %arg8[%get3A] {strides = array<i32>} : memref<96xi32, #tpu.memory_space<vmem>>, vector<16xi32>,
        %get3A_115 = vector.shape_cast %get3A_114 : vector<16xi32> to vector<16xi32>
        %mul3A_116 = arith.constant 2 : i32
        %mul3A_117 = vector.broadcast %mul3A_116 : i32 to vector<16xi32>
        %mul3A_118 = arith.muli %get3A_115, %mul3A_117 : vector<16xi32>
        %add3A_119 = vector.broadcast %arg0 : i32 to vector<16xi32>
        %add3A_120 = arith.addi %mul3A_118, %add3A_119 : vector<16xi32>
        %swap3A = arith.index_cast %mul3A_113 : i32 to index
        %swap3A_121 = tpu.vector_load %arg12[%swap3A] {strides = array<i32>} : memref<96xi32, #tpu.memory_space<vmem>>, vector<16xi32>,
        %swap3A_122 = vector.shape_cast %swap3A_121 : vector<16xi32> to vector<16xi32>
        %swap3A_123 = vector.shape_cast %add3A_120 : vector<16xi32> to vector<16xi32>
        tpu.vector_store %arg12[%swap3A], %swap3A_123 {strides = array<i32>} : memref<96xi32, #tpu.memory_space<vmem>>, vector<16xi32>,
      }
      %scan3A_47 = arith.constant 6 : i32
      %dma_start3A_48 = arith.constant 0 : i32
      %dma_start3A_49 = arith.constant 0 : i32
      %dma_start3A_50 = tpu.memref_slice %arg2[%dma_start3A_48, %dma_start3A_49] : memref<20000x128xf32, #tpu.memory_space<hbm>> -> memref<20000x128xf32, #tpu.memory_space<hbm>>
      tpu.enqueue_indirect_dma source(%dma_start3A_50 : memref<20000x128xf32, #tpu.memory_space<hbm>>) target(%arg14 : memref<96x128xf32, #tpu.memory_space<vmem>>) offsets(%arg12 : memref<96xi32, #tpu.memory_space<vmem>>) semaphore(%arg21 : memref<!tpu.dma_semaphore, #tpu.memory_space<semaphore_mem>>)
      %mul3A_51 = arith.constant 162816 : i32
      %mul3A_52 = arith.muli %arg0, %mul3A_51 : i32
      %add3A_53 = arith.addi %mul3A_52, %add3A_29 : i32
      %dma_start3A_54 = arith.constant 0 : i32
      %dma_start3A_55 = tpu.memref_slice %arg3[%add3A_53, %dma_start3A_54] : memref<325632x128xf32, #tpu.memory_space<hbm>> -> memref<96x128xf32, #tpu.memory_space<hbm>>
      %dma_start3A_56 = arith.constant 0 : i32
      %dma_start3A_57 = tpu.memref_slice %arg3[%add3A_53, %dma_start3A_56] : memref<325632x128xf32, #tpu.memory_space<hbm>> -> memref<96x128xf32, #tpu.memory_space<hbm>>
      tpu.enqueue_dma source(%dma_start3A_57 : memref<96x128xf32, #tpu.memory_space<hbm>>) target(%arg16 : memref<96x128xf32, #tpu.memory_space<vmem>>) target_semaphore(%arg23 : memref<!tpu.dma_semaphore, #tpu.memory_space<semaphore_mem>>)
      %dma_wait3A_58 = tpu.memref_slice %arg4[%add3A_31] : memref<162816xi32, #tpu.memory_space<hbm>> -> memref<96xi32, #tpu.memory_space<hbm>>
      %dma_wait3A_59 = tpu.memref_slice %arg4[%add3A_31] : memref<162816xi32, #tpu.memory_space<hbm>> -> memref<96xi32, #tpu.memory_space<hbm>>
      tpu.wait_dma2 semaphore(%arg20 : memref<!tpu.dma_semaphore, #tpu.memory_space<semaphore_mem>>) src(%dma_wait3A_59 : memref<96xi32, #tpu.memory_space<hbm>>) dst(%arg9 : memref<96xi32, #tpu.memory_space<vmem>>)
      %dma_wait3A_60 = tpu.memref_slice %arg5[%add3A_31] : memref<162816xi32, #tpu.memory_space<hbm>> -> memref<96xi32, #tpu.memory_space<hbm>>
      %dma_wait3A_61 = tpu.memref_slice %arg5[%add3A_31] : memref<162816xi32, #tpu.memory_space<hbm>> -> memref<96xi32, #tpu.memory_space<hbm>>
      tpu.wait_dma2 semaphore(%arg20 : memref<!tpu.dma_semaphore, #tpu.memory_space<semaphore_mem>>) src(%dma_wait3A_61 : memref<96xi32, #tpu.memory_space<hbm>>) dst(%arg11 : memref<96xi32, #tpu.memory_space<vmem>>)
      %scan3A_62 = arith.constant 0 : i32
      %scan3A_63 = arith.constant 6 : i32
      %scan3A_64 = arith.addi %scan3A_62, %scan3A_63 : i32
      %scan3A_65 = arith.constant 1 : i32
      scf.for %scan3A_107 = %scan3A_62 to %scan3A_64 step %scan3A_65  : i32 {
        %mul3A_108 = arith.constant 1 : i32
        %mul3A_109 = arith.muli %scan3A_107, %mul3A_108 : i32
        %add3A_110 = arith.constant 0 : i32
        %add3A_111 = arith.addi %add3A_110, %mul3A_109 : i32
        %mul3A_112 = arith.constant 16 : i32
        %mul3A_113 = arith.muli %add3A_111, %mul3A_112 : i32
        %get3A = arith.index_cast %mul3A_113 : i32 to index
        %get3A_114 = tpu.vector_load %arg9[%get3A] {strides = array<i32>} : memref<96xi32, #tpu.memory_space<vmem>>, vector<16xi32>,
        %get3A_115 = vector.shape_cast %get3A_114 : vector<16xi32> to vector<16xi32>
        %mul3A_116 = arith.constant 2 : i32
        %mul3A_117 = vector.broadcast %mul3A_116 : i32 to vector<16xi32>
        %mul3A_118 = arith.muli %get3A_115, %mul3A_117 : vector<16xi32>
        %add3A_119 = vector.broadcast %arg0 : i32 to vector<16xi32>
        %add3A_120 = arith.addi %mul3A_118, %add3A_119 : vector<16xi32>
        %swap3A = arith.index_cast %mul3A_113 : i32 to index
        %swap3A_121 = tpu.vector_load %arg13[%swap3A] {strides = array<i32>} : memref<96xi32, #tpu.memory_space<vmem>>, vector<16xi32>,
        %swap3A_122 = vector.shape_cast %swap3A_121 : vector<16xi32> to vector<16xi32>
        %swap3A_123 = vector.shape_cast %add3A_120 : vector<16xi32> to vector<16xi32>
        tpu.vector_store %arg13[%swap3A], %swap3A_123 {strides = array<i32>} : memref<96xi32, #tpu.memory_space<vmem>>, vector<16xi32>,
      }
      %scan3A_66 = arith.constant 6 : i32
      %dma_start3A_67 = arith.constant 0 : i32
      %dma_start3A_68 = arith.constant 0 : i32
      %dma_start3A_69 = tpu.memref_slice %arg2[%dma_start3A_67, %dma_start3A_68] : memref<20000x128xf32, #tpu.memory_space<hbm>> -> memref<20000x128xf32, #tpu.memory_space<hbm>>
      tpu.enqueue_indirect_dma source(%dma_start3A_69 : memref<20000x128xf32, #tpu.memory_space<hbm>>) target(%arg15 : memref<96x128xf32, #tpu.memory_space<vmem>>) offsets(%arg13 : memref<96xi32, #tpu.memory_space<vmem>>) semaphore(%arg22 : memref<!tpu.dma_semaphore, #tpu.memory_space<semaphore_mem>>)
      %mul3A_70 = arith.constant 162816 : i32
      %mul3A_71 = arith.muli %arg0, %mul3A_70 : i32
      %add3A_72 = arith.addi %mul3A_71, %add3A_31 : i32
      %dma_start3A_73 = arith.constant 0 : i32
      %dma_start3A_74 = tpu.memref_slice %arg3[%add3A_72, %dma_start3A_73] : memref<325632x128xf32, #tpu.memory_space<hbm>> -> memref<96x128xf32, #tpu.memory_space<hbm>>
      %dma_start3A_75 = arith.constant 0 : i32
      %dma_start3A_76 = tpu.memref_slice %arg3[%add3A_72, %dma_start3A_75] : memref<325632x128xf32, #tpu.memory_space<hbm>> -> memref<96x128xf32, #tpu.memory_space<hbm>>
      tpu.enqueue_dma source(%dma_start3A_76 : memref<96x128xf32, #tpu.memory_space<hbm>>) target(%arg17 : memref<96x128xf32, #tpu.memory_space<vmem>>) target_semaphore(%arg24 : memref<!tpu.dma_semaphore, #tpu.memory_space<semaphore_mem>>)
      %dma_wait3A_77 = arith.constant 0 : i32
      %dma_wait3A_78 = arith.constant 0 : i32
      %dma_wait3A_79 = tpu.memref_slice %arg2[%dma_wait3A_77, %dma_wait3A_78] : memref<20000x128xf32, #tpu.memory_space<hbm>> -> memref<20000x128xf32, #tpu.memory_space<hbm>>
      tpu.wait_indirect_dma semaphore(%arg21 : memref<!tpu.dma_semaphore, #tpu.memory_space<semaphore_mem>>) src(%dma_wait3A_79 : memref<20000x128xf32, #tpu.memory_space<hbm>>) dst(%arg14 : memref<96x128xf32, #tpu.memory_space<vmem>>)
      %dma_wait3A_80 = arith.constant 0 : i32
      %dma_wait3A_81 = tpu.memref_slice %arg3[%add3A_53, %dma_wait3A_80] : memref<325632x128xf32, #tpu.memory_space<hbm>> -> memref<96x128xf32, #tpu.memory_space<hbm>>
      %dma_wait3A_82 = arith.constant 0 : i32
      %dma_wait3A_83 = tpu.memref_slice %arg3[%add3A_53, %dma_wait3A_82] : memref<325632x128xf32, #tpu.memory_space<hbm>> -> memref<96x128xf32, #tpu.memory_space<hbm>>
      tpu.wait_dma2 semaphore(%arg23 : memref<!tpu.dma_semaphore, #tpu.memory_space<semaphore_mem>>) src(%dma_wait3A_83 : memref<96x128xf32, #tpu.memory_space<hbm>>) dst(%arg16 : memref<96x128xf32, #tpu.memory_space<vmem>>)
      %scan3A_84 = arith.constant 0 : i32
      %scan3A_85 = arith.constant 96 : i32
      %scan3A_86 = arith.addi %scan3A_84, %scan3A_85 : i32
      %scan3A_87 = arith.constant 1 : i32
      scf.for %scan3A_107 = %scan3A_84 to %scan3A_86 step %scan3A_87  : i32 {
        %mul3A_108 = arith.constant 1 : i32
        %mul3A_109 = arith.muli %scan3A_107, %mul3A_108 : i32
        %add3A_110 = arith.constant 0 : i32
        %add3A_111 = arith.addi %add3A_110, %mul3A_109 : i32
        %get3A = arith.index_cast %add3A_111 : i32 to index
        %get3A_112 = arith.constant 0 : index
        %get3A_113 = tpu.vector_load %arg14[%get3A, %get3A_112] {strides = array<i32>} : memref<96x128xf32, #tpu.memory_space<vmem>>, vector<1x16xf32>,
        %get3A_114 = vector.shape_cast %get3A_113 : vector<1x16xf32> to vector<16xf32>
        %get3A_115 = arith.index_cast %add3A_111 : i32 to index
        %get3A_116 = arith.constant 0 : index
        %get3A_117 = tpu.vector_load %arg16[%get3A_115, %get3A_116] {strides = array<i32>} : memref<96x128xf32, #tpu.memory_space<vmem>>, vector<1x16xf32>,
        %get3A_118 = vector.shape_cast %get3A_117 : vector<1x16xf32> to vector<16xf32>
        %add3A_119 = arith.addf %get3A_114, %get3A_118 : vector<16xf32>
        %max3A = arith.constant 0.000000e+00 : f32
        %max3A_120 = vector.broadcast %max3A : f32 to vector<16xf32>
        %max3A_121 = arith.maximumf %add3A_119, %max3A_120 : vector<16xf32>
        %swap3A = arith.index_cast %add3A_111 : i32 to index
        %swap3A_122 = arith.constant 0 : index
        %swap3A_123 = tpu.vector_load %arg14[%swap3A, %swap3A_122] {strides = array<i32>} : memref<96x128xf32, #tpu.memory_space<vmem>>, vector<1x16xf32>,
        %swap3A_124 = vector.shape_cast %swap3A_123 : vector<1x16xf32> to vector<16xf32>
        %swap3A_125 = vector.shape_cast %max3A_121 : vector<16xf32> to vector<1x16xf32>
        tpu.vector_store %arg14[%swap3A, %swap3A_122], %swap3A_125 {strides = array<i32>} : memref<96x128xf32, #tpu.memory_space<vmem>>, vector<1x16xf32>,
        %get3A_126 = arith.index_cast %add3A_111 : i32 to index
        %get3A_127 = arith.constant 16 : index
        %get3A_128 = tpu.vector_load %arg14[%get3A_126, %get3A_127] {strides = array<i32>} : memref<96x128xf32, #tpu.memory_space<vmem>>, vector<1x16xf32>,
        %get3A_129 = vector.shape_cast %get3A_128 : vector<1x16xf32> to vector<16xf32>
        %get3A_130 = arith.index_cast %add3A_111 : i32 to index
        %get3A_131 = arith.constant 16 : index
        %get3A_132 = tpu.vector_load %arg16[%get3A_130, %get3A_131] {strides = array<i32>} : memref<96x128xf32, #tpu.memory_space<vmem>>, vector<1x16xf32>,
        %get3A_133 = vector.shape_cast %get3A_132 : vector<1x16xf32> to vector<16xf32>
        %add3A_134 = arith.addf %get3A_129, %get3A_133 : vector<16xf32>
        %max3A_135 = arith.constant 0.000000e+00 : f32
        %max3A_136 = vector.broadcast %max3A_135 : f32 to vector<16xf32>
        %max3A_137 = arith.maximumf %add3A_134, %max3A_136 : vector<16xf32>
        %swap3A_138 = arith.index_cast %add3A_111 : i32 to index
        %swap3A_139 = arith.constant 16 : index
        %swap3A_140 = tpu.vector_load %arg14[%swap3A_138, %swap3A_139] {strides = array<i32>} : memref<96x128xf32, #tpu.memory_space<vmem>>, vector<1x16xf32>,
        %swap3A_141 = vector.shape_cast %swap3A_140 : vector<1x16xf32> to vector<16xf32>
        %swap3A_142 = vector.shape_cast %max3A_137 : vector<16xf32> to vector<1x16xf32>
        tpu.vector_store %arg14[%swap3A_138, %swap3A_139], %swap3A_142 {strides = array<i32>} : memref<96x128xf32, #tpu.memory_space<vmem>>, vector<1x16xf32>,
        %get3A_143 = arith.index_cast %add3A_111 : i32 to index
        %get3A_144 = arith.constant 32 : index
        %get3A_145 = tpu.vector_load %arg14[%get3A_143, %get3A_144] {strides = array<i32>} : memref<96x128xf32, #tpu.memory_space<vmem>>, vector<1x16xf32>,
        %get3A_146 = vector.shape_cast %get3A_145 : vector<1x16xf32> to vector<16xf32>
        %get3A_147 = arith.index_cast %add3A_111 : i32 to index
        %get3A_148 = arith.constant 32 : index
        %get3A_149 = tpu.vector_load %arg16[%get3A_147, %get3A_148] {strides = array<i32>} : memref<96x128xf32, #tpu.memory_space<vmem>>, vector<1x16xf32>,
        %get3A_150 = vector.shape_cast %get3A_149 : vector<1x16xf32> to vector<16xf32>
        %add3A_151 = arith.addf %get3A_146, %get3A_150 : vector<16xf32>
        %max3A_152 = arith.constant 0.000000e+00 : f32
        %max3A_153 = vector.broadcast %max3A_152 : f32 to vector<16xf32>
        %max3A_154 = arith.maximumf %add3A_151, %max3A_153 : vector<16xf32>
        %swap3A_155 = arith.index_cast %add3A_111 : i32 to index
        %swap3A_156 = arith.constant 32 : index
        %swap3A_157 = tpu.vector_load %arg14[%swap3A_155, %swap3A_156] {strides = array<i32>} : memref<96x128xf32, #tpu.memory_space<vmem>>, vector<1x16xf32>,
        %swap3A_158 = vector.shape_cast %swap3A_157 : vector<1x16xf32> to vector<16xf32>
        %swap3A_159 = vector.shape_cast %max3A_154 : vector<16xf32> to vector<1x16xf32>
        tpu.vector_store %arg14[%swap3A_155, %swap3A_156], %swap3A_159 {strides = array<i32>} : memref<96x128xf32, #tpu.memory_space<vmem>>, vector<1x16xf32>,
        %get3A_160 = arith.index_cast %add3A_111 : i32 to index
        %get3A_161 = arith.constant 48 : index
        %get3A_162 = tpu.vector_load %arg14[%get3A_160, %get3A_161] {strides = array<i32>} : memref<96x128xf32, #tpu.memory_space<vmem>>, vector<1x16xf32>,
        %get3A_163 = vector.shape_cast %get3A_162 : vector<1x16xf32> to vector<16xf32>
        %get3A_164 = arith.index_cast %add3A_111 : i32 to index
        %get3A_165 = arith.constant 48 : index
        %get3A_166 = tpu.vector_load %arg16[%get3A_164, %get3A_165] {strides = array<i32>} : memref<96x128xf32, #tpu.memory_space<vmem>>, vector<1x16xf32>,
        %get3A_167 = vector.shape_cast %get3A_166 : vector<1x16xf32> to vector<16xf32>
        %add3A_168 = arith.addf %get3A_163, %get3A_167 : vector<16xf32>
        %max3A_169 = arith.constant 0.000000e+00 : f32
        %max3A_170 = vector.broadcast %max3A_169 : f32 to vector<16xf32>
        %max3A_171 = arith.maximumf %add3A_168, %max3A_170 : vector<16xf32>
        %swap3A_172 = arith.index_cast %add3A_111 : i32 to index
        %swap3A_173 = arith.constant 48 : index
        %swap3A_174 = tpu.vector_load %arg14[%swap3A_172, %swap3A_173] {strides = array<i32>} : memref<96x128xf32, #tpu.memory_space<vmem>>, vector<1x16xf32>,
        %swap3A_175 = vector.shape_cast %swap3A_174 : vector<1x16xf32> to vector<16xf32>
        %swap3A_176 = vector.shape_cast %max3A_171 : vector<16xf32> to vector<1x16xf32>
        tpu.vector_store %arg14[%swap3A_172, %swap3A_173], %swap3A_176 {strides = array<i32>} : memref<96x128xf32, #tpu.memory_space<vmem>>, vector<1x16xf32>,
        %get3A_177 = arith.index_cast %add3A_111 : i32 to index
        %get3A_178 = arith.constant 64 : index
        %get3A_179 = tpu.vector_load %arg14[%get3A_177, %get3A_178] {strides = array<i32>} : memref<96x128xf32, #tpu.memory_space<vmem>>, vector<1x16xf32>,
        %get3A_180 = vector.shape_cast %get3A_179 : vector<1x16xf32> to vector<16xf32>
        %get3A_181 = arith.index_cast %add3A_111 : i32 to index
        %get3A_182 = arith.constant 64 : index
        %get3A_183 = tpu.vector_load %arg16[%get3A_181, %get3A_182] {strides = array<i32>} : memref<96x128xf32, #tpu.memory_space<vmem>>, vector<1x16xf32>,
        %get3A_184 = vector.shape_cast %get3A_183 : vector<1x16xf32> to vector<16xf32>
        %add3A_185 = arith.addf %get3A_180, %get3A_184 : vector<16xf32>
        %max3A_186 = arith.constant 0.000000e+00 : f32
        %max3A_187 = vector.broadcast %max3A_186 : f32 to vector<16xf32>
        %max3A_188 = arith.maximumf %add3A_185, %max3A_187 : vector<16xf32>
        %swap3A_189 = arith.index_cast %add3A_111 : i32 to index
        %swap3A_190 = arith.constant 64 : index
        %swap3A_191 = tpu.vector_load %arg14[%swap3A_189, %swap3A_190] {strides = array<i32>} : memref<96x128xf32, #tpu.memory_space<vmem>>, vector<1x16xf32>,
        %swap3A_192 = vector.shape_cast %swap3A_191 : vector<1x16xf32> to vector<16xf32>
        %swap3A_193 = vector.shape_cast %max3A_188 : vector<16xf32> to vector<1x16xf32>
        tpu.vector_store %arg14[%swap3A_189, %swap3A_190], %swap3A_193 {strides = array<i32>} : memref<96x128xf32, #tpu.memory_space<vmem>>, vector<1x16xf32>,
        %get3A_194 = arith.index_cast %add3A_111 : i32 to index
        %get3A_195 = arith.constant 80 : index
        %get3A_196 = tpu.vector_load %arg14[%get3A_194, %get3A_195] {strides = array<i32>} : memref<96x128xf32, #tpu.memory_space<vmem>>, vector<1x16xf32>,
        %get3A_197 = vector.shape_cast %get3A_196 : vector<1x16xf32> to vector<16xf32>
        %get3A_198 = arith.index_cast %add3A_111 : i32 to index
        %get3A_199 = arith.constant 80 : index
        %get3A_200 = tpu.vector_load %arg16[%get3A_198, %get3A_199] {strides = array<i32>} : memref<96x128xf32, #tpu.memory_space<vmem>>, vector<1x16xf32>,
        %get3A_201 = vector.shape_cast %get3A_200 : vector<1x16xf32> to vector<16xf32>
        %add3A_202 = arith.addf %get3A_197, %get3A_201 : vector<16xf32>
        %max3A_203 = arith.constant 0.000000e+00 : f32
        %max3A_204 = vector.broadcast %max3A_203 : f32 to vector<16xf32>
        %max3A_205 = arith.maximumf %add3A_202, %max3A_204 : vector<16xf32>
        %swap3A_206 = arith.index_cast %add3A_111 : i32 to index
        %swap3A_207 = arith.constant 80 : index
        %swap3A_208 = tpu.vector_load %arg14[%swap3A_206, %swap3A_207] {strides = array<i32>} : memref<96x128xf32, #tpu.memory_space<vmem>>, vector<1x16xf32>,
        %swap3A_209 = vector.shape_cast %swap3A_208 : vector<1x16xf32> to vector<16xf32>
        %swap3A_210 = vector.shape_cast %max3A_205 : vector<16xf32> to vector<1x16xf32>
        tpu.vector_store %arg14[%swap3A_206, %swap3A_207], %swap3A_210 {strides = array<i32>} : memref<96x128xf32, #tpu.memory_space<vmem>>, vector<1x16xf32>,
        %get3A_211 = arith.index_cast %add3A_111 : i32 to index
        %get3A_212 = arith.constant 96 : index
        %get3A_213 = tpu.vector_load %arg14[%get3A_211, %get3A_212] {strides = array<i32>} : memref<96x128xf32, #tpu.memory_space<vmem>>, vector<1x16xf32>,
        %get3A_214 = vector.shape_cast %get3A_213 : vector<1x16xf32> to vector<16xf32>
        %get3A_215 = arith.index_cast %add3A_111 : i32 to index
        %get3A_216 = arith.constant 96 : index
        %get3A_217 = tpu.vector_load %arg16[%get3A_215, %get3A_216] {strides = array<i32>} : memref<96x128xf32, #tpu.memory_space<vmem>>, vector<1x16xf32>,
        %get3A_218 = vector.shape_cast %get3A_217 : vector<1x16xf32> to vector<16xf32>
        %add3A_219 = arith.addf %get3A_214, %get3A_218 : vector<16xf32>
        %max3A_220 = arith.constant 0.000000e+00 : f32
        %max3A_221 = vector.broadcast %max3A_220 : f32 to vector<16xf32>
        %max3A_222 = arith.maximumf %add3A_219, %max3A_221 : vector<16xf32>
        %swap3A_223 = arith.index_cast %add3A_111 : i32 to index
        %swap3A_224 = arith.constant 96 : index
        %swap3A_225 = tpu.vector_load %arg14[%swap3A_223, %swap3A_224] {strides = array<i32>} : memref<96x128xf32, #tpu.memory_space<vmem>>, vector<1x16xf32>,
        %swap3A_226 = vector.shape_cast %swap3A_225 : vector<1x16xf32> to vector<16xf32>
        %swap3A_227 = vector.shape_cast %max3A_222 : vector<16xf32> to vector<1x16xf32>
        tpu.vector_store %arg14[%swap3A_223, %swap3A_224], %swap3A_227 {strides = array<i32>} : memref<96x128xf32, #tpu.memory_space<vmem>>, vector<1x16xf32>,
        %get3A_228 = arith.index_cast %add3A_111 : i32 to index
        %get3A_229 = arith.constant 112 : index
        %get3A_230 = tpu.vector_load %arg14[%get3A_228, %get3A_229] {strides = array<i32>} : memref<96x128xf32, #tpu.memory_space<vmem>>, vector<1x16xf32>,
        %get3A_231 = vector.shape_cast %get3A_230 : vector<1x16xf32> to vector<16xf32>
        %get3A_232 = arith.index_cast %add3A_111 : i32 to index
        %get3A_233 = arith.constant 112 : index
        %get3A_234 = tpu.vector_load %arg16[%get3A_232, %get3A_233] {strides = array<i32>} : memref<96x128xf32, #tpu.memory_space<vmem>>, vector<1x16xf32>,
        %get3A_235 = vector.shape_cast %get3A_234 : vector<1x16xf32> to vector<16xf32>
        %add3A_236 = arith.addf %get3A_231, %get3A_235 : vector<16xf32>
        %max3A_237 = arith.constant 0.000000e+00 : f32
        %max3A_238 = vector.broadcast %max3A_237 : f32 to vector<16xf32>
        %max3A_239 = arith.maximumf %add3A_236, %max3A_238 : vector<16xf32>
        %swap3A_240 = arith.index_cast %add3A_111 : i32 to index
        %swap3A_241 = arith.constant 112 : index
        %swap3A_242 = tpu.vector_load %arg14[%swap3A_240, %swap3A_241] {strides = array<i32>} : memref<96x128xf32, #tpu.memory_space<vmem>>, vector<1x16xf32>,
        %swap3A_243 = vector.shape_cast %swap3A_242 : vector<1x16xf32> to vector<16xf32>
        %swap3A_244 = vector.shape_cast %max3A_239 : vector<16xf32> to vector<1x16xf32>
        tpu.vector_store %arg14[%swap3A_240, %swap3A_241], %swap3A_244 {strides = array<i32>} : memref<96x128xf32, #tpu.memory_space<vmem>>, vector<1x16xf32>,
      }
      %scan3A_88 = arith.constant 96 : i32
      %dma_start3A_89 = arith.constant 0 : i32
      %dma_start3A_90 = arith.constant 0 : i32
      %dma_start3A_91 = tpu.memref_slice %arg18[%dma_start3A_89, %dma_start3A_90] : memref<10112x128xf32, #tpu.memory_space<vmem_shared>> -> memref<10112x128xf32, #tpu.memory_space<vmem_shared>>
      tpu.enqueue_indirect_dma source(%arg14 : memref<96x128xf32, #tpu.memory_space<vmem>>) target(%dma_start3A_91 : memref<10112x128xf32, #tpu.memory_space<vmem_shared>>) offsets(%arg10 : memref<96xi32, #tpu.memory_space<vmem>>) semaphore(%arg25 : memref<!tpu.dma_semaphore, #tpu.memory_space<semaphore_mem>>) {add = true}
      %dma_wait3A_92 = arith.constant 0 : i32
      %dma_wait3A_93 = arith.constant 0 : i32
      %dma_wait3A_94 = tpu.memref_slice %arg2[%dma_wait3A_92, %dma_wait3A_93] : memref<20000x128xf32, #tpu.memory_space<hbm>> -> memref<20000x128xf32, #tpu.memory_space<hbm>>
      tpu.wait_indirect_dma semaphore(%arg22 : memref<!tpu.dma_semaphore, #tpu.memory_space<semaphore_mem>>) src(%dma_wait3A_94 : memref<20000x128xf32, #tpu.memory_space<hbm>>) dst(%arg15 : memref<96x128xf32, #tpu.memory_space<vmem>>)
      %dma_wait3A_95 = arith.constant 0 : i32
      %dma_wait3A_96 = tpu.memref_slice %arg3[%add3A_72, %dma_wait3A_95] : memref<325632x128xf32, #tpu.memory_space<hbm>> -> memref<96x128xf32, #tpu.memory_space<hbm>>
      %dma_wait3A_97 = arith.constant 0 : i32
      %dma_wait3A_98 = tpu.memref_slice %arg3[%add3A_72, %dma_wait3A_97] : memref<325632x128xf32, #tpu.memory_space<hbm>> -> memref<96x128xf32, #tpu.memory_space<hbm>>
      tpu.wait_dma2 semaphore(%arg24 : memref<!tpu.dma_semaphore, #tpu.memory_space<semaphore_mem>>) src(%dma_wait3A_98 : memref<96x128xf32, #tpu.memory_space<hbm>>) dst(%arg17 : memref<96x128xf32, #tpu.memory_space<vmem>>)
      %scan3A_99 = arith.constant 0 : i32
      %scan3A_100 = arith.constant 96 : i32
      %scan3A_101 = arith.addi %scan3A_99, %scan3A_100 : i32
      %scan3A_102 = arith.constant 1 : i32
      scf.for %scan3A_107 = %scan3A_99 to %scan3A_101 step %scan3A_102  : i32 {
        %mul3A_108 = arith.constant 1 : i32
        %mul3A_109 = arith.muli %scan3A_107, %mul3A_108 : i32
        %add3A_110 = arith.constant 0 : i32
        %add3A_111 = arith.addi %add3A_110, %mul3A_109 : i32
        %get3A = arith.index_cast %add3A_111 : i32 to index
        %get3A_112 = arith.constant 0 : index
        %get3A_113 = tpu.vector_load %arg15[%get3A, %get3A_112] {strides = array<i32>} : memref<96x128xf32, #tpu.memory_space<vmem>>, vector<1x16xf32>,
        %get3A_114 = vector.shape_cast %get3A_113 : vector<1x16xf32> to vector<16xf32>
        %get3A_115 = arith.index_cast %add3A_111 : i32 to index
        %get3A_116 = arith.constant 0 : index
        %get3A_117 = tpu.vector_load %arg17[%get3A_115, %get3A_116] {strides = array<i32>} : memref<96x128xf32, #tpu.memory_space<vmem>>, vector<1x16xf32>,
        %get3A_118 = vector.shape_cast %get3A_117 : vector<1x16xf32> to vector<16xf32>
        %add3A_119 = arith.addf %get3A_114, %get3A_118 : vector<16xf32>
        %max3A = arith.constant 0.000000e+00 : f32
        %max3A_120 = vector.broadcast %max3A : f32 to vector<16xf32>
        %max3A_121 = arith.maximumf %add3A_119, %max3A_120 : vector<16xf32>
        %swap3A = arith.index_cast %add3A_111 : i32 to index
        %swap3A_122 = arith.constant 0 : index
        %swap3A_123 = tpu.vector_load %arg15[%swap3A, %swap3A_122] {strides = array<i32>} : memref<96x128xf32, #tpu.memory_space<vmem>>, vector<1x16xf32>,
        %swap3A_124 = vector.shape_cast %swap3A_123 : vector<1x16xf32> to vector<16xf32>
        %swap3A_125 = vector.shape_cast %max3A_121 : vector<16xf32> to vector<1x16xf32>
        tpu.vector_store %arg15[%swap3A, %swap3A_122], %swap3A_125 {strides = array<i32>} : memref<96x128xf32, #tpu.memory_space<vmem>>, vector<1x16xf32>,
        %get3A_126 = arith.index_cast %add3A_111 : i32 to index
        %get3A_127 = arith.constant 16 : index
        %get3A_128 = tpu.vector_load %arg15[%get3A_126, %get3A_127] {strides = array<i32>} : memref<96x128xf32, #tpu.memory_space<vmem>>, vector<1x16xf32>,
        %get3A_129 = vector.shape_cast %get3A_128 : vector<1x16xf32> to vector<16xf32>
        %get3A_130 = arith.index_cast %add3A_111 : i32 to index
        %get3A_131 = arith.constant 16 : index
        %get3A_132 = tpu.vector_load %arg17[%get3A_130, %get3A_131] {strides = array<i32>} : memref<96x128xf32, #tpu.memory_space<vmem>>, vector<1x16xf32>,
        %get3A_133 = vector.shape_cast %get3A_132 : vector<1x16xf32> to vector<16xf32>
        %add3A_134 = arith.addf %get3A_129, %get3A_133 : vector<16xf32>
        %max3A_135 = arith.constant 0.000000e+00 : f32
        %max3A_136 = vector.broadcast %max3A_135 : f32 to vector<16xf32>
        %max3A_137 = arith.maximumf %add3A_134, %max3A_136 : vector<16xf32>
        %swap3A_138 = arith.index_cast %add3A_111 : i32 to index
        %swap3A_139 = arith.constant 16 : index
        %swap3A_140 = tpu.vector_load %arg15[%swap3A_138, %swap3A_139] {strides = array<i32>} : memref<96x128xf32, #tpu.memory_space<vmem>>, vector<1x16xf32>,
        %swap3A_141 = vector.shape_cast %swap3A_140 : vector<1x16xf32> to vector<16xf32>
        %swap3A_142 = vector.shape_cast %max3A_137 : vector<16xf32> to vector<1x16xf32>
        tpu.vector_store %arg15[%swap3A_138, %swap3A_139], %swap3A_142 {strides = array<i32>} : memref<96x128xf32, #tpu.memory_space<vmem>>, vector<1x16xf32>,
        %get3A_143 = arith.index_cast %add3A_111 : i32 to index
        %get3A_144 = arith.constant 32 : index
        %get3A_145 = tpu.vector_load %arg15[%get3A_143, %get3A_144] {strides = array<i32>} : memref<96x128xf32, #tpu.memory_space<vmem>>, vector<1x16xf32>,
        %get3A_146 = vector.shape_cast %get3A_145 : vector<1x16xf32> to vector<16xf32>
        %get3A_147 = arith.index_cast %add3A_111 : i32 to index
        %get3A_148 = arith.constant 32 : index
        %get3A_149 = tpu.vector_load %arg17[%get3A_147, %get3A_148] {strides = array<i32>} : memref<96x128xf32, #tpu.memory_space<vmem>>, vector<1x16xf32>,
        %get3A_150 = vector.shape_cast %get3A_149 : vector<1x16xf32> to vector<16xf32>
        %add3A_151 = arith.addf %get3A_146, %get3A_150 : vector<16xf32>
        %max3A_152 = arith.constant 0.000000e+00 : f32
        %max3A_153 = vector.broadcast %max3A_152 : f32 to vector<16xf32>
        %max3A_154 = arith.maximumf %add3A_151, %max3A_153 : vector<16xf32>
        %swap3A_155 = arith.index_cast %add3A_111 : i32 to index
        %swap3A_156 = arith.constant 32 : index
        %swap3A_157 = tpu.vector_load %arg15[%swap3A_155, %swap3A_156] {strides = array<i32>} : memref<96x128xf32, #tpu.memory_space<vmem>>, vector<1x16xf32>,
        %swap3A_158 = vector.shape_cast %swap3A_157 : vector<1x16xf32> to vector<16xf32>
        %swap3A_159 = vector.shape_cast %max3A_154 : vector<16xf32> to vector<1x16xf32>
        tpu.vector_store %arg15[%swap3A_155, %swap3A_156], %swap3A_159 {strides = array<i32>} : memref<96x128xf32, #tpu.memory_space<vmem>>, vector<1x16xf32>,
        %get3A_160 = arith.index_cast %add3A_111 : i32 to index
        %get3A_161 = arith.constant 48 : index
        %get3A_162 = tpu.vector_load %arg15[%get3A_160, %get3A_161] {strides = array<i32>} : memref<96x128xf32, #tpu.memory_space<vmem>>, vector<1x16xf32>,
        %get3A_163 = vector.shape_cast %get3A_162 : vector<1x16xf32> to vector<16xf32>
        %get3A_164 = arith.index_cast %add3A_111 : i32 to index
        %get3A_165 = arith.constant 48 : index
        %get3A_166 = tpu.vector_load %arg17[%get3A_164, %get3A_165] {strides = array<i32>} : memref<96x128xf32, #tpu.memory_space<vmem>>, vector<1x16xf32>,
        %get3A_167 = vector.shape_cast %get3A_166 : vector<1x16xf32> to vector<16xf32>
        %add3A_168 = arith.addf %get3A_163, %get3A_167 : vector<16xf32>
        %max3A_169 = arith.constant 0.000000e+00 : f32
        %max3A_170 = vector.broadcast %max3A_169 : f32 to vector<16xf32>
        %max3A_171 = arith.maximumf %add3A_168, %max3A_170 : vector<16xf32>
        %swap3A_172 = arith.index_cast %add3A_111 : i32 to index
        %swap3A_173 = arith.constant 48 : index
        %swap3A_174 = tpu.vector_load %arg15[%swap3A_172, %swap3A_173] {strides = array<i32>} : memref<96x128xf32, #tpu.memory_space<vmem>>, vector<1x16xf32>,
        %swap3A_175 = vector.shape_cast %swap3A_174 : vector<1x16xf32> to vector<16xf32>
        %swap3A_176 = vector.shape_cast %max3A_171 : vector<16xf32> to vector<1x16xf32>
        tpu.vector_store %arg15[%swap3A_172, %swap3A_173], %swap3A_176 {strides = array<i32>} : memref<96x128xf32, #tpu.memory_space<vmem>>, vector<1x16xf32>,
        %get3A_177 = arith.index_cast %add3A_111 : i32 to index
        %get3A_178 = arith.constant 64 : index
        %get3A_179 = tpu.vector_load %arg15[%get3A_177, %get3A_178] {strides = array<i32>} : memref<96x128xf32, #tpu.memory_space<vmem>>, vector<1x16xf32>,
        %get3A_180 = vector.shape_cast %get3A_179 : vector<1x16xf32> to vector<16xf32>
        %get3A_181 = arith.index_cast %add3A_111 : i32 to index
        %get3A_182 = arith.constant 64 : index
        %get3A_183 = tpu.vector_load %arg17[%get3A_181, %get3A_182] {strides = array<i32>} : memref<96x128xf32, #tpu.memory_space<vmem>>, vector<1x16xf32>,
        %get3A_184 = vector.shape_cast %get3A_183 : vector<1x16xf32> to vector<16xf32>
        %add3A_185 = arith.addf %get3A_180, %get3A_184 : vector<16xf32>
        %max3A_186 = arith.constant 0.000000e+00 : f32
        %max3A_187 = vector.broadcast %max3A_186 : f32 to vector<16xf32>
        %max3A_188 = arith.maximumf %add3A_185, %max3A_187 : vector<16xf32>
        %swap3A_189 = arith.index_cast %add3A_111 : i32 to index
        %swap3A_190 = arith.constant 64 : index
        %swap3A_191 = tpu.vector_load %arg15[%swap3A_189, %swap3A_190] {strides = array<i32>} : memref<96x128xf32, #tpu.memory_space<vmem>>, vector<1x16xf32>,
        %swap3A_192 = vector.shape_cast %swap3A_191 : vector<1x16xf32> to vector<16xf32>
        %swap3A_193 = vector.shape_cast %max3A_188 : vector<16xf32> to vector<1x16xf32>
        tpu.vector_store %arg15[%swap3A_189, %swap3A_190], %swap3A_193 {strides = array<i32>} : memref<96x128xf32, #tpu.memory_space<vmem>>, vector<1x16xf32>,
        %get3A_194 = arith.index_cast %add3A_111 : i32 to index
        %get3A_195 = arith.constant 80 : index
        %get3A_196 = tpu.vector_load %arg15[%get3A_194, %get3A_195] {strides = array<i32>} : memref<96x128xf32, #tpu.memory_space<vmem>>, vector<1x16xf32>,
        %get3A_197 = vector.shape_cast %get3A_196 : vector<1x16xf32> to vector<16xf32>
        %get3A_198 = arith.index_cast %add3A_111 : i32 to index
        %get3A_199 = arith.constant 80 : index
        %get3A_200 = tpu.vector_load %arg17[%get3A_198, %get3A_199] {strides = array<i32>} : memref<96x128xf32, #tpu.memory_space<vmem>>, vector<1x16xf32>,
        %get3A_201 = vector.shape_cast %get3A_200 : vector<1x16xf32> to vector<16xf32>
        %add3A_202 = arith.addf %get3A_197, %get3A_201 : vector<16xf32>
        %max3A_203 = arith.constant 0.000000e+00 : f32
        %max3A_204 = vector.broadcast %max3A_203 : f32 to vector<16xf32>
        %max3A_205 = arith.maximumf %add3A_202, %max3A_204 : vector<16xf32>
        %swap3A_206 = arith.index_cast %add3A_111 : i32 to index
        %swap3A_207 = arith.constant 80 : index
        %swap3A_208 = tpu.vector_load %arg15[%swap3A_206, %swap3A_207] {strides = array<i32>} : memref<96x128xf32, #tpu.memory_space<vmem>>, vector<1x16xf32>,
        %swap3A_209 = vector.shape_cast %swap3A_208 : vector<1x16xf32> to vector<16xf32>
        %swap3A_210 = vector.shape_cast %max3A_205 : vector<16xf32> to vector<1x16xf32>
        tpu.vector_store %arg15[%swap3A_206, %swap3A_207], %swap3A_210 {strides = array<i32>} : memref<96x128xf32, #tpu.memory_space<vmem>>, vector<1x16xf32>,
        %get3A_211 = arith.index_cast %add3A_111 : i32 to index
        %get3A_212 = arith.constant 96 : index
        %get3A_213 = tpu.vector_load %arg15[%get3A_211, %get3A_212] {strides = array<i32>} : memref<96x128xf32, #tpu.memory_space<vmem>>, vector<1x16xf32>,
        %get3A_214 = vector.shape_cast %get3A_213 : vector<1x16xf32> to vector<16xf32>
        %get3A_215 = arith.index_cast %add3A_111 : i32 to index
        %get3A_216 = arith.constant 96 : index
        %get3A_217 = tpu.vector_load %arg17[%get3A_215, %get3A_216] {strides = array<i32>} : memref<96x128xf32, #tpu.memory_space<vmem>>, vector<1x16xf32>,
        %get3A_218 = vector.shape_cast %get3A_217 : vector<1x16xf32> to vector<16xf32>
        %add3A_219 = arith.addf %get3A_214, %get3A_218 : vector<16xf32>
        %max3A_220 = arith.constant 0.000000e+00 : f32
        %max3A_221 = vector.broadcast %max3A_220 : f32 to vector<16xf32>
        %max3A_222 = arith.maximumf %add3A_219, %max3A_221 : vector<16xf32>
        %swap3A_223 = arith.index_cast %add3A_111 : i32 to index
        %swap3A_224 = arith.constant 96 : index
        %swap3A_225 = tpu.vector_load %arg15[%swap3A_223, %swap3A_224] {strides = array<i32>} : memref<96x128xf32, #tpu.memory_space<vmem>>, vector<1x16xf32>,
        %swap3A_226 = vector.shape_cast %swap3A_225 : vector<1x16xf32> to vector<16xf32>
        %swap3A_227 = vector.shape_cast %max3A_222 : vector<16xf32> to vector<1x16xf32>
        tpu.vector_store %arg15[%swap3A_223, %swap3A_224], %swap3A_227 {strides = array<i32>} : memref<96x128xf32, #tpu.memory_space<vmem>>, vector<1x16xf32>,
        %get3A_228 = arith.index_cast %add3A_111 : i32 to index
        %get3A_229 = arith.constant 112 : index
        %get3A_230 = tpu.vector_load %arg15[%get3A_228, %get3A_229] {strides = array<i32>} : memref<96x128xf32, #tpu.memory_space<vmem>>, vector<1x16xf32>,
        %get3A_231 = vector.shape_cast %get3A_230 : vector<1x16xf32> to vector<16xf32>
        %get3A_232 = arith.index_cast %add3A_111 : i32 to index
        %get3A_233 = arith.constant 112 : index
        %get3A_234 = tpu.vector_load %arg17[%get3A_232, %get3A_233] {strides = array<i32>} : memref<96x128xf32, #tpu.memory_space<vmem>>, vector<1x16xf32>,
        %get3A_235 = vector.shape_cast %get3A_234 : vector<1x16xf32> to vector<16xf32>
        %add3A_236 = arith.addf %get3A_231, %get3A_235 : vector<16xf32>
        %max3A_237 = arith.constant 0.000000e+00 : f32
        %max3A_238 = vector.broadcast %max3A_237 : f32 to vector<16xf32>
        %max3A_239 = arith.maximumf %add3A_236, %max3A_238 : vector<16xf32>
        %swap3A_240 = arith.index_cast %add3A_111 : i32 to index
        %swap3A_241 = arith.constant 112 : index
        %swap3A_242 = tpu.vector_load %arg15[%swap3A_240, %swap3A_241] {strides = array<i32>} : memref<96x128xf32, #tpu.memory_space<vmem>>, vector<1x16xf32>,
        %swap3A_243 = vector.shape_cast %swap3A_242 : vector<1x16xf32> to vector<16xf32>
        %swap3A_244 = vector.shape_cast %max3A_239 : vector<16xf32> to vector<1x16xf32>
        tpu.vector_store %arg15[%swap3A_240, %swap3A_241], %swap3A_244 {strides = array<i32>} : memref<96x128xf32, #tpu.memory_space<vmem>>, vector<1x16xf32>,
      }
      %scan3A_103 = arith.constant 96 : i32
      %dma_start3A_104 = arith.constant 0 : i32
      %dma_start3A_105 = arith.constant 0 : i32
      %dma_start3A_106 = tpu.memref_slice %arg18[%dma_start3A_104, %dma_start3A_105] : memref<10112x128xf32, #tpu.memory_space<vmem_shared>> -> memref<10112x128xf32, #tpu.memory_space<vmem_shared>>
      tpu.enqueue_indirect_dma source(%arg15 : memref<96x128xf32, #tpu.memory_space<vmem>>) target(%dma_start3A_106 : memref<10112x128xf32, #tpu.memory_space<vmem_shared>>) offsets(%arg11 : memref<96xi32, #tpu.memory_space<vmem>>) semaphore(%arg26 : memref<!tpu.dma_semaphore, #tpu.memory_space<semaphore_mem>>) {add = true}
    }
    %scan3A_4 = arith.constant 53 : i32
    %dma_wait3A = arith.constant 0 : i32
    %dma_wait3A_5 = arith.constant 0 : i32
    %dma_wait3A_6 = tpu.memref_slice %arg18[%dma_wait3A, %dma_wait3A_5] : memref<10112x128xf32, #tpu.memory_space<vmem_shared>> -> memref<10112x128xf32, #tpu.memory_space<vmem_shared>>
    tpu.wait_indirect_dma semaphore(%arg25 : memref<!tpu.dma_semaphore, #tpu.memory_space<semaphore_mem>>) src(%arg14 : memref<96x128xf32, #tpu.memory_space<vmem>>) dst(%dma_wait3A_6 : memref<10112x128xf32, #tpu.memory_space<vmem_shared>>)
    %dma_wait3A_7 = arith.constant 0 : i32
    %dma_wait3A_8 = arith.constant 0 : i32
    %dma_wait3A_9 = tpu.memref_slice %arg18[%dma_wait3A_7, %dma_wait3A_8] : memref<10112x128xf32, #tpu.memory_space<vmem_shared>> -> memref<10112x128xf32, #tpu.memory_space<vmem_shared>>
    tpu.wait_indirect_dma semaphore(%arg26 : memref<!tpu.dma_semaphore, #tpu.memory_space<semaphore_mem>>) src(%arg15 : memref<96x128xf32, #tpu.memory_space<vmem>>) dst(%dma_wait3A_9 : memref<10112x128xf32, #tpu.memory_space<vmem_shared>>)
    %barrier3A_10 = arith.constant 0 : index
    tpu.barrier barrier_id(%barrier3A_10)
    %lt3A = arith.constant 15 : i32
    %lt3A_11 = arith.cmpi slt, %arg1, %lt3A : i32
    %convert_element_type3A = arith.extui %lt3A_11 : i1 to i32
    %cond3A = arith.constant 0 : i32
    %cond3A_12 = arith.cmpi ne, %convert_element_type3A, %cond3A : i32
    scf.if %cond3A_12 {
      "tpu.region"() ({
        %run_scoped3A = tpu.sem_alloc : memref<!tpu.dma_semaphore, #tpu.memory_space<semaphore_mem>>
        %dma_start3A = arith.constant 0 : i32
        %dma_start3A_17 = tpu.memref_slice %arg7[%arg0, %mul3A_0, %dma_start3A] : memref<2x10000x128xf32, #tpu.memory_space<hbm>> -> memref<1x632x128xf32, #tpu.memory_space<hbm>>
        %dma_start3A_18 = tpu.memref_squeeze %dma_start3A_17 : memref<1x632x128xf32, #tpu.memory_space<hbm>> -> memref<632x128xf32, #tpu.memory_space<hbm>>
        %dma_start3A_19 = arith.constant 0 : i32
        %dma_start3A_20 = tpu.memref_slice %arg18[%mul3A_0, %dma_start3A_19] : memref<10112x128xf32, #tpu.memory_space<vmem_shared>> -> memref<632x128xf32, #tpu.memory_space<vmem_shared>>
        tpu.enqueue_dma source(%dma_start3A_20 : memref<632x128xf32, #tpu.memory_space<vmem_shared>>) target(%dma_start3A_18 : memref<632x128xf32, #tpu.memory_space<hbm>>) target_semaphore(%run_scoped3A : memref<!tpu.dma_semaphore, #tpu.memory_space<semaphore_mem>>)
        %dma_wait3A_21 = arith.constant 0 : i32
        %dma_wait3A_22 = tpu.memref_slice %arg7[%arg0, %mul3A_0, %dma_wait3A_21] : memref<2x10000x128xf32, #tpu.memory_space<hbm>> -> memref<1x632x128xf32, #tpu.memory_space<hbm>>
        %dma_wait3A_23 = tpu.memref_squeeze %dma_wait3A_22 : memref<1x632x128xf32, #tpu.memory_space<hbm>> -> memref<632x128xf32, #tpu.memory_space<hbm>>
        %dma_wait3A_24 = arith.constant 0 : i32
        %dma_wait3A_25 = tpu.memref_slice %arg18[%mul3A_0, %dma_wait3A_24] : memref<10112x128xf32, #tpu.memory_space<vmem_shared>> -> memref<632x128xf32, #tpu.memory_space<vmem_shared>>
        tpu.wait_dma2 semaphore(%run_scoped3A : memref<!tpu.dma_semaphore, #tpu.memory_space<semaphore_mem>>) src(%dma_wait3A_25 : memref<632x128xf32, #tpu.memory_space<vmem_shared>>) dst(%dma_wait3A_23 : memref<632x128xf32, #tpu.memory_space<hbm>>)
        tpu.yield
      }) : () -> ()
    } else {
    }
    %eq3A = arith.constant 15 : i32
    %eq3A_13 = arith.cmpi eq, %arg1, %eq3A : i32
    %convert_element_type3A_14 = arith.extui %eq3A_13 : i1 to i32
    %cond3A_15 = arith.constant 0 : i32
    %cond3A_16 = arith.cmpi ne, %convert_element_type3A_14, %cond3A_15 : i32
    scf.if %cond3A_16 {
      "tpu.region"() ({
        %run_scoped3A = tpu.sem_alloc : memref<!tpu.dma_semaphore, #tpu.memory_space<semaphore_mem>>
        %dma_start3A = arith.constant 0 : i32
        %dma_start3A_17 = tpu.memref_slice %arg7[%arg0, %mul3A_0, %dma_start3A] : memref<2x10000x128xf32, #tpu.memory_space<hbm>> -> memref<1x520x128xf32, #tpu.memory_space<hbm>>
        %dma_start3A_18 = tpu.memref_squeeze %dma_start3A_17 : memref<1x520x128xf32, #tpu.memory_space<hbm>> -> memref<520x128xf32, #tpu.memory_space<hbm>>
        %dma_start3A_19 = arith.constant 0 : i32
        %dma_start3A_20 = tpu.memref_slice %arg18[%mul3A_0, %dma_start3A_19] : memref<10112x128xf32, #tpu.memory_space<vmem_shared>> -> memref<520x128xf32, #tpu.memory_space<vmem_shared>>
        tpu.enqueue_dma source(%dma_start3A_20 : memref<520x128xf32, #tpu.memory_space<vmem_shared>>) target(%dma_start3A_18 : memref<520x128xf32, #tpu.memory_space<hbm>>) target_semaphore(%run_scoped3A : memref<!tpu.dma_semaphore, #tpu.memory_space<semaphore_mem>>)
        %dma_wait3A_21 = arith.constant 0 : i32
        %dma_wait3A_22 = tpu.memref_slice %arg7[%arg0, %mul3A_0, %dma_wait3A_21] : memref<2x10000x128xf32, #tpu.memory_space<hbm>> -> memref<1x520x128xf32, #tpu.memory_space<hbm>>
        %dma_wait3A_23 = tpu.memref_squeeze %dma_wait3A_22 : memref<1x520x128xf32, #tpu.memory_space<hbm>> -> memref<520x128xf32, #tpu.memory_space<hbm>>
        %dma_wait3A_24 = arith.constant 0 : i32
        %dma_wait3A_25 = tpu.memref_slice %arg18[%mul3A_0, %dma_wait3A_24] : memref<10112x128xf32, #tpu.memory_space<vmem_shared>> -> memref<520x128xf32, #tpu.memory_space<vmem_shared>>
        tpu.wait_dma2 semaphore(%run_scoped3A : memref<!tpu.dma_semaphore, #tpu.memory_space<semaphore_mem>>) src(%dma_wait3A_25 : memref<520x128xf32, #tpu.memory_space<vmem_shared>>) dst(%dma_wait3A_23 : memref<520x128xf32, #tpu.memory_space<hbm>>)
        tpu.yield
      }) : () -> ()
    } else {
    }
    return
  }
}

#map = affine_map<(d0, d1) -> (0, 0)>
#map1 = affine_map<(d0, d1) -> (0)>
#map2 = affine_map<(d0, d1) -> (0, 0, 0)>
module attributes {stable_mosaic.version = 14 : i64} {
  func.func @k(%arg0: i32, %arg1: i32, %arg2: memref<20000x128xf32, #tpu.memory_space<hbm>>, %arg3: memref<325632x128xf32, #tpu.memory_space<hbm>>, %arg4: memref<162816xi32, #tpu.memory_space<hbm>>, %arg5: memref<162816xi32, #tpu.memory_space<hbm>>, %arg6: memref<10112x128xf32, #tpu.memory_space<hbm>>, %arg7: memref<2x10000x128xf32, #tpu.memory_space<hbm>>, %arg8: memref<96xi32, #tpu.memory_space<vmem>>, %arg9: memref<96xi32, #tpu.memory_space<vmem>>, %arg10: memref<96xi32, #tpu.memory_space<vmem>>, %arg11: memref<96xi32, #tpu.memory_space<vmem>>, %arg12: memref<96xi32, #tpu.memory_space<vmem>>, %arg13: memref<96xi32, #tpu.memory_space<vmem>>, %arg14: memref<96x128xf32, #tpu.memory_space<vmem>>, %arg15: memref<96x128xf32, #tpu.memory_space<vmem>>, %arg16: memref<96x128xf32, #tpu.memory_space<vmem>>, %arg17: memref<96x128xf32, #tpu.memory_space<vmem>>, %arg18: memref<10112x128xf32, #tpu.memory_space<vmem_shared>>, %arg19: memref<!tpu.dma_semaphore, #tpu.memory_space<semaphore_mem>>, %arg20: memref<!tpu.dma_semaphore, #tpu.memory_space<semaphore_mem>>, %arg21: memref<!tpu.dma_semaphore, #tpu.memory_space<semaphore_mem>>, %arg22: memref<!tpu.dma_semaphore, #tpu.memory_space<semaphore_mem>>, %arg23: memref<!tpu.dma_semaphore, #tpu.memory_space<semaphore_mem>>, %arg24: memref<!tpu.dma_semaphore, #tpu.memory_space<semaphore_mem>>, %arg25: memref<!tpu.dma_semaphore, #tpu.memory_space<semaphore_mem>>, %arg26: memref<!tpu.dma_semaphore, #tpu.memory_space<semaphore_mem>>) attributes {dimension_semantics = [#tpu.dimension_semantics<core_parallel>, #tpu.dimension_semantics<subcore_parallel>], iteration_bounds = array<i64: 2, 16>, scalar_prefetch = 0 : i64, scratch_operands = 19 : i64, tpu.core_type = #tpu.core_type<sc_vector_subcore>, window_params = [{transform_indices = #map}, {transform_indices = #map}, {transform_indices = #map1}, {transform_indices = #map1}, {transform_indices = #map}, {transform_indices = #map2}]} {
    %mul3A = arith.constant 632 : i32
    %mul3A_0 = arith.muli %arg1, %mul3A : i32
    "tpu.region"() ({
      %run_scoped3A = tpu.sem_alloc : memref<!tpu.dma_semaphore, #tpu.memory_space<semaphore_mem>>
      %dma_start3A = arith.constant 0 : i32
      %dma_start3A_17 = tpu.memref_slice %arg18[%mul3A_0, %dma_start3A] : memref<10112x128xf32, #tpu.memory_space<vmem_shared>> -> memref<632x128xf32, #tpu.memory_space<vmem_shared>>
      %dma_start3A_18 = arith.constant 0 : i32
      %dma_start3A_19 = tpu.memref_slice %arg6[%mul3A_0, %dma_start3A_18] : memref<10112x128xf32, #tpu.memory_space<hbm>> -> memref<632x128xf32, #tpu.memory_space<hbm>>
      tpu.enqueue_dma source(%dma_start3A_19 : memref<632x128xf32, #tpu.memory_space<hbm>>) target(%dma_start3A_17 : memref<632x128xf32, #tpu.memory_space<vmem_shared>>) target_semaphore(%run_scoped3A : memref<!tpu.dma_semaphore, #tpu.memory_space<semaphore_mem>>)
      %dma_wait3A_20 = arith.constant 0 : i32
      %dma_wait3A_21 = tpu.memref_slice %arg18[%mul3A_0, %dma_wait3A_20] : memref<10112x128xf32, #tpu.memory_space<vmem_shared>> -> memref<632x128xf32, #tpu.memory_space<vmem_shared>>
      %dma_wait3A_22 = arith.constant 0 : i32
      %dma_wait3A_23 = tpu.memref_slice %arg6[%mul3A_0, %dma_wait3A_22] : memref<10112x128xf32, #tpu.memory_space<hbm>> -> memref<632x128xf32, #tpu.memory_space<hbm>>
      tpu.wait_dma2 semaphore(%run_scoped3A : memref<!tpu.dma_semaphore, #tpu.memory_space<semaphore_mem>>) src(%dma_wait3A_23 : memref<632x128xf32, #tpu.memory_space<hbm>>) dst(%dma_wait3A_21 : memref<632x128xf32, #tpu.memory_space<vmem_shared>>)
      tpu.yield
    }) : () -> ()
    %barrier3A = arith.constant 0 : index
    tpu.barrier barrier_id(%barrier3A)
    %scan3A = arith.constant 0 : i32
    %scan3A_1 = arith.constant 53 : i32
    %scan3A_2 = arith.addi %scan3A, %scan3A_1 : i32
    %scan3A_3 = arith.constant 1 : i32
    scf.for %scan3A_17 = %scan3A to %scan3A_2 step %scan3A_3  : i32 {
      %mul3A_18 = arith.constant 2 : i32
      %mul3A_19 = arith.muli %scan3A_17, %mul3A_18 : i32
      %add3A = arith.constant 0 : i32
      %add3A_20 = arith.addi %add3A, %mul3A_19 : i32
      %gt3A = arith.constant 0 : i32
      %gt3A_21 = arith.cmpi sgt, %add3A_20, %gt3A : i32
      %convert_element_type3A_22 = arith.extui %gt3A_21 : i1 to i32
      %cond3A_23 = arith.constant 0 : i32
      %cond3A_24 = arith.cmpi ne, %convert_element_type3A_22, %cond3A_23 : i32
      scf.if %cond3A_24 {
        %dma_wait3A_107 = arith.constant 0 : i32
        %dma_wait3A_108 = arith.constant 0 : i32
        %dma_wait3A_109 = tpu.memref_slice %arg18[%dma_wait3A_107, %dma_wait3A_108] : memref<10112x128xf32, #tpu.memory_space<vmem_shared>> -> memref<10112x128xf32, #tpu.memory_space<vmem_shared>>
        tpu.wait_indirect_dma semaphore(%arg25 : memref<!tpu.dma_semaphore, #tpu.memory_space<semaphore_mem>>) src(%arg14 : memref<96x128xf32, #tpu.memory_space<vmem>>) dst(%dma_wait3A_109 : memref<10112x128xf32, #tpu.memory_space<vmem_shared>>)
        %dma_wait3A_110 = arith.constant 0 : i32
        %dma_wait3A_111 = arith.constant 0 : i32
        %dma_wait3A_112 = tpu.memref_slice %arg18[%dma_wait3A_110, %dma_wait3A_111] : memref<10112x128xf32, #tpu.memory_space<vmem_shared>> -> memref<10112x128xf32, #tpu.memory_space<vmem_shared>>
        tpu.wait_indirect_dma semaphore(%arg26 : memref<!tpu.dma_semaphore, #tpu.memory_space<semaphore_mem>>) src(%arg15 : memref<96x128xf32, #tpu.memory_space<vmem>>) dst(%dma_wait3A_112 : memref<10112x128xf32, #tpu.memory_space<vmem_shared>>)
      } else {
      }
      %mul3A_25 = arith.constant 10176 : i32
      %mul3A_26 = arith.muli %arg1, %mul3A_25 : i32
      %mul3A_27 = arith.constant 96 : i32
      %mul3A_28 = arith.muli %add3A_20, %mul3A_27 : i32
      %add3A_29 = arith.addi %mul3A_26, %mul3A_28 : i32
      %add3A_30 = arith.constant 96 : i32
      %add3A_31 = arith.addi %add3A_29, %add3A_30 : i32
      %dma_start3A = tpu.memref_slice %arg4[%add3A_29] : memref<162816xi32, #tpu.memory_space<hbm>> -> memref<96xi32, #tpu.memory_space<hbm>>
      %dma_start3A_32 = tpu.memref_slice %arg4[%add3A_29] : memref<162816xi32, #tpu.memory_space<hbm>> -> memref<96xi32, #tpu.memory_space<hbm>>
      tpu.enqueue_dma source(%dma_start3A_32 : memref<96xi32, #tpu.memory_space<hbm>>) target(%arg8 : memref<96xi32, #tpu.memory_space<vmem>>) target_semaphore(%arg19 : memref<!tpu.dma_semaphore, #tpu.memory_space<semaphore_mem>>)
      %dma_start3A_33 = tpu.memref_slice %arg5[%add3A_29] : memref<162816xi32, #tpu.memory_space<hbm>> -> memref<96xi32, #tpu.memory_space<hbm>>
      %dma_start3A_34 = tpu.memref_slice %arg5[%add3A_29] : memref<162816xi32, #tpu.memory_space<hbm>> -> memref<96xi32, #tpu.memory_space<hbm>>
      tpu.enqueue_dma source(%dma_start3A_34 : memref<96xi32, #tpu.memory_space<hbm>>) target(%arg10 : memref<96xi32, #tpu.memory_space<vmem>>) target_semaphore(%arg19 : memref<!tpu.dma_semaphore, #tpu.memory_space<semaphore_mem>>)
      %dma_start3A_35 = tpu.memref_slice %arg4[%add3A_31] : memref<162816xi32, #tpu.memory_space<hbm>> -> memref<96xi32, #tpu.memory_space<hbm>>
      %dma_start3A_36 = tpu.memref_slice %arg4[%add3A_31] : memref<162816xi32, #tpu.memory_space<hbm>> -> memref<96xi32, #tpu.memory_space<hbm>>
      tpu.enqueue_dma source(%dma_start3A_36 : memref<96xi32, #tpu.memory_space<hbm>>) target(%arg9 : memref<96xi32, #tpu.memory_space<vmem>>) target_semaphore(%arg20 : memref<!tpu.dma_semaphore, #tpu.memory_space<semaphore_mem>>)
      %dma_start3A_37 = tpu.memref_slice %arg5[%add3A_31] : memref<162816xi32, #tpu.memory_space<hbm>> -> memref<96xi32, #tpu.memory_space<hbm>>
      %dma_start3A_38 = tpu.memref_slice %arg5[%add3A_31] : memref<162816xi32, #tpu.memory_space<hbm>> -> memref<96xi32, #tpu.memory_space<hbm>>
      tpu.enqueue_dma source(%dma_start3A_38 : memref<96xi32, #tpu.memory_space<hbm>>) target(%arg11 : memref<96xi32, #tpu.memory_space<vmem>>) target_semaphore(%arg20 : memref<!tpu.dma_semaphore, #tpu.memory_space<semaphore_mem>>)
      %dma_wait3A_39 = tpu.memref_slice %arg4[%add3A_29] : memref<162816xi32, #tpu.memory_space<hbm>> -> memref<96xi32, #tpu.memory_space<hbm>>
      %dma_wait3A_40 = tpu.memref_slice %arg4[%add3A_29] : memref<162816xi32, #tpu.memory_space<hbm>> -> memref<96xi32, #tpu.memory_space<hbm>>
      tpu.wait_dma2 semaphore(%arg19 : memref<!tpu.dma_semaphore, #tpu.memory_space<semaphore_mem>>) src(%dma_wait3A_40 : memref<96xi32, #tpu.memory_space<hbm>>) dst(%arg8 : memref<96xi32, #tpu.memory_space<vmem>>)
      %dma_wait3A_41 = tpu.memref_slice %arg5[%add3A_29] : memref<162816xi32, #tpu.memory_space<hbm>> -> memref<96xi32, #tpu.memory_space<hbm>>
      %dma_wait3A_42 = tpu.memref_slice %arg5[%add3A_29] : memref<162816xi32, #tpu.memory_space<hbm>> -> memref<96xi32, #tpu.memory_space<hbm>>
      tpu.wait_dma2 semaphore(%arg19 : memref<!tpu.dma_semaphore, #tpu.memory_space<semaphore_mem>>) src(%dma_wait3A_42 : memref<96xi32, #tpu.memory_space<hbm>>) dst(%arg10 : memref<96xi32, #tpu.memory_space<vmem>>)
      %scan3A_43 = arith.constant 0 : i32
      %scan3A_44 = arith.constant 6 : i32
      %scan3A_45 = arith.addi %scan3A_43, %scan3A_44 : i32
      %scan3A_46 = arith.constant 1 : i32
      scf.for %scan3A_107 = %scan3A_43 to %scan3A_45 step %scan3A_46  : i32 {
        %mul3A_108 = arith.constant 1 : i32
        %mul3A_109 = arith.muli %scan3A_107, %mul3A_108 : i32
        %add3A_110 = arith.constant 0 : i32
        %add3A_111 = arith.addi %add3A_110, %mul3A_109 : i32
        %mul3A_112 = arith.constant 16 : i32
        %mul3A_113 = arith.muli %add3A_111, %mul3A_112 : i32
        %get3A = arith.index_cast %mul3A_113 : i32 to index
        %get3A_114 = tpu.vector_load %arg8[%get3A] {strides = array<i32>} : memref<96xi32, #tpu.memory_space<vmem>>, vector<16xi32>,
        %get3A_115 = vector.shape_cast %get3A_114 : vector<16xi32> to vector<16xi32>
        %mul3A_116 = arith.constant 2 : i32
        %mul3A_117 = vector.broadcast %mul3A_116 : i32 to vector<16xi32>
        %mul3A_118 = arith.muli %get3A_115, %mul3A_117 : vector<16xi32>
        %add3A_119 = vector.broadcast %arg0 : i32 to vector<16xi32>
        %add3A_120 = arith.addi %mul3A_118, %add3A_119 : vector<16xi32>
        %swap3A = arith.index_cast %mul3A_113 : i32 to index
        %swap3A_121 = tpu.vector_load %arg12[%swap3A] {strides = array<i32>} : memref<96xi32, #tpu.memory_space<vmem>>, vector<16xi32>,
        %swap3A_122 = vector.shape_cast %swap3A_121 : vector<16xi32> to vector<16xi32>
        %swap3A_123 = vector.shape_cast %add3A_120 : vector<16xi32> to vector<16xi32>
        tpu.vector_store %arg12[%swap3A], %swap3A_123 {strides = array<i32>} : memref<96xi32, #tpu.memory_space<vmem>>, vector<16xi32>,
      }
      %scan3A_47 = arith.constant 6 : i32
      %dma_start3A_48 = arith.constant 0 : i32
      %dma_start3A_49 = arith.constant 0 : i32
      %dma_start3A_50 = tpu.memref_slice %arg2[%dma_start3A_48, %dma_start3A_49] : memref<20000x128xf32, #tpu.memory_space<hbm>> -> memref<20000x128xf32, #tpu.memory_space<hbm>>
      tpu.enqueue_indirect_dma source(%dma_start3A_50 : memref<20000x128xf32, #tpu.memory_space<hbm>>) target(%arg14 : memref<96x128xf32, #tpu.memory_space<vmem>>) offsets(%arg12 : memref<96xi32, #tpu.memory_space<vmem>>) semaphore(%arg21 : memref<!tpu.dma_semaphore, #tpu.memory_space<semaphore_mem>>)
      %mul3A_51 = arith.constant 162816 : i32
      %mul3A_52 = arith.muli %arg0, %mul3A_51 : i32
      %add3A_53 = arith.addi %mul3A_52, %add3A_29 : i32
      %dma_start3A_54 = arith.constant 0 : i32
      %dma_start3A_55 = tpu.memref_slice %arg3[%add3A_53, %dma_start3A_54] : memref<325632x128xf32, #tpu.memory_space<hbm>> -> memref<96x128xf32, #tpu.memory_space<hbm>>
      %dma_start3A_56 = arith.constant 0 : i32
      %dma_start3A_57 = tpu.memref_slice %arg3[%add3A_53, %dma_start3A_56] : memref<325632x128xf32, #tpu.memory_space<hbm>> -> memref<96x128xf32, #tpu.memory_space<hbm>>
      tpu.enqueue_dma source(%dma_start3A_57 : memref<96x128xf32, #tpu.memory_space<hbm>>) target(%arg16 : memref<96x128xf32, #tpu.memory_space<vmem>>) target_semaphore(%arg23 : memref<!tpu.dma_semaphore, #tpu.memory_space<semaphore_mem>>)
      %dma_wait3A_58 = tpu.memref_slice %arg4[%add3A_31] : memref<162816xi32, #tpu.memory_space<hbm>> -> memref<96xi32, #tpu.memory_space<hbm>>
      %dma_wait3A_59 = tpu.memref_slice %arg4[%add3A_31] : memref<162816xi32, #tpu.memory_space<hbm>> -> memref<96xi32, #tpu.memory_space<hbm>>
      tpu.wait_dma2 semaphore(%arg20 : memref<!tpu.dma_semaphore, #tpu.memory_space<semaphore_mem>>) src(%dma_wait3A_59 : memref<96xi32, #tpu.memory_space<hbm>>) dst(%arg9 : memref<96xi32, #tpu.memory_space<vmem>>)
      %dma_wait3A_60 = tpu.memref_slice %arg5[%add3A_31] : memref<162816xi32, #tpu.memory_space<hbm>> -> memref<96xi32, #tpu.memory_space<hbm>>
      %dma_wait3A_61 = tpu.memref_slice %arg5[%add3A_31] : memref<162816xi32, #tpu.memory_space<hbm>> -> memref<96xi32, #tpu.memory_space<hbm>>
      tpu.wait_dma2 semaphore(%arg20 : memref<!tpu.dma_semaphore, #tpu.memory_space<semaphore_mem>>) src(%dma_wait3A_61 : memref<96xi32, #tpu.memory_space<hbm>>) dst(%arg11 : memref<96xi32, #tpu.memory_space<vmem>>)
      %scan3A_62 = arith.constant 0 : i32
      %scan3A_63 = arith.constant 6 : i32
      %scan3A_64 = arith.addi %scan3A_62, %scan3A_63 : i32
      %scan3A_65 = arith.constant 1 : i32
      scf.for %scan3A_107 = %scan3A_62 to %scan3A_64 step %scan3A_65  : i32 {
        %mul3A_108 = arith.constant 1 : i32
        %mul3A_109 = arith.muli %scan3A_107, %mul3A_108 : i32
        %add3A_110 = arith.constant 0 : i32
        %add3A_111 = arith.addi %add3A_110, %mul3A_109 : i32
        %mul3A_112 = arith.constant 16 : i32
        %mul3A_113 = arith.muli %add3A_111, %mul3A_112 : i32
        %get3A = arith.index_cast %mul3A_113 : i32 to index
        %get3A_114 = tpu.vector_load %arg9[%get3A] {strides = array<i32>} : memref<96xi32, #tpu.memory_space<vmem>>, vector<16xi32>,
        %get3A_115 = vector.shape_cast %get3A_114 : vector<16xi32> to vector<16xi32>
        %mul3A_116 = arith.constant 2 : i32
        %mul3A_117 = vector.broadcast %mul3A_116 : i32 to vector<16xi32>
        %mul3A_118 = arith.muli %get3A_115, %mul3A_117 : vector<16xi32>
        %add3A_119 = vector.broadcast %arg0 : i32 to vector<16xi32>
        %add3A_120 = arith.addi %mul3A_118, %add3A_119 : vector<16xi32>
        %swap3A = arith.index_cast %mul3A_113 : i32 to index
        %swap3A_121 = tpu.vector_load %arg13[%swap3A] {strides = array<i32>} : memref<96xi32, #tpu.memory_space<vmem>>, vector<16xi32>,
        %swap3A_122 = vector.shape_cast %swap3A_121 : vector<16xi32> to vector<16xi32>
        %swap3A_123 = vector.shape_cast %add3A_120 : vector<16xi32> to vector<16xi32>
        tpu.vector_store %arg13[%swap3A], %swap3A_123 {strides = array<i32>} : memref<96xi32, #tpu.memory_space<vmem>>, vector<16xi32>,
      }
      %scan3A_66 = arith.constant 6 : i32
      %dma_start3A_67 = arith.constant 0 : i32
      %dma_start3A_68 = arith.constant 0 : i32
      %dma_start3A_69 = tpu.memref_slice %arg2[%dma_start3A_67, %dma_start3A_68] : memref<20000x128xf32, #tpu.memory_space<hbm>> -> memref<20000x128xf32, #tpu.memory_space<hbm>>
      tpu.enqueue_indirect_dma source(%dma_start3A_69 : memref<20000x128xf32, #tpu.memory_space<hbm>>) target(%arg15 : memref<96x128xf32, #tpu.memory_space<vmem>>) offsets(%arg13 : memref<96xi32, #tpu.memory_space<vmem>>) semaphore(%arg22 : memref<!tpu.dma_semaphore, #tpu.memory_space<semaphore_mem>>)
      %mul3A_70 = arith.constant 162816 : i32
      %mul3A_71 = arith.muli %arg0, %mul3A_70 : i32
      %add3A_72 = arith.addi %mul3A_71, %add3A_31 : i32
      %dma_start3A_73 = arith.constant 0 : i32
      %dma_start3A_74 = tpu.memref_slice %arg3[%add3A_72, %dma_start3A_73] : memref<325632x128xf32, #tpu.memory_space<hbm>> -> memref<96x128xf32, #tpu.memory_space<hbm>>
      %dma_start3A_75 = arith.constant 0 : i32
      %dma_start3A_76 = tpu.memref_slice %arg3[%add3A_72, %dma_start3A_75] : memref<325632x128xf32, #tpu.memory_space<hbm>> -> memref<96x128xf32, #tpu.memory_space<hbm>>
      tpu.enqueue_dma source(%dma_start3A_76 : memref<96x128xf32, #tpu.memory_space<hbm>>) target(%arg17 : memref<96x128xf32, #tpu.memory_space<vmem>>) target_semaphore(%arg24 : memref<!tpu.dma_semaphore, #tpu.memory_space<semaphore_mem>>)
      %dma_wait3A_77 = arith.constant 0 : i32
      %dma_wait3A_78 = arith.constant 0 : i32
      %dma_wait3A_79 = tpu.memref_slice %arg2[%dma_wait3A_77, %dma_wait3A_78] : memref<20000x128xf32, #tpu.memory_space<hbm>> -> memref<20000x128xf32, #tpu.memory_space<hbm>>
      tpu.wait_indirect_dma semaphore(%arg21 : memref<!tpu.dma_semaphore, #tpu.memory_space<semaphore_mem>>) src(%dma_wait3A_79 : memref<20000x128xf32, #tpu.memory_space<hbm>>) dst(%arg14 : memref<96x128xf32, #tpu.memory_space<vmem>>)
      %dma_wait3A_80 = arith.constant 0 : i32
      %dma_wait3A_81 = tpu.memref_slice %arg3[%add3A_53, %dma_wait3A_80] : memref<325632x128xf32, #tpu.memory_space<hbm>> -> memref<96x128xf32, #tpu.memory_space<hbm>>
      %dma_wait3A_82 = arith.constant 0 : i32
      %dma_wait3A_83 = tpu.memref_slice %arg3[%add3A_53, %dma_wait3A_82] : memref<325632x128xf32, #tpu.memory_space<hbm>> -> memref<96x128xf32, #tpu.memory_space<hbm>>
      tpu.wait_dma2 semaphore(%arg23 : memref<!tpu.dma_semaphore, #tpu.memory_space<semaphore_mem>>) src(%dma_wait3A_83 : memref<96x128xf32, #tpu.memory_space<hbm>>) dst(%arg16 : memref<96x128xf32, #tpu.memory_space<vmem>>)
      %scan3A_84 = arith.constant 0 : i32
      %scan3A_85 = arith.constant 96 : i32
      %scan3A_86 = arith.addi %scan3A_84, %scan3A_85 : i32
      %scan3A_87 = arith.constant 1 : i32
      scf.for %scan3A_107 = %scan3A_84 to %scan3A_86 step %scan3A_87  : i32 {
        %mul3A_108 = arith.constant 1 : i32
        %mul3A_109 = arith.muli %scan3A_107, %mul3A_108 : i32
        %add3A_110 = arith.constant 0 : i32
        %add3A_111 = arith.addi %add3A_110, %mul3A_109 : i32
        %get3A = arith.index_cast %add3A_111 : i32 to index
        %get3A_112 = arith.constant 0 : index
        %get3A_113 = tpu.vector_load %arg14[%get3A, %get3A_112] {strides = array<i32>} : memref<96x128xf32, #tpu.memory_space<vmem>>, vector<1x16xf32>,
        %get3A_114 = vector.shape_cast %get3A_113 : vector<1x16xf32> to vector<16xf32>
        %get3A_115 = arith.index_cast %add3A_111 : i32 to index
        %get3A_116 = arith.constant 0 : index
        %get3A_117 = tpu.vector_load %arg16[%get3A_115, %get3A_116] {strides = array<i32>} : memref<96x128xf32, #tpu.memory_space<vmem>>, vector<1x16xf32>,
        %get3A_118 = vector.shape_cast %get3A_117 : vector<1x16xf32> to vector<16xf32>
        %add3A_119 = arith.addf %get3A_114, %get3A_118 : vector<16xf32>
        %max3A = arith.constant 0.000000e+00 : f32
        %max3A_120 = vector.broadcast %max3A : f32 to vector<16xf32>
        %max3A_121 = arith.maximumf %add3A_119, %max3A_120 : vector<16xf32>
        %swap3A = arith.index_cast %add3A_111 : i32 to index
        %swap3A_122 = arith.constant 0 : index
        %swap3A_123 = tpu.vector_load %arg14[%swap3A, %swap3A_122] {strides = array<i32>} : memref<96x128xf32, #tpu.memory_space<vmem>>, vector<1x16xf32>,
        %swap3A_124 = vector.shape_cast %swap3A_123 : vector<1x16xf32> to vector<16xf32>
        %swap3A_125 = vector.shape_cast %max3A_121 : vector<16xf32> to vector<1x16xf32>
        tpu.vector_store %arg14[%swap3A, %swap3A_122], %swap3A_125 {strides = array<i32>} : memref<96x128xf32, #tpu.memory_space<vmem>>, vector<1x16xf32>,
        %get3A_126 = arith.index_cast %add3A_111 : i32 to index
        %get3A_127 = arith.constant 16 : index
        %get3A_128 = tpu.vector_load %arg14[%get3A_126, %get3A_127] {strides = array<i32>} : memref<96x128xf32, #tpu.memory_space<vmem>>, vector<1x16xf32>,
        %get3A_129 = vector.shape_cast %get3A_128 : vector<1x16xf32> to vector<16xf32>
        %get3A_130 = arith.index_cast %add3A_111 : i32 to index
        %get3A_131 = arith.constant 16 : index
        %get3A_132 = tpu.vector_load %arg16[%get3A_130, %get3A_131] {strides = array<i32>} : memref<96x128xf32, #tpu.memory_space<vmem>>, vector<1x16xf32>,
        %get3A_133 = vector.shape_cast %get3A_132 : vector<1x16xf32> to vector<16xf32>
        %add3A_134 = arith.addf %get3A_129, %get3A_133 : vector<16xf32>
        %max3A_135 = arith.constant 0.000000e+00 : f32
        %max3A_136 = vector.broadcast %max3A_135 : f32 to vector<16xf32>
        %max3A_137 = arith.maximumf %add3A_134, %max3A_136 : vector<16xf32>
        %swap3A_138 = arith.index_cast %add3A_111 : i32 to index
        %swap3A_139 = arith.constant 16 : index
        %swap3A_140 = tpu.vector_load %arg14[%swap3A_138, %swap3A_139] {strides = array<i32>} : memref<96x128xf32, #tpu.memory_space<vmem>>, vector<1x16xf32>,
        %swap3A_141 = vector.shape_cast %swap3A_140 : vector<1x16xf32> to vector<16xf32>
        %swap3A_142 = vector.shape_cast %max3A_137 : vector<16xf32> to vector<1x16xf32>
        tpu.vector_store %arg14[%swap3A_138, %swap3A_139], %swap3A_142 {strides = array<i32>} : memref<96x128xf32, #tpu.memory_space<vmem>>, vector<1x16xf32>,
        %get3A_143 = arith.index_cast %add3A_111 : i32 to index
        %get3A_144 = arith.constant 32 : index
        %get3A_145 = tpu.vector_load %arg14[%get3A_143, %get3A_144] {strides = array<i32>} : memref<96x128xf32, #tpu.memory_space<vmem>>, vector<1x16xf32>,
        %get3A_146 = vector.shape_cast %get3A_145 : vector<1x16xf32> to vector<16xf32>
        %get3A_147 = arith.index_cast %add3A_111 : i32 to index
        %get3A_148 = arith.constant 32 : index
        %get3A_149 = tpu.vector_load %arg16[%get3A_147, %get3A_148] {strides = array<i32>} : memref<96x128xf32, #tpu.memory_space<vmem>>, vector<1x16xf32>,
        %get3A_150 = vector.shape_cast %get3A_149 : vector<1x16xf32> to vector<16xf32>
        %add3A_151 = arith.addf %get3A_146, %get3A_150 : vector<16xf32>
        %max3A_152 = arith.constant 0.000000e+00 : f32
        %max3A_153 = vector.broadcast %max3A_152 : f32 to vector<16xf32>
        %max3A_154 = arith.maximumf %add3A_151, %max3A_153 : vector<16xf32>
        %swap3A_155 = arith.index_cast %add3A_111 : i32 to index
        %swap3A_156 = arith.constant 32 : index
        %swap3A_157 = tpu.vector_load %arg14[%swap3A_155, %swap3A_156] {strides = array<i32>} : memref<96x128xf32, #tpu.memory_space<vmem>>, vector<1x16xf32>,
        %swap3A_158 = vector.shape_cast %swap3A_157 : vector<1x16xf32> to vector<16xf32>
        %swap3A_159 = vector.shape_cast %max3A_154 : vector<16xf32> to vector<1x16xf32>
        tpu.vector_store %arg14[%swap3A_155, %swap3A_156], %swap3A_159 {strides = array<i32>} : memref<96x128xf32, #tpu.memory_space<vmem>>, vector<1x16xf32>,
        %get3A_160 = arith.index_cast %add3A_111 : i32 to index
        %get3A_161 = arith.constant 48 : index
        %get3A_162 = tpu.vector_load %arg14[%get3A_160, %get3A_161] {strides = array<i32>} : memref<96x128xf32, #tpu.memory_space<vmem>>, vector<1x16xf32>,
        %get3A_163 = vector.shape_cast %get3A_162 : vector<1x16xf32> to vector<16xf32>
        %get3A_164 = arith.index_cast %add3A_111 : i32 to index
        %get3A_165 = arith.constant 48 : index
        %get3A_166 = tpu.vector_load %arg16[%get3A_164, %get3A_165] {strides = array<i32>} : memref<96x128xf32, #tpu.memory_space<vmem>>, vector<1x16xf32>,
        %get3A_167 = vector.shape_cast %get3A_166 : vector<1x16xf32> to vector<16xf32>
        %add3A_168 = arith.addf %get3A_163, %get3A_167 : vector<16xf32>
        %max3A_169 = arith.constant 0.000000e+00 : f32
        %max3A_170 = vector.broadcast %max3A_169 : f32 to vector<16xf32>
        %max3A_171 = arith.maximumf %add3A_168, %max3A_170 : vector<16xf32>
        %swap3A_172 = arith.index_cast %add3A_111 : i32 to index
        %swap3A_173 = arith.constant 48 : index
        %swap3A_174 = tpu.vector_load %arg14[%swap3A_172, %swap3A_173] {strides = array<i32>} : memref<96x128xf32, #tpu.memory_space<vmem>>, vector<1x16xf32>,
        %swap3A_175 = vector.shape_cast %swap3A_174 : vector<1x16xf32> to vector<16xf32>
        %swap3A_176 = vector.shape_cast %max3A_171 : vector<16xf32> to vector<1x16xf32>
        tpu.vector_store %arg14[%swap3A_172, %swap3A_173], %swap3A_176 {strides = array<i32>} : memref<96x128xf32, #tpu.memory_space<vmem>>, vector<1x16xf32>,
        %get3A_177 = arith.index_cast %add3A_111 : i32 to index
        %get3A_178 = arith.constant 64 : index
        %get3A_179 = tpu.vector_load %arg14[%get3A_177, %get3A_178] {strides = array<i32>} : memref<96x128xf32, #tpu.memory_space<vmem>>, vector<1x16xf32>,
        %get3A_180 = vector.shape_cast %get3A_179 : vector<1x16xf32> to vector<16xf32>
        %get3A_181 = arith.index_cast %add3A_111 : i32 to index
        %get3A_182 = arith.constant 64 : index
        %get3A_183 = tpu.vector_load %arg16[%get3A_181, %get3A_182] {strides = array<i32>} : memref<96x128xf32, #tpu.memory_space<vmem>>, vector<1x16xf32>,
        %get3A_184 = vector.shape_cast %get3A_183 : vector<1x16xf32> to vector<16xf32>
        %add3A_185 = arith.addf %get3A_180, %get3A_184 : vector<16xf32>
        %max3A_186 = arith.constant 0.000000e+00 : f32
        %max3A_187 = vector.broadcast %max3A_186 : f32 to vector<16xf32>
        %max3A_188 = arith.maximumf %add3A_185, %max3A_187 : vector<16xf32>
        %swap3A_189 = arith.index_cast %add3A_111 : i32 to index
        %swap3A_190 = arith.constant 64 : index
        %swap3A_191 = tpu.vector_load %arg14[%swap3A_189, %swap3A_190] {strides = array<i32>} : memref<96x128xf32, #tpu.memory_space<vmem>>, vector<1x16xf32>,
        %swap3A_192 = vector.shape_cast %swap3A_191 : vector<1x16xf32> to vector<16xf32>
        %swap3A_193 = vector.shape_cast %max3A_188 : vector<16xf32> to vector<1x16xf32>
        tpu.vector_store %arg14[%swap3A_189, %swap3A_190], %swap3A_193 {strides = array<i32>} : memref<96x128xf32, #tpu.memory_space<vmem>>, vector<1x16xf32>,
        %get3A_194 = arith.index_cast %add3A_111 : i32 to index
        %get3A_195 = arith.constant 80 : index
        %get3A_196 = tpu.vector_load %arg14[%get3A_194, %get3A_195] {strides = array<i32>} : memref<96x128xf32, #tpu.memory_space<vmem>>, vector<1x16xf32>,
        %get3A_197 = vector.shape_cast %get3A_196 : vector<1x16xf32> to vector<16xf32>
        %get3A_198 = arith.index_cast %add3A_111 : i32 to index
        %get3A_199 = arith.constant 80 : index
        %get3A_200 = tpu.vector_load %arg16[%get3A_198, %get3A_199] {strides = array<i32>} : memref<96x128xf32, #tpu.memory_space<vmem>>, vector<1x16xf32>,
        %get3A_201 = vector.shape_cast %get3A_200 : vector<1x16xf32> to vector<16xf32>
        %add3A_202 = arith.addf %get3A_197, %get3A_201 : vector<16xf32>
        %max3A_203 = arith.constant 0.000000e+00 : f32
        %max3A_204 = vector.broadcast %max3A_203 : f32 to vector<16xf32>
        %max3A_205 = arith.maximumf %add3A_202, %max3A_204 : vector<16xf32>
        %swap3A_206 = arith.index_cast %add3A_111 : i32 to index
        %swap3A_207 = arith.constant 80 : index
        %swap3A_208 = tpu.vector_load %arg14[%swap3A_206, %swap3A_207] {strides = array<i32>} : memref<96x128xf32, #tpu.memory_space<vmem>>, vector<1x16xf32>,
        %swap3A_209 = vector.shape_cast %swap3A_208 : vector<1x16xf32> to vector<16xf32>
        %swap3A_210 = vector.shape_cast %max3A_205 : vector<16xf32> to vector<1x16xf32>
        tpu.vector_store %arg14[%swap3A_206, %swap3A_207], %swap3A_210 {strides = array<i32>} : memref<96x128xf32, #tpu.memory_space<vmem>>, vector<1x16xf32>,
        %get3A_211 = arith.index_cast %add3A_111 : i32 to index
        %get3A_212 = arith.constant 96 : index
        %get3A_213 = tpu.vector_load %arg14[%get3A_211, %get3A_212] {strides = array<i32>} : memref<96x128xf32, #tpu.memory_space<vmem>>, vector<1x16xf32>,
        %get3A_214 = vector.shape_cast %get3A_213 : vector<1x16xf32> to vector<16xf32>
        %get3A_215 = arith.index_cast %add3A_111 : i32 to index
        %get3A_216 = arith.constant 96 : index
        %get3A_217 = tpu.vector_load %arg16[%get3A_215, %get3A_216] {strides = array<i32>} : memref<96x128xf32, #tpu.memory_space<vmem>>, vector<1x16xf32>,
        %get3A_218 = vector.shape_cast %get3A_217 : vector<1x16xf32> to vector<16xf32>
        %add3A_219 = arith.addf %get3A_214, %get3A_218 : vector<16xf32>
        %max3A_220 = arith.constant 0.000000e+00 : f32
        %max3A_221 = vector.broadcast %max3A_220 : f32 to vector<16xf32>
        %max3A_222 = arith.maximumf %add3A_219, %max3A_221 : vector<16xf32>
        %swap3A_223 = arith.index_cast %add3A_111 : i32 to index
        %swap3A_224 = arith.constant 96 : index
        %swap3A_225 = tpu.vector_load %arg14[%swap3A_223, %swap3A_224] {strides = array<i32>} : memref<96x128xf32, #tpu.memory_space<vmem>>, vector<1x16xf32>,
        %swap3A_226 = vector.shape_cast %swap3A_225 : vector<1x16xf32> to vector<16xf32>
        %swap3A_227 = vector.shape_cast %max3A_222 : vector<16xf32> to vector<1x16xf32>
        tpu.vector_store %arg14[%swap3A_223, %swap3A_224], %swap3A_227 {strides = array<i32>} : memref<96x128xf32, #tpu.memory_space<vmem>>, vector<1x16xf32>,
        %get3A_228 = arith.index_cast %add3A_111 : i32 to index
        %get3A_229 = arith.constant 112 : index
        %get3A_230 = tpu.vector_load %arg14[%get3A_228, %get3A_229] {strides = array<i32>} : memref<96x128xf32, #tpu.memory_space<vmem>>, vector<1x16xf32>,
        %get3A_231 = vector.shape_cast %get3A_230 : vector<1x16xf32> to vector<16xf32>
        %get3A_232 = arith.index_cast %add3A_111 : i32 to index
        %get3A_233 = arith.constant 112 : index
        %get3A_234 = tpu.vector_load %arg16[%get3A_232, %get3A_233] {strides = array<i32>} : memref<96x128xf32, #tpu.memory_space<vmem>>, vector<1x16xf32>,
        %get3A_235 = vector.shape_cast %get3A_234 : vector<1x16xf32> to vector<16xf32>
        %add3A_236 = arith.addf %get3A_231, %get3A_235 : vector<16xf32>
        %max3A_237 = arith.constant 0.000000e+00 : f32
        %max3A_238 = vector.broadcast %max3A_237 : f32 to vector<16xf32>
        %max3A_239 = arith.maximumf %add3A_236, %max3A_238 : vector<16xf32>
        %swap3A_240 = arith.index_cast %add3A_111 : i32 to index
        %swap3A_241 = arith.constant 112 : index
        %swap3A_242 = tpu.vector_load %arg14[%swap3A_240, %swap3A_241] {strides = array<i32>} : memref<96x128xf32, #tpu.memory_space<vmem>>, vector<1x16xf32>,
        %swap3A_243 = vector.shape_cast %swap3A_242 : vector<1x16xf32> to vector<16xf32>
        %swap3A_244 = vector.shape_cast %max3A_239 : vector<16xf32> to vector<1x16xf32>
        tpu.vector_store %arg14[%swap3A_240, %swap3A_241], %swap3A_244 {strides = array<i32>} : memref<96x128xf32, #tpu.memory_space<vmem>>, vector<1x16xf32>,
      }
      %scan3A_88 = arith.constant 96 : i32
      %dma_start3A_89 = arith.constant 0 : i32
      %dma_start3A_90 = arith.constant 0 : i32
      %dma_start3A_91 = tpu.memref_slice %arg18[%dma_start3A_89, %dma_start3A_90] : memref<10112x128xf32, #tpu.memory_space<vmem_shared>> -> memref<10112x128xf32, #tpu.memory_space<vmem_shared>>
      tpu.enqueue_indirect_dma source(%arg14 : memref<96x128xf32, #tpu.memory_space<vmem>>) target(%dma_start3A_91 : memref<10112x128xf32, #tpu.memory_space<vmem_shared>>) offsets(%arg10 : memref<96xi32, #tpu.memory_space<vmem>>) semaphore(%arg25 : memref<!tpu.dma_semaphore, #tpu.memory_space<semaphore_mem>>) {add = true}
      %dma_wait3A_92 = arith.constant 0 : i32
      %dma_wait3A_93 = arith.constant 0 : i32
      %dma_wait3A_94 = tpu.memref_slice %arg2[%dma_wait3A_92, %dma_wait3A_93] : memref<20000x128xf32, #tpu.memory_space<hbm>> -> memref<20000x128xf32, #tpu.memory_space<hbm>>
      tpu.wait_indirect_dma semaphore(%arg22 : memref<!tpu.dma_semaphore, #tpu.memory_space<semaphore_mem>>) src(%dma_wait3A_94 : memref<20000x128xf32, #tpu.memory_space<hbm>>) dst(%arg15 : memref<96x128xf32, #tpu.memory_space<vmem>>)
      %dma_wait3A_95 = arith.constant 0 : i32
      %dma_wait3A_96 = tpu.memref_slice %arg3[%add3A_72, %dma_wait3A_95] : memref<325632x128xf32, #tpu.memory_space<hbm>> -> memref<96x128xf32, #tpu.memory_space<hbm>>
      %dma_wait3A_97 = arith.constant 0 : i32
      %dma_wait3A_98 = tpu.memref_slice %arg3[%add3A_72, %dma_wait3A_97] : memref<325632x128xf32, #tpu.memory_space<hbm>> -> memref<96x128xf32, #tpu.memory_space<hbm>>
      tpu.wait_dma2 semaphore(%arg24 : memref<!tpu.dma_semaphore, #tpu.memory_space<semaphore_mem>>) src(%dma_wait3A_98 : memref<96x128xf32, #tpu.memory_space<hbm>>) dst(%arg17 : memref<96x128xf32, #tpu.memory_space<vmem>>)
      %scan3A_99 = arith.constant 0 : i32
      %scan3A_100 = arith.constant 96 : i32
      %scan3A_101 = arith.addi %scan3A_99, %scan3A_100 : i32
      %scan3A_102 = arith.constant 1 : i32
      scf.for %scan3A_107 = %scan3A_99 to %scan3A_101 step %scan3A_102  : i32 {
        %mul3A_108 = arith.constant 1 : i32
        %mul3A_109 = arith.muli %scan3A_107, %mul3A_108 : i32
        %add3A_110 = arith.constant 0 : i32
        %add3A_111 = arith.addi %add3A_110, %mul3A_109 : i32
        %get3A = arith.index_cast %add3A_111 : i32 to index
        %get3A_112 = arith.constant 0 : index
        %get3A_113 = tpu.vector_load %arg15[%get3A, %get3A_112] {strides = array<i32>} : memref<96x128xf32, #tpu.memory_space<vmem>>, vector<1x16xf32>,
        %get3A_114 = vector.shape_cast %get3A_113 : vector<1x16xf32> to vector<16xf32>
        %get3A_115 = arith.index_cast %add3A_111 : i32 to index
        %get3A_116 = arith.constant 0 : index
        %get3A_117 = tpu.vector_load %arg17[%get3A_115, %get3A_116] {strides = array<i32>} : memref<96x128xf32, #tpu.memory_space<vmem>>, vector<1x16xf32>,
        %get3A_118 = vector.shape_cast %get3A_117 : vector<1x16xf32> to vector<16xf32>
        %add3A_119 = arith.addf %get3A_114, %get3A_118 : vector<16xf32>
        %max3A = arith.constant 0.000000e+00 : f32
        %max3A_120 = vector.broadcast %max3A : f32 to vector<16xf32>
        %max3A_121 = arith.maximumf %add3A_119, %max3A_120 : vector<16xf32>
        %swap3A = arith.index_cast %add3A_111 : i32 to index
        %swap3A_122 = arith.constant 0 : index
        %swap3A_123 = tpu.vector_load %arg15[%swap3A, %swap3A_122] {strides = array<i32>} : memref<96x128xf32, #tpu.memory_space<vmem>>, vector<1x16xf32>,
        %swap3A_124 = vector.shape_cast %swap3A_123 : vector<1x16xf32> to vector<16xf32>
        %swap3A_125 = vector.shape_cast %max3A_121 : vector<16xf32> to vector<1x16xf32>
        tpu.vector_store %arg15[%swap3A, %swap3A_122], %swap3A_125 {strides = array<i32>} : memref<96x128xf32, #tpu.memory_space<vmem>>, vector<1x16xf32>,
        %get3A_126 = arith.index_cast %add3A_111 : i32 to index
        %get3A_127 = arith.constant 16 : index
        %get3A_128 = tpu.vector_load %arg15[%get3A_126, %get3A_127] {strides = array<i32>} : memref<96x128xf32, #tpu.memory_space<vmem>>, vector<1x16xf32>,
        %get3A_129 = vector.shape_cast %get3A_128 : vector<1x16xf32> to vector<16xf32>
        %get3A_130 = arith.index_cast %add3A_111 : i32 to index
        %get3A_131 = arith.constant 16 : index
        %get3A_132 = tpu.vector_load %arg17[%get3A_130, %get3A_131] {strides = array<i32>} : memref<96x128xf32, #tpu.memory_space<vmem>>, vector<1x16xf32>,
        %get3A_133 = vector.shape_cast %get3A_132 : vector<1x16xf32> to vector<16xf32>
        %add3A_134 = arith.addf %get3A_129, %get3A_133 : vector<16xf32>
        %max3A_135 = arith.constant 0.000000e+00 : f32
        %max3A_136 = vector.broadcast %max3A_135 : f32 to vector<16xf32>
        %max3A_137 = arith.maximumf %add3A_134, %max3A_136 : vector<16xf32>
        %swap3A_138 = arith.index_cast %add3A_111 : i32 to index
        %swap3A_139 = arith.constant 16 : index
        %swap3A_140 = tpu.vector_load %arg15[%swap3A_138, %swap3A_139] {strides = array<i32>} : memref<96x128xf32, #tpu.memory_space<vmem>>, vector<1x16xf32>,
        %swap3A_141 = vector.shape_cast %swap3A_140 : vector<1x16xf32> to vector<16xf32>
        %swap3A_142 = vector.shape_cast %max3A_137 : vector<16xf32> to vector<1x16xf32>
        tpu.vector_store %arg15[%swap3A_138, %swap3A_139], %swap3A_142 {strides = array<i32>} : memref<96x128xf32, #tpu.memory_space<vmem>>, vector<1x16xf32>,
        %get3A_143 = arith.index_cast %add3A_111 : i32 to index
        %get3A_144 = arith.constant 32 : index
        %get3A_145 = tpu.vector_load %arg15[%get3A_143, %get3A_144] {strides = array<i32>} : memref<96x128xf32, #tpu.memory_space<vmem>>, vector<1x16xf32>,
        %get3A_146 = vector.shape_cast %get3A_145 : vector<1x16xf32> to vector<16xf32>
        %get3A_147 = arith.index_cast %add3A_111 : i32 to index
        %get3A_148 = arith.constant 32 : index
        %get3A_149 = tpu.vector_load %arg17[%get3A_147, %get3A_148] {strides = array<i32>} : memref<96x128xf32, #tpu.memory_space<vmem>>, vector<1x16xf32>,
        %get3A_150 = vector.shape_cast %get3A_149 : vector<1x16xf32> to vector<16xf32>
        %add3A_151 = arith.addf %get3A_146, %get3A_150 : vector<16xf32>
        %max3A_152 = arith.constant 0.000000e+00 : f32
        %max3A_153 = vector.broadcast %max3A_152 : f32 to vector<16xf32>
        %max3A_154 = arith.maximumf %add3A_151, %max3A_153 : vector<16xf32>
        %swap3A_155 = arith.index_cast %add3A_111 : i32 to index
        %swap3A_156 = arith.constant 32 : index
        %swap3A_157 = tpu.vector_load %arg15[%swap3A_155, %swap3A_156] {strides = array<i32>} : memref<96x128xf32, #tpu.memory_space<vmem>>, vector<1x16xf32>,
        %swap3A_158 = vector.shape_cast %swap3A_157 : vector<1x16xf32> to vector<16xf32>
        %swap3A_159 = vector.shape_cast %max3A_154 : vector<16xf32> to vector<1x16xf32>
        tpu.vector_store %arg15[%swap3A_155, %swap3A_156], %swap3A_159 {strides = array<i32>} : memref<96x128xf32, #tpu.memory_space<vmem>>, vector<1x16xf32>,
        %get3A_160 = arith.index_cast %add3A_111 : i32 to index
        %get3A_161 = arith.constant 48 : index
        %get3A_162 = tpu.vector_load %arg15[%get3A_160, %get3A_161] {strides = array<i32>} : memref<96x128xf32, #tpu.memory_space<vmem>>, vector<1x16xf32>,
        %get3A_163 = vector.shape_cast %get3A_162 : vector<1x16xf32> to vector<16xf32>
        %get3A_164 = arith.index_cast %add3A_111 : i32 to index
        %get3A_165 = arith.constant 48 : index
        %get3A_166 = tpu.vector_load %arg17[%get3A_164, %get3A_165] {strides = array<i32>} : memref<96x128xf32, #tpu.memory_space<vmem>>, vector<1x16xf32>,
        %get3A_167 = vector.shape_cast %get3A_166 : vector<1x16xf32> to vector<16xf32>
        %add3A_168 = arith.addf %get3A_163, %get3A_167 : vector<16xf32>
        %max3A_169 = arith.constant 0.000000e+00 : f32
        %max3A_170 = vector.broadcast %max3A_169 : f32 to vector<16xf32>
        %max3A_171 = arith.maximumf %add3A_168, %max3A_170 : vector<16xf32>
        %swap3A_172 = arith.index_cast %add3A_111 : i32 to index
        %swap3A_173 = arith.constant 48 : index
        %swap3A_174 = tpu.vector_load %arg15[%swap3A_172, %swap3A_173] {strides = array<i32>} : memref<96x128xf32, #tpu.memory_space<vmem>>, vector<1x16xf32>,
        %swap3A_175 = vector.shape_cast %swap3A_174 : vector<1x16xf32> to vector<16xf32>
        %swap3A_176 = vector.shape_cast %max3A_171 : vector<16xf32> to vector<1x16xf32>
        tpu.vector_store %arg15[%swap3A_172, %swap3A_173], %swap3A_176 {strides = array<i32>} : memref<96x128xf32, #tpu.memory_space<vmem>>, vector<1x16xf32>,
        %get3A_177 = arith.index_cast %add3A_111 : i32 to index
        %get3A_178 = arith.constant 64 : index
        %get3A_179 = tpu.vector_load %arg15[%get3A_177, %get3A_178] {strides = array<i32>} : memref<96x128xf32, #tpu.memory_space<vmem>>, vector<1x16xf32>,
        %get3A_180 = vector.shape_cast %get3A_179 : vector<1x16xf32> to vector<16xf32>
        %get3A_181 = arith.index_cast %add3A_111 : i32 to index
        %get3A_182 = arith.constant 64 : index
        %get3A_183 = tpu.vector_load %arg17[%get3A_181, %get3A_182] {strides = array<i32>} : memref<96x128xf32, #tpu.memory_space<vmem>>, vector<1x16xf32>,
        %get3A_184 = vector.shape_cast %get3A_183 : vector<1x16xf32> to vector<16xf32>
        %add3A_185 = arith.addf %get3A_180, %get3A_184 : vector<16xf32>
        %max3A_186 = arith.constant 0.000000e+00 : f32
        %max3A_187 = vector.broadcast %max3A_186 : f32 to vector<16xf32>
        %max3A_188 = arith.maximumf %add3A_185, %max3A_187 : vector<16xf32>
        %swap3A_189 = arith.index_cast %add3A_111 : i32 to index
        %swap3A_190 = arith.constant 64 : index
        %swap3A_191 = tpu.vector_load %arg15[%swap3A_189, %swap3A_190] {strides = array<i32>} : memref<96x128xf32, #tpu.memory_space<vmem>>, vector<1x16xf32>,
        %swap3A_192 = vector.shape_cast %swap3A_191 : vector<1x16xf32> to vector<16xf32>
        %swap3A_193 = vector.shape_cast %max3A_188 : vector<16xf32> to vector<1x16xf32>
        tpu.vector_store %arg15[%swap3A_189, %swap3A_190], %swap3A_193 {strides = array<i32>} : memref<96x128xf32, #tpu.memory_space<vmem>>, vector<1x16xf32>,
        %get3A_194 = arith.index_cast %add3A_111 : i32 to index
        %get3A_195 = arith.constant 80 : index
        %get3A_196 = tpu.vector_load %arg15[%get3A_194, %get3A_195] {strides = array<i32>} : memref<96x128xf32, #tpu.memory_space<vmem>>, vector<1x16xf32>,
        %get3A_197 = vector.shape_cast %get3A_196 : vector<1x16xf32> to vector<16xf32>
        %get3A_198 = arith.index_cast %add3A_111 : i32 to index
        %get3A_199 = arith.constant 80 : index
        %get3A_200 = tpu.vector_load %arg17[%get3A_198, %get3A_199] {strides = array<i32>} : memref<96x128xf32, #tpu.memory_space<vmem>>, vector<1x16xf32>,
        %get3A_201 = vector.shape_cast %get3A_200 : vector<1x16xf32> to vector<16xf32>
        %add3A_202 = arith.addf %get3A_197, %get3A_201 : vector<16xf32>
        %max3A_203 = arith.constant 0.000000e+00 : f32
        %max3A_204 = vector.broadcast %max3A_203 : f32 to vector<16xf32>
        %max3A_205 = arith.maximumf %add3A_202, %max3A_204 : vector<16xf32>
        %swap3A_206 = arith.index_cast %add3A_111 : i32 to index
        %swap3A_207 = arith.constant 80 : index
        %swap3A_208 = tpu.vector_load %arg15[%swap3A_206, %swap3A_207] {strides = array<i32>} : memref<96x128xf32, #tpu.memory_space<vmem>>, vector<1x16xf32>,
        %swap3A_209 = vector.shape_cast %swap3A_208 : vector<1x16xf32> to vector<16xf32>
        %swap3A_210 = vector.shape_cast %max3A_205 : vector<16xf32> to vector<1x16xf32>
        tpu.vector_store %arg15[%swap3A_206, %swap3A_207], %swap3A_210 {strides = array<i32>} : memref<96x128xf32, #tpu.memory_space<vmem>>, vector<1x16xf32>,
        %get3A_211 = arith.index_cast %add3A_111 : i32 to index
        %get3A_212 = arith.constant 96 : index
        %get3A_213 = tpu.vector_load %arg15[%get3A_211, %get3A_212] {strides = array<i32>} : memref<96x128xf32, #tpu.memory_space<vmem>>, vector<1x16xf32>,
        %get3A_214 = vector.shape_cast %get3A_213 : vector<1x16xf32> to vector<16xf32>
        %get3A_215 = arith.index_cast %add3A_111 : i32 to index
        %get3A_216 = arith.constant 96 : index
        %get3A_217 = tpu.vector_load %arg17[%get3A_215, %get3A_216] {strides = array<i32>} : memref<96x128xf32, #tpu.memory_space<vmem>>, vector<1x16xf32>,
        %get3A_218 = vector.shape_cast %get3A_217 : vector<1x16xf32> to vector<16xf32>
        %add3A_219 = arith.addf %get3A_214, %get3A_218 : vector<16xf32>
        %max3A_220 = arith.constant 0.000000e+00 : f32
        %max3A_221 = vector.broadcast %max3A_220 : f32 to vector<16xf32>
        %max3A_222 = arith.maximumf %add3A_219, %max3A_221 : vector<16xf32>
        %swap3A_223 = arith.index_cast %add3A_111 : i32 to index
        %swap3A_224 = arith.constant 96 : index
        %swap3A_225 = tpu.vector_load %arg15[%swap3A_223, %swap3A_224] {strides = array<i32>} : memref<96x128xf32, #tpu.memory_space<vmem>>, vector<1x16xf32>,
        %swap3A_226 = vector.shape_cast %swap3A_225 : vector<1x16xf32> to vector<16xf32>
        %swap3A_227 = vector.shape_cast %max3A_222 : vector<16xf32> to vector<1x16xf32>
        tpu.vector_store %arg15[%swap3A_223, %swap3A_224], %swap3A_227 {strides = array<i32>} : memref<96x128xf32, #tpu.memory_space<vmem>>, vector<1x16xf32>,
        %get3A_228 = arith.index_cast %add3A_111 : i32 to index
        %get3A_229 = arith.constant 112 : index
        %get3A_230 = tpu.vector_load %arg15[%get3A_228, %get3A_229] {strides = array<i32>} : memref<96x128xf32, #tpu.memory_space<vmem>>, vector<1x16xf32>,
        %get3A_231 = vector.shape_cast %get3A_230 : vector<1x16xf32> to vector<16xf32>
        %get3A_232 = arith.index_cast %add3A_111 : i32 to index
        %get3A_233 = arith.constant 112 : index
        %get3A_234 = tpu.vector_load %arg17[%get3A_232, %get3A_233] {strides = array<i32>} : memref<96x128xf32, #tpu.memory_space<vmem>>, vector<1x16xf32>,
        %get3A_235 = vector.shape_cast %get3A_234 : vector<1x16xf32> to vector<16xf32>
        %add3A_236 = arith.addf %get3A_231, %get3A_235 : vector<16xf32>
        %max3A_237 = arith.constant 0.000000e+00 : f32
        %max3A_238 = vector.broadcast %max3A_237 : f32 to vector<16xf32>
        %max3A_239 = arith.maximumf %add3A_236, %max3A_238 : vector<16xf32>
        %swap3A_240 = arith.index_cast %add3A_111 : i32 to index
        %swap3A_241 = arith.constant 112 : index
        %swap3A_242 = tpu.vector_load %arg15[%swap3A_240, %swap3A_241] {strides = array<i32>} : memref<96x128xf32, #tpu.memory_space<vmem>>, vector<1x16xf32>,
        %swap3A_243 = vector.shape_cast %swap3A_242 : vector<1x16xf32> to vector<16xf32>
        %swap3A_244 = vector.shape_cast %max3A_239 : vector<16xf32> to vector<1x16xf32>
        tpu.vector_store %arg15[%swap3A_240, %swap3A_241], %swap3A_244 {strides = array<i32>} : memref<96x128xf32, #tpu.memory_space<vmem>>, vector<1x16xf32>,
      }
      %scan3A_103 = arith.constant 96 : i32
      %dma_start3A_104 = arith.constant 0 : i32
      %dma_start3A_105 = arith.constant 0 : i32
      %dma_start3A_106 = tpu.memref_slice %arg18[%dma_start3A_104, %dma_start3A_105] : memref<10112x128xf32, #tpu.memory_space<vmem_shared>> -> memref<10112x128xf32, #tpu.memory_space<vmem_shared>>
      tpu.enqueue_indirect_dma source(%arg15 : memref<96x128xf32, #tpu.memory_space<vmem>>) target(%dma_start3A_106 : memref<10112x128xf32, #tpu.memory_space<vmem_shared>>) offsets(%arg11 : memref<96xi32, #tpu.memory_space<vmem>>) semaphore(%arg26 : memref<!tpu.dma_semaphore, #tpu.memory_space<semaphore_mem>>) {add = true}
    }
    %scan3A_4 = arith.constant 53 : i32
    %dma_wait3A = arith.constant 0 : i32
    %dma_wait3A_5 = arith.constant 0 : i32
    %dma_wait3A_6 = tpu.memref_slice %arg18[%dma_wait3A, %dma_wait3A_5] : memref<10112x128xf32, #tpu.memory_space<vmem_shared>> -> memref<10112x128xf32, #tpu.memory_space<vmem_shared>>
    tpu.wait_indirect_dma semaphore(%arg25 : memref<!tpu.dma_semaphore, #tpu.memory_space<semaphore_mem>>) src(%arg14 : memref<96x128xf32, #tpu.memory_space<vmem>>) dst(%dma_wait3A_6 : memref<10112x128xf32, #tpu.memory_space<vmem_shared>>)
    %dma_wait3A_7 = arith.constant 0 : i32
    %dma_wait3A_8 = arith.constant 0 : i32
    %dma_wait3A_9 = tpu.memref_slice %arg18[%dma_wait3A_7, %dma_wait3A_8] : memref<10112x128xf32, #tpu.memory_space<vmem_shared>> -> memref<10112x128xf32, #tpu.memory_space<vmem_shared>>
    tpu.wait_indirect_dma semaphore(%arg26 : memref<!tpu.dma_semaphore, #tpu.memory_space<semaphore_mem>>) src(%arg15 : memref<96x128xf32, #tpu.memory_space<vmem>>) dst(%dma_wait3A_9 : memref<10112x128xf32, #tpu.memory_space<vmem_shared>>)
    %barrier3A_10 = arith.constant 0 : index
    tpu.barrier barrier_id(%barrier3A_10)
    %lt3A = arith.constant 15 : i32
    %lt3A_11 = arith.cmpi slt, %arg1, %lt3A : i32
    %convert_element_type3A = arith.extui %lt3A_11 : i1 to i32
    %cond3A = arith.constant 0 : i32
    %cond3A_12 = arith.cmpi ne, %convert_element_type3A, %cond3A : i32
    scf.if %cond3A_12 {
      "tpu.region"() ({
        %run_scoped3A = tpu.sem_alloc : memref<!tpu.dma_semaphore, #tpu.memory_space<semaphore_mem>>
        %dma_start3A = arith.constant 0 : i32
        %dma_start3A_17 = tpu.memref_slice %arg7[%arg0, %mul3A_0, %dma_start3A] : memref<2x10000x128xf32, #tpu.memory_space<hbm>> -> memref<1x632x128xf32, #tpu.memory_space<hbm>>
        %dma_start3A_18 = tpu.memref_squeeze %dma_start3A_17 : memref<1x632x128xf32, #tpu.memory_space<hbm>> -> memref<632x128xf32, #tpu.memory_space<hbm>>
        %dma_start3A_19 = arith.constant 0 : i32
        %dma_start3A_20 = tpu.memref_slice %arg18[%mul3A_0, %dma_start3A_19] : memref<10112x128xf32, #tpu.memory_space<vmem_shared>> -> memref<632x128xf32, #tpu.memory_space<vmem_shared>>
        tpu.enqueue_dma source(%dma_start3A_20 : memref<632x128xf32, #tpu.memory_space<vmem_shared>>) target(%dma_start3A_18 : memref<632x128xf32, #tpu.memory_space<hbm>>) target_semaphore(%run_scoped3A : memref<!tpu.dma_semaphore, #tpu.memory_space<semaphore_mem>>)
        %dma_wait3A_21 = arith.constant 0 : i32
        %dma_wait3A_22 = tpu.memref_slice %arg7[%arg0, %mul3A_0, %dma_wait3A_21] : memref<2x10000x128xf32, #tpu.memory_space<hbm>> -> memref<1x632x128xf32, #tpu.memory_space<hbm>>
        %dma_wait3A_23 = tpu.memref_squeeze %dma_wait3A_22 : memref<1x632x128xf32, #tpu.memory_space<hbm>> -> memref<632x128xf32, #tpu.memory_space<hbm>>
        %dma_wait3A_24 = arith.constant 0 : i32
        %dma_wait3A_25 = tpu.memref_slice %arg18[%mul3A_0, %dma_wait3A_24] : memref<10112x128xf32, #tpu.memory_space<vmem_shared>> -> memref<632x128xf32, #tpu.memory_space<vmem_shared>>
        tpu.wait_dma2 semaphore(%run_scoped3A : memref<!tpu.dma_semaphore, #tpu.memory_space<semaphore_mem>>) src(%dma_wait3A_25 : memref<632x128xf32, #tpu.memory_space<vmem_shared>>) dst(%dma_wait3A_23 : memref<632x128xf32, #tpu.memory_space<hbm>>)
        tpu.yield
      }) : () -> ()
    } else {
    }
    %eq3A = arith.constant 15 : i32
    %eq3A_13 = arith.cmpi eq, %arg1, %eq3A : i32
    %convert_element_type3A_14 = arith.extui %eq3A_13 : i1 to i32
    %cond3A_15 = arith.constant 0 : i32
    %cond3A_16 = arith.cmpi ne, %convert_element_type3A_14, %cond3A_15 : i32
    scf.if %cond3A_16 {
      "tpu.region"() ({
        %run_scoped3A = tpu.sem_alloc : memref<!tpu.dma_semaphore, #tpu.memory_space<semaphore_mem>>
        %dma_start3A = arith.constant 0 : i32
        %dma_start3A_17 = tpu.memref_slice %arg7[%arg0, %mul3A_0, %dma_start3A] : memref<2x10000x128xf32, #tpu.memory_space<hbm>> -> memref<1x520x128xf32, #tpu.memory_space<hbm>>
        %dma_start3A_18 = tpu.memref_squeeze %dma_start3A_17 : memref<1x520x128xf32, #tpu.memory_space<hbm>> -> memref<520x128xf32, #tpu.memory_space<hbm>>
        %dma_start3A_19 = arith.constant 0 : i32
        %dma_start3A_20 = tpu.memref_slice %arg18[%mul3A_0, %dma_start3A_19] : memref<10112x128xf32, #tpu.memory_space<vmem_shared>> -> memref<520x128xf32, #tpu.memory_space<vmem_shared>>
        tpu.enqueue_dma source(%dma_start3A_20 : memref<520x128xf32, #tpu.memory_space<vmem_shared>>) target(%dma_start3A_18 : memref<520x128xf32, #tpu.memory_space<hbm>>) target_semaphore(%run_scoped3A : memref<!tpu.dma_semaphore, #tpu.memory_space<semaphore_mem>>)
        %dma_wait3A_21 = arith.constant 0 : i32
        %dma_wait3A_22 = tpu.memref_slice %arg7[%arg0, %mul3A_0, %dma_wait3A_21] : memref<2x10000x128xf32, #tpu.memory_space<hbm>> -> memref<1x520x128xf32, #tpu.memory_space<hbm>>
        %dma_wait3A_23 = tpu.memref_squeeze %dma_wait3A_22 : memref<1x520x128xf32, #tpu.memory_space<hbm>> -> memref<520x128xf32, #tpu.memory_space<hbm>>
        %dma_wait3A_24 = arith.constant 0 : i32
        %dma_wait3A_25 = tpu.memref_slice %arg18[%mul3A_0, %dma_wait3A_24] : memref<10112x128xf32, #tpu.memory_space<vmem_shared>> -> memref<520x128xf32, #tpu.memory_space<vmem_shared>>
        tpu.wait_dma2 semaphore(%run_scoped3A : memref<!tpu.dma_semaphore, #tpu.memory_space<semaphore_mem>>) src(%dma_wait3A_25 : memref<520x128xf32, #tpu.memory_space<vmem_shared>>) dst(%dma_wait3A_23 : memref<520x128xf32, #tpu.memory_space<hbm>>)
        tpu.yield
      }) : () -> ()
    } else {
    }
    return
  }
}

module attributes {stable_mosaic.version = 14 : i64} {
  func.func @_mlp_body(%arg0: i32, %arg1: memref<2000x256xf32, #tpu.memory_space<vmem>>, %arg2: memref<1x2000x128xf32, #tpu.memory_space<vmem>>, %arg3: memref<1x2000x128xf32, #tpu.memory_space<vmem>>, %arg4: memref<256x256xf32, #tpu.memory_space<vmem>>, %arg5: memref<1x256xf32, #tpu.memory_space<vmem>>, %arg6: memref<256x256xf32, #tpu.memory_space<vmem>>, %arg7: memref<1x256xf32, #tpu.memory_space<vmem>>, %arg8: memref<2000x256xf32, #tpu.memory_space<vmem>>, %arg9: memref<8x256xf32, #tpu.memory_space<vmem>>, %arg10: memref<8x256xf32, #tpu.memory_space<vmem>>) attributes {dimension_semantics = [#tpu.dimension_semantics<arbitrary>], iteration_bounds = array<i64: 5>, scalar_prefetch = 0 : i64, scratch_operands = 1 : i64, tpu.core_type = #tpu.core_type<tc>, window_params = [{transform_indices = @transform_0, window_bounds = array<i64: 2000, 256>}, {transform_indices = @transform_1, window_bounds = array<i64: 1, 2000, 128>}, {transform_indices = @transform_2, window_bounds = array<i64: 1, 2000, 128>}, {pipeline_mode = #tpu.pipeline_mode<synchronous>, transform_indices = @transform_3, window_bounds = array<i64: 256, 256>}, {pipeline_mode = #tpu.pipeline_mode<synchronous>, transform_indices = @transform_4, window_bounds = array<i64: 1, 256>}, {pipeline_mode = #tpu.pipeline_mode<synchronous>, transform_indices = @transform_5, window_bounds = array<i64: 256, 256>}, {pipeline_mode = #tpu.pipeline_mode<synchronous>, transform_indices = @transform_6, window_bounds = array<i64: 1, 256>}, {transform_indices = @transform_7, window_bounds = array<i64: 2000, 256>}, {pipeline_mode = #tpu.pipeline_mode<synchronous>, transform_indices = @transform_8, window_bounds = array<i64: 8, 256>}]} {
    %get3A = arith.constant 0 : index
    %get3A_0 = arith.constant 0 : index
    %get3A_1 = arith.constant 0 : index
    %get3A_2 = vector.load %arg2[%get3A, %get3A_0, %get3A_1] : memref<1x2000x128xf32, #tpu.memory_space<vmem>>, vector<1x2000x128xf32>
    %get3A_3 = vector.shape_cast %get3A_2 : vector<1x2000x128xf32> to vector<2000x128xf32>
    %get3A_4 = arith.constant 0 : index
    %get3A_5 = arith.constant 0 : index
    %get3A_6 = arith.constant 0 : index
    %get3A_7 = vector.load %arg3[%get3A_4, %get3A_5, %get3A_6] : memref<1x2000x128xf32, #tpu.memory_space<vmem>>, vector<1x2000x128xf32>
    %get3A_8 = vector.shape_cast %get3A_7 : vector<1x2000x128xf32> to vector<2000x128xf32>
    %concatenate3A = tpu.concatenate %get3A_3, %get3A_8 in 1 : vector<2000x128xf32>, vector<2000x128xf32> -> vector<2000x256xf32>
    %get3A_9 = arith.constant 0 : index
    %get3A_10 = arith.constant 0 : index
    %get3A_11 = vector.load %arg1[%get3A_9, %get3A_10] : memref<2000x256xf32, #tpu.memory_space<vmem>>, vector<2000x256xf32>
    %add3A = arith.addf %get3A_11, %concatenate3A : vector<2000x256xf32>
    %get3A_12 = arith.constant 0 : index
    %get3A_13 = arith.constant 0 : index
    %get3A_14 = vector.load %arg4[%get3A_12, %get3A_13] : memref<256x256xf32, #tpu.memory_space<vmem>>, vector<256x256xf32>
    %dot_general3A = arith.constant dense<0.000000e+00> : vector<2000x256xf32>
    %dot_general3A_15 = tpu.matmul %add3A, %get3A_14, %dot_general3A {dimension_numbers = #tpu.dot_dimension_numbers<[1], [0], [0], [1], [0, 0, 1, 1], [], []>, transpose_lhs_hint = false} : vector<2000x256xf32>, vector<256x256xf32>, vector<2000x256xf32> -> vector<2000x256xf32>
    %get3A_16 = arith.constant 0 : index
    %get3A_17 = arith.constant 0 : index
    %get3A_18 = vector.load %arg5[%get3A_16, %get3A_17] : memref<1x256xf32, #tpu.memory_space<vmem>>, vector<1x256xf32>
    %add3A_19 = vector.broadcast %get3A_18 : vector<1x256xf32> to vector<2000x256xf32>
    %add3A_20 = arith.addf %dot_general3A_15, %add3A_19 : vector<2000x256xf32>
    %max3A = arith.constant 0.000000e+00 : f32
    %max3A_21 = vector.broadcast %max3A : f32 to vector<2000x256xf32>
    %max3A_22 = arith.maximumf %add3A_20, %max3A_21 : vector<2000x256xf32>
    %get3A_23 = arith.constant 0 : index
    %get3A_24 = arith.constant 0 : index
    %get3A_25 = vector.load %arg6[%get3A_23, %get3A_24] : memref<256x256xf32, #tpu.memory_space<vmem>>, vector<256x256xf32>
    %dot_general3A_26 = arith.constant dense<0.000000e+00> : vector<2000x256xf32>
    %dot_general3A_27 = tpu.matmul %max3A_22, %get3A_25, %dot_general3A_26 {dimension_numbers = #tpu.dot_dimension_numbers<[1], [0], [0], [1], [0, 0, 1, 1], [], []>, transpose_lhs_hint = false} : vector<2000x256xf32>, vector<256x256xf32>, vector<2000x256xf32> -> vector<2000x256xf32>
    %get3A_28 = arith.constant 0 : index
    %get3A_29 = arith.constant 0 : index
    %get3A_30 = vector.load %arg7[%get3A_28, %get3A_29] : memref<1x256xf32, #tpu.memory_space<vmem>>, vector<1x256xf32>
    %add3A_31 = vector.broadcast %get3A_30 : vector<1x256xf32> to vector<2000x256xf32>
    %add3A_32 = arith.addf %dot_general3A_27, %add3A_31 : vector<2000x256xf32>
    %swap3A = arith.constant 0 : index
    %swap3A_33 = arith.constant 0 : index
    %swap3A_34 = vector.load %arg8[%swap3A, %swap3A_33] : memref<2000x256xf32, #tpu.memory_space<vmem>>, vector<2000x256xf32>
    tpu.vector_store %arg8[%swap3A, %swap3A_33], %add3A_32 {strides = array<i32>} : memref<2000x256xf32, #tpu.memory_space<vmem>>, vector<2000x256xf32>,
    %eq3A = arith.constant 0 : i32
    %eq3A_35 = arith.cmpi eq, %arg0, %eq3A : i32
    %convert_element_type3A = arith.extui %eq3A_35 : i1 to i32
    %cond3A = arith.constant 0 : i32
    %cond3A_36 = arith.cmpi ne, %convert_element_type3A, %cond3A : i32
    scf.if %cond3A_36 {
      %broadcast_in_dim3A_61 = arith.constant 0.000000e+00 : f32
      %broadcast_in_dim3A_62 = vector.broadcast %broadcast_in_dim3A_61 : f32 to vector<8x256xf32>
      %swap3A_63 = arith.constant 0 : index
      %swap3A_64 = arith.constant 0 : index
      %swap3A_65 = vector.load %arg10[%swap3A_63, %swap3A_64] : memref<8x256xf32, #tpu.memory_space<vmem>>, vector<8x256xf32>
      tpu.vector_store %arg10[%swap3A_63, %swap3A_64], %broadcast_in_dim3A_62 {strides = array<i32>} : memref<8x256xf32, #tpu.memory_space<vmem>>, vector<8x256xf32>,
    } else {
    }
    %get3A_37 = arith.constant 0 : index
    %get3A_38 = arith.constant 0 : index
    %get3A_39 = vector.load %arg10[%get3A_37, %get3A_38] : memref<8x256xf32, #tpu.memory_space<vmem>>, vector<1x256xf32>
    %reduce_sum3A = arith.constant dense<0.000000e+00> : vector<256xf32>
    %reduce_sum3A_40 = vector.multi_reduction <add>, %add3A_32, %reduce_sum3A [0] : vector<2000x256xf32> to vector<256xf32>
    %broadcast_in_dim3A = vector.shape_cast %reduce_sum3A_40 : vector<256xf32> to vector<1x256xf32>
    %add3A_41 = arith.addf %get3A_39, %broadcast_in_dim3A : vector<1x256xf32>
    %swap3A_42 = arith.constant 0 : index
    %swap3A_43 = arith.constant 0 : index
    %swap3A_44 = vector.load %arg10[%swap3A_42, %swap3A_43] : memref<8x256xf32, #tpu.memory_space<vmem>>, vector<1x256xf32>
    tpu.vector_store %arg10[%swap3A_42, %swap3A_43], %add3A_41 {strides = array<i32>} : memref<8x256xf32, #tpu.memory_space<vmem>>, vector<1x256xf32>,
    %get3A_45 = arith.constant 1 : index
    %get3A_46 = arith.constant 0 : index
    %get3A_47 = vector.load %arg10[%get3A_45, %get3A_46] : memref<8x256xf32, #tpu.memory_space<vmem>>, vector<1x256xf32>
    %mul3A = arith.mulf %add3A_32, %add3A_32 : vector<2000x256xf32>
    %reduce_sum3A_48 = arith.constant dense<0.000000e+00> : vector<256xf32>
    %reduce_sum3A_49 = vector.multi_reduction <add>, %mul3A, %reduce_sum3A_48 [0] : vector<2000x256xf32> to vector<256xf32>
    %broadcast_in_dim3A_50 = vector.shape_cast %reduce_sum3A_49 : vector<256xf32> to vector<1x256xf32>
    %add3A_51 = arith.addf %get3A_47, %broadcast_in_dim3A_50 : vector<1x256xf32>
    %swap3A_52 = arith.constant 1 : index
    %swap3A_53 = arith.constant 0 : index
    %swap3A_54 = vector.load %arg10[%swap3A_52, %swap3A_53] : memref<8x256xf32, #tpu.memory_space<vmem>>, vector<1x256xf32>
    tpu.vector_store %arg10[%swap3A_52, %swap3A_53], %add3A_51 {strides = array<i32>} : memref<8x256xf32, #tpu.memory_space<vmem>>, vector<1x256xf32>,
    %get3A_55 = arith.constant 0 : index
    %get3A_56 = arith.constant 0 : index
    %get3A_57 = vector.load %arg10[%get3A_55, %get3A_56] : memref<8x256xf32, #tpu.memory_space<vmem>>, vector<8x256xf32>
    %swap3A_58 = arith.constant 0 : index
    %swap3A_59 = arith.constant 0 : index
    %swap3A_60 = vector.load %arg9[%swap3A_58, %swap3A_59] : memref<8x256xf32, #tpu.memory_space<vmem>>, vector<8x256xf32>
    tpu.vector_store %arg9[%swap3A_58, %swap3A_59], %get3A_57 {strides = array<i32>} : memref<8x256xf32, #tpu.memory_space<vmem>>, vector<8x256xf32>,
    return
  }
  func.func @transform_0(%arg0: i32) -> (i32, i32) {
    %c0_i32 = arith.constant 0 : i32
    %c0_i32_0 = arith.constant 0 : i32
    return %arg0, %c0_i32 : i32, i32
  }
  func.func @transform_1(%arg0: i32) -> (i32, i32, i32) {
    %c0_i32 = arith.constant 0 : i32
    %c0_i32_0 = arith.constant 0 : i32
    %c0_i32_1 = arith.constant 0 : i32
    return %c0_i32, %arg0, %c0_i32_0 : i32, i32, i32
  }
  func.func @transform_2(%arg0: i32) -> (i32, i32, i32) {
    %c1_i32 = arith.constant 1 : i32
    %c0_i32 = arith.constant 0 : i32
    %c0_i32_0 = arith.constant 0 : i32
    return %c1_i32, %arg0, %c0_i32 : i32, i32, i32
  }
  func.func @transform_3(%arg0: i32) -> (i32, i32) {
    %c0_i32 = arith.constant 0 : i32
    %c0_i32_0 = arith.constant 0 : i32
    %c0_i32_1 = arith.constant 0 : i32
    return %c0_i32, %c0_i32_0 : i32, i32
  }
  func.func @transform_4(%arg0: i32) -> (i32, i32) {
    %c0_i32 = arith.constant 0 : i32
    %c0_i32_0 = arith.constant 0 : i32
    %c0_i32_1 = arith.constant 0 : i32
    return %c0_i32, %c0_i32_0 : i32, i32
  }
  func.func @transform_5(%arg0: i32) -> (i32, i32) {
    %c0_i32 = arith.constant 0 : i32
    %c0_i32_0 = arith.constant 0 : i32
    %c0_i32_1 = arith.constant 0 : i32
    return %c0_i32, %c0_i32_0 : i32, i32
  }
  func.func @transform_6(%arg0: i32) -> (i32, i32) {
    %c0_i32 = arith.constant 0 : i32
    %c0_i32_0 = arith.constant 0 : i32
    %c0_i32_1 = arith.constant 0 : i32
    return %c0_i32, %c0_i32_0 : i32, i32
  }
  func.func @transform_7(%arg0: i32) -> (i32, i32) {
    %c0_i32 = arith.constant 0 : i32
    %c0_i32_0 = arith.constant 0 : i32
    return %arg0, %c0_i32 : i32, i32
  }
  func.func @transform_8(%arg0: i32) -> (i32, i32) {
    %c0_i32 = arith.constant 0 : i32
    %c0_i32_0 = arith.constant 0 : i32
    %c0_i32_1 = arith.constant 0 : i32
    return %c0_i32, %c0_i32_0 : i32, i32
  }
}

module attributes {stable_mosaic.version = 14 : i64} {
  func.func @_bnres_body(%arg0: i32, %arg1: memref<2000x256xf32, #tpu.memory_space<vmem>>, %arg2: memref<2000x256xf32, #tpu.memory_space<vmem>>, %arg3: memref<8x256xf32, #tpu.memory_space<vmem>>, %arg4: memref<1x256xf32, #tpu.memory_space<vmem>>, %arg5: memref<1x256xf32, #tpu.memory_space<vmem>>, %arg6: memref<1x1x2000xi32, #tpu.memory_space<vmem>>, %arg7: memref<2000x256xf32, #tpu.memory_space<vmem>>, %arg8: memref<16x256xf32, #tpu.memory_space<vmem>>, %arg9: memref<16x256xf32, #tpu.memory_space<vmem>>) attributes {dimension_semantics = [#tpu.dimension_semantics<arbitrary>], iteration_bounds = array<i64: 5>, scalar_prefetch = 0 : i64, scratch_operands = 1 : i64, tpu.core_type = #tpu.core_type<tc>, window_params = [{transform_indices = @transform_0, window_bounds = array<i64: 2000, 256>}, {transform_indices = @transform_1, window_bounds = array<i64: 2000, 256>}, {pipeline_mode = #tpu.pipeline_mode<synchronous>, transform_indices = @transform_2, window_bounds = array<i64: 8, 256>}, {pipeline_mode = #tpu.pipeline_mode<synchronous>, transform_indices = @transform_3, window_bounds = array<i64: 1, 256>}, {pipeline_mode = #tpu.pipeline_mode<synchronous>, transform_indices = @transform_4, window_bounds = array<i64: 1, 256>}, {transform_indices = @transform_5, window_bounds = array<i64: 1, 1, 2000>}, {transform_indices = @transform_6, window_bounds = array<i64: 2000, 256>}, {pipeline_mode = #tpu.pipeline_mode<synchronous>, transform_indices = @transform_7, window_bounds = array<i64: 16, 256>}]} {
    %get3A = arith.constant 0 : index
    %get3A_0 = arith.constant 0 : index
    %get3A_1 = vector.load %arg3[%get3A, %get3A_0] : memref<8x256xf32, #tpu.memory_space<vmem>>, vector<1x256xf32>
    %div3A = arith.constant 1.000000e+04 : f32
    %div3A_2 = vector.broadcast %div3A : f32 to vector<1x256xf32>
    %div3A_3 = arith.divf %get3A_1, %div3A_2 : vector<1x256xf32>
    %get3A_4 = arith.constant 1 : index
    %get3A_5 = arith.constant 0 : index
    %get3A_6 = vector.load %arg3[%get3A_4, %get3A_5] : memref<8x256xf32, #tpu.memory_space<vmem>>, vector<1x256xf32>
    %div3A_7 = arith.constant 1.000000e+04 : f32
    %div3A_8 = vector.broadcast %div3A_7 : f32 to vector<1x256xf32>
    %div3A_9 = arith.divf %get3A_6, %div3A_8 : vector<1x256xf32>
    %mul3A = arith.mulf %div3A_3, %div3A_3 : vector<1x256xf32>
    %sub3A = arith.subf %div3A_9, %mul3A : vector<1x256xf32>
    %get3A_10 = arith.constant 0 : index
    %get3A_11 = arith.constant 0 : index
    %get3A_12 = vector.load %arg4[%get3A_10, %get3A_11] : memref<1x256xf32, #tpu.memory_space<vmem>>, vector<1x256xf32>
    %add3A = arith.constant 9.99999974E-6 : f32
    %add3A_13 = vector.broadcast %add3A : f32 to vector<1x256xf32>
    %add3A_14 = arith.addf %sub3A, %add3A_13 : vector<1x256xf32>
    %rsqrt3A = math.rsqrt %add3A_14 : vector<1x256xf32>
    %mul3A_15 = arith.mulf %get3A_12, %rsqrt3A : vector<1x256xf32>
    %get3A_16 = arith.constant 0 : index
    %get3A_17 = arith.constant 0 : index
    %get3A_18 = vector.load %arg5[%get3A_16, %get3A_17] : memref<1x256xf32, #tpu.memory_space<vmem>>, vector<1x256xf32>
    %mul3A_19 = arith.mulf %div3A_3, %mul3A_15 : vector<1x256xf32>
    %sub3A_20 = arith.subf %get3A_18, %mul3A_19 : vector<1x256xf32>
    %get3A_21 = arith.constant 0 : index
    %get3A_22 = arith.constant 0 : index
    %get3A_23 = vector.load %arg1[%get3A_21, %get3A_22] : memref<2000x256xf32, #tpu.memory_space<vmem>>, vector<2000x256xf32>
    %get3A_24 = arith.constant 0 : index
    %get3A_25 = arith.constant 0 : index
    %get3A_26 = vector.load %arg2[%get3A_24, %get3A_25] : memref<2000x256xf32, #tpu.memory_space<vmem>>, vector<2000x256xf32>
    %mul3A_27 = vector.broadcast %mul3A_15 : vector<1x256xf32> to vector<2000x256xf32>
    %mul3A_28 = arith.mulf %get3A_26, %mul3A_27 : vector<2000x256xf32>
    %add3A_29 = vector.broadcast %sub3A_20 : vector<1x256xf32> to vector<2000x256xf32>
    %add3A_30 = arith.addf %mul3A_28, %add3A_29 : vector<2000x256xf32>
    %max3A = arith.constant 0.000000e+00 : f32
    %max3A_31 = vector.broadcast %max3A : f32 to vector<2000x256xf32>
    %max3A_32 = arith.maximumf %add3A_30, %max3A_31 : vector<2000x256xf32>
    %add3A_33 = arith.addf %get3A_23, %max3A_32 : vector<2000x256xf32>
    %swap3A = arith.constant 0 : index
    %swap3A_34 = arith.constant 0 : index
    %swap3A_35 = vector.load %arg7[%swap3A, %swap3A_34] : memref<2000x256xf32, #tpu.memory_space<vmem>>, vector<2000x256xf32>
    tpu.vector_store %arg7[%swap3A, %swap3A_34], %add3A_33 {strides = array<i32>} : memref<2000x256xf32, #tpu.memory_space<vmem>>, vector<2000x256xf32>,
    %get3A_36 = arith.constant 0 : index
    %get3A_37 = arith.constant 0 : index
    %get3A_38 = arith.constant 0 : index
    %get3A_39 = vector.load %arg6[%get3A_36, %get3A_37, %get3A_38] : memref<1x1x2000xi32, #tpu.memory_space<vmem>>, vector<1x1x2000xi32>
    %get3A_40 = vector.shape_cast %get3A_39 : vector<1x1x2000xi32> to vector<2000xi32>
    %broadcast_in_dim3A = vector.shape_cast %get3A_40 : vector<2000xi32> to vector<2000x1xi32>
    %iota3A = tpu.iota {dimensions = array<i32: 1>} : vector<2000x16xi32>
    %eq3A = vector.broadcast %broadcast_in_dim3A : vector<2000x1xi32> to vector<2000x16xi32>
    %eq3A_41 = arith.cmpi eq, %eq3A, %iota3A : vector<2000x16xi32>
    %convert_element_type3A = arith.extui %eq3A_41 : vector<2000x16xi1> to vector<2000x16xi32>
    %convert_element_type3A_42 = arith.sitofp %convert_element_type3A : vector<2000x16xi32> to vector<2000x16xf32>
    %dot_general3A = arith.constant dense<0.000000e+00> : vector<16x256xf32>
    %dot_general3A_43 = tpu.matmul %convert_element_type3A_42, %add3A_33, %dot_general3A {dimension_numbers = #tpu.dot_dimension_numbers<[0], [0], [1], [1], [0, 1, 1, 1], [], []>, precision = #tpu.contract_precision<fp32>, transpose_lhs_hint = false} : vector<2000x16xf32>, vector<2000x256xf32>, vector<16x256xf32> -> vector<16x256xf32>
    %eq3A_44 = arith.constant 0 : i32
    %eq3A_45 = arith.cmpi eq, %arg0, %eq3A_44 : i32
    %convert_element_type3A_46 = arith.extui %eq3A_45 : i1 to i32
    %cond3A = arith.constant 0 : i32
    %cond3A_47 = arith.cmpi ne, %convert_element_type3A_46, %cond3A : i32
    scf.if %cond3A_47 {
      %broadcast_in_dim3A_61 = arith.constant 0.000000e+00 : f32
      %broadcast_in_dim3A_62 = vector.broadcast %broadcast_in_dim3A_61 : f32 to vector<16x256xf32>
      %swap3A_63 = arith.constant 0 : index
      %swap3A_64 = arith.constant 0 : index
      %swap3A_65 = vector.load %arg9[%swap3A_63, %swap3A_64] : memref<16x256xf32, #tpu.memory_space<vmem>>, vector<16x256xf32>
      tpu.vector_store %arg9[%swap3A_63, %swap3A_64], %broadcast_in_dim3A_62 {strides = array<i32>} : memref<16x256xf32, #tpu.memory_space<vmem>>, vector<16x256xf32>,
    } else {
    }
    %get3A_48 = arith.constant 0 : index
    %get3A_49 = arith.constant 0 : index
    %get3A_50 = vector.load %arg9[%get3A_48, %get3A_49] : memref<16x256xf32, #tpu.memory_space<vmem>>, vector<16x256xf32>
    %add3A_51 = arith.addf %get3A_50, %dot_general3A_43 : vector<16x256xf32>
    %swap3A_52 = arith.constant 0 : index
    %swap3A_53 = arith.constant 0 : index
    %swap3A_54 = vector.load %arg9[%swap3A_52, %swap3A_53] : memref<16x256xf32, #tpu.memory_space<vmem>>, vector<16x256xf32>
    tpu.vector_store %arg9[%swap3A_52, %swap3A_53], %add3A_51 {strides = array<i32>} : memref<16x256xf32, #tpu.memory_space<vmem>>, vector<16x256xf32>,
    %get3A_55 = arith.constant 0 : index
    %get3A_56 = arith.constant 0 : index
    %get3A_57 = vector.load %arg9[%get3A_55, %get3A_56] : memref<16x256xf32, #tpu.memory_space<vmem>>, vector<16x256xf32>
    %swap3A_58 = arith.constant 0 : index
    %swap3A_59 = arith.constant 0 : index
    %swap3A_60 = vector.load %arg8[%swap3A_58, %swap3A_59] : memref<16x256xf32, #tpu.memory_space<vmem>>, vector<16x256xf32>
    tpu.vector_store %arg8[%swap3A_58, %swap3A_59], %get3A_57 {strides = array<i32>} : memref<16x256xf32, #tpu.memory_space<vmem>>, vector<16x256xf32>,
    return
  }
  func.func @transform_0(%arg0: i32) -> (i32, i32) {
    %c0_i32 = arith.constant 0 : i32
    %c0_i32_0 = arith.constant 0 : i32
    return %arg0, %c0_i32 : i32, i32
  }
  func.func @transform_1(%arg0: i32) -> (i32, i32) {
    %c0_i32 = arith.constant 0 : i32
    %c0_i32_0 = arith.constant 0 : i32
    return %arg0, %c0_i32 : i32, i32
  }
  func.func @transform_2(%arg0: i32) -> (i32, i32) {
    %c0_i32 = arith.constant 0 : i32
    %c0_i32_0 = arith.constant 0 : i32
    %c0_i32_1 = arith.constant 0 : i32
    return %c0_i32, %c0_i32_0 : i32, i32
  }
  func.func @transform_3(%arg0: i32) -> (i32, i32) {
    %c0_i32 = arith.constant 0 : i32
    %c0_i32_0 = arith.constant 0 : i32
    %c0_i32_1 = arith.constant 0 : i32
    return %c0_i32, %c0_i32_0 : i32, i32
  }
  func.func @transform_4(%arg0: i32) -> (i32, i32) {
    %c0_i32 = arith.constant 0 : i32
    %c0_i32_0 = arith.constant 0 : i32
    %c0_i32_1 = arith.constant 0 : i32
    return %c0_i32, %c0_i32_0 : i32, i32
  }
  func.func @transform_5(%arg0: i32) -> (i32, i32, i32) {
    %c0_i32 = arith.constant 0 : i32
    %c0_i32_0 = arith.constant 0 : i32
    %c0_i32_1 = arith.constant 0 : i32
    return %arg0, %c0_i32, %c0_i32_0 : i32, i32, i32
  }
  func.func @transform_6(%arg0: i32) -> (i32, i32) {
    %c0_i32 = arith.constant 0 : i32
    %c0_i32_0 = arith.constant 0 : i32
    return %arg0, %c0_i32 : i32, i32
  }
  func.func @transform_7(%arg0: i32) -> (i32, i32) {
    %c0_i32 = arith.constant 0 : i32
    %c0_i32_0 = arith.constant 0 : i32
    %c0_i32_1 = arith.constant 0 : i32
    return %c0_i32, %c0_i32_0 : i32, i32
  }
}

module attributes {stable_mosaic.version = 14 : i64} {
  func.func @_vn_mlp_body(%arg0: memref<16x256xf32, #tpu.memory_space<vmem>>, %arg1: memref<16x256xf32, #tpu.memory_space<vmem>>, %arg2: memref<256x256xf32, #tpu.memory_space<vmem>>, %arg3: memref<1x256xf32, #tpu.memory_space<vmem>>, %arg4: memref<1x256xf32, #tpu.memory_space<vmem>>, %arg5: memref<1x256xf32, #tpu.memory_space<vmem>>, %arg6: memref<256x256xf32, #tpu.memory_space<vmem>>, %arg7: memref<1x256xf32, #tpu.memory_space<vmem>>, %arg8: memref<1x256xf32, #tpu.memory_space<vmem>>, %arg9: memref<1x256xf32, #tpu.memory_space<vmem>>, %arg10: memref<16x256xf32, #tpu.memory_space<vmem>>) attributes {dimension_semantics = [], scalar_prefetch = 0 : i64, scratch_operands = 0 : i64, tpu.core_type = #tpu.core_type<tc>} {
    %get3A = arith.constant 0 : index
    %get3A_0 = arith.constant 0 : index
    %get3A_1 = vector.load %arg0[%get3A, %get3A_0] : memref<16x256xf32, #tpu.memory_space<vmem>>, vector<16x256xf32>
    %get3A_2 = arith.constant 0 : index
    %get3A_3 = arith.constant 0 : index
    %get3A_4 = vector.load %arg1[%get3A_2, %get3A_3] : memref<16x256xf32, #tpu.memory_space<vmem>>, vector<16x256xf32>
    %add3A = arith.addf %get3A_1, %get3A_4 : vector<16x256xf32>
    %get3A_5 = arith.constant 0 : index
    %get3A_6 = arith.constant 0 : index
    %get3A_7 = vector.load %arg2[%get3A_5, %get3A_6] : memref<256x256xf32, #tpu.memory_space<vmem>>, vector<256x256xf32>
    %dot_general3A = arith.constant dense<0.000000e+00> : vector<16x256xf32>
    %dot_general3A_8 = tpu.matmul %add3A, %get3A_7, %dot_general3A {dimension_numbers = #tpu.dot_dimension_numbers<[1], [0], [0], [1], [0, 0, 1, 1], [], []>, transpose_lhs_hint = false} : vector<16x256xf32>, vector<256x256xf32>, vector<16x256xf32> -> vector<16x256xf32>
    %get3A_9 = arith.constant 0 : index
    %get3A_10 = arith.constant 0 : index
    %get3A_11 = vector.load %arg3[%get3A_9, %get3A_10] : memref<1x256xf32, #tpu.memory_space<vmem>>, vector<1x256xf32>
    %add3A_12 = vector.broadcast %get3A_11 : vector<1x256xf32> to vector<16x256xf32>
    %add3A_13 = arith.addf %dot_general3A_8, %add3A_12 : vector<16x256xf32>
    %reduce_sum3A = arith.constant dense<0.000000e+00> : vector<256xf32>
    %reduce_sum3A_14 = vector.multi_reduction <add>, %add3A_13, %reduce_sum3A [0] : vector<16x256xf32> to vector<256xf32>
    %broadcast_in_dim3A = vector.shape_cast %reduce_sum3A_14 : vector<256xf32> to vector<1x256xf32>
    %div3A = arith.constant 1.600000e+01 : f32
    %div3A_15 = vector.broadcast %div3A : f32 to vector<1x256xf32>
    %div3A_16 = arith.divf %broadcast_in_dim3A, %div3A_15 : vector<1x256xf32>
    %mul3A = arith.mulf %add3A_13, %add3A_13 : vector<16x256xf32>
    %reduce_sum3A_17 = arith.constant dense<0.000000e+00> : vector<256xf32>
    %reduce_sum3A_18 = vector.multi_reduction <add>, %mul3A, %reduce_sum3A_17 [0] : vector<16x256xf32> to vector<256xf32>
    %broadcast_in_dim3A_19 = vector.shape_cast %reduce_sum3A_18 : vector<256xf32> to vector<1x256xf32>
    %div3A_20 = arith.constant 1.600000e+01 : f32
    %div3A_21 = vector.broadcast %div3A_20 : f32 to vector<1x256xf32>
    %div3A_22 = arith.divf %broadcast_in_dim3A_19, %div3A_21 : vector<1x256xf32>
    %mul3A_23 = arith.mulf %div3A_16, %div3A_16 : vector<1x256xf32>
    %sub3A = arith.subf %div3A_22, %mul3A_23 : vector<1x256xf32>
    %sub3A_24 = vector.broadcast %div3A_16 : vector<1x256xf32> to vector<16x256xf32>
    %sub3A_25 = arith.subf %add3A_13, %sub3A_24 : vector<16x256xf32>
    %add3A_26 = arith.constant 9.99999974E-6 : f32
    %add3A_27 = vector.broadcast %add3A_26 : f32 to vector<1x256xf32>
    %add3A_28 = arith.addf %sub3A, %add3A_27 : vector<1x256xf32>
    %rsqrt3A = math.rsqrt %add3A_28 : vector<1x256xf32>
    %mul3A_29 = vector.broadcast %rsqrt3A : vector<1x256xf32> to vector<16x256xf32>
    %mul3A_30 = arith.mulf %sub3A_25, %mul3A_29 : vector<16x256xf32>
    %get3A_31 = arith.constant 0 : index
    %get3A_32 = arith.constant 0 : index
    %get3A_33 = vector.load %arg4[%get3A_31, %get3A_32] : memref<1x256xf32, #tpu.memory_space<vmem>>, vector<1x256xf32>
    %mul3A_34 = vector.broadcast %get3A_33 : vector<1x256xf32> to vector<16x256xf32>
    %mul3A_35 = arith.mulf %mul3A_30, %mul3A_34 : vector<16x256xf32>
    %get3A_36 = arith.constant 0 : index
    %get3A_37 = arith.constant 0 : index
    %get3A_38 = vector.load %arg5[%get3A_36, %get3A_37] : memref<1x256xf32, #tpu.memory_space<vmem>>, vector<1x256xf32>
    %add3A_39 = vector.broadcast %get3A_38 : vector<1x256xf32> to vector<16x256xf32>
    %add3A_40 = arith.addf %mul3A_35, %add3A_39 : vector<16x256xf32>
    %max3A = arith.constant 0.000000e+00 : f32
    %max3A_41 = vector.broadcast %max3A : f32 to vector<16x256xf32>
    %max3A_42 = arith.maximumf %add3A_40, %max3A_41 : vector<16x256xf32>
    %get3A_43 = arith.constant 0 : index
    %get3A_44 = arith.constant 0 : index
    %get3A_45 = vector.load %arg6[%get3A_43, %get3A_44] : memref<256x256xf32, #tpu.memory_space<vmem>>, vector<256x256xf32>
    %dot_general3A_46 = arith.constant dense<0.000000e+00> : vector<16x256xf32>
    %dot_general3A_47 = tpu.matmul %max3A_42, %get3A_45, %dot_general3A_46 {dimension_numbers = #tpu.dot_dimension_numbers<[1], [0], [0], [1], [0, 0, 1, 1], [], []>, transpose_lhs_hint = false} : vector<16x256xf32>, vector<256x256xf32>, vector<16x256xf32> -> vector<16x256xf32>
    %get3A_48 = arith.constant 0 : index
    %get3A_49 = arith.constant 0 : index
    %get3A_50 = vector.load %arg7[%get3A_48, %get3A_49] : memref<1x256xf32, #tpu.memory_space<vmem>>, vector<1x256xf32>
    %add3A_51 = vector.broadcast %get3A_50 : vector<1x256xf32> to vector<16x256xf32>
    %add3A_52 = arith.addf %dot_general3A_47, %add3A_51 : vector<16x256xf32>
    %reduce_sum3A_53 = arith.constant dense<0.000000e+00> : vector<256xf32>
    %reduce_sum3A_54 = vector.multi_reduction <add>, %add3A_52, %reduce_sum3A_53 [0] : vector<16x256xf32> to vector<256xf32>
    %broadcast_in_dim3A_55 = vector.shape_cast %reduce_sum3A_54 : vector<256xf32> to vector<1x256xf32>
    %div3A_56 = arith.constant 1.600000e+01 : f32
    %div3A_57 = vector.broadcast %div3A_56 : f32 to vector<1x256xf32>
    %div3A_58 = arith.divf %broadcast_in_dim3A_55, %div3A_57 : vector<1x256xf32>
    %mul3A_59 = arith.mulf %add3A_52, %add3A_52 : vector<16x256xf32>
    %reduce_sum3A_60 = arith.constant dense<0.000000e+00> : vector<256xf32>
    %reduce_sum3A_61 = vector.multi_reduction <add>, %mul3A_59, %reduce_sum3A_60 [0] : vector<16x256xf32> to vector<256xf32>
    %broadcast_in_dim3A_62 = vector.shape_cast %reduce_sum3A_61 : vector<256xf32> to vector<1x256xf32>
    %div3A_63 = arith.constant 1.600000e+01 : f32
    %div3A_64 = vector.broadcast %div3A_63 : f32 to vector<1x256xf32>
    %div3A_65 = arith.divf %broadcast_in_dim3A_62, %div3A_64 : vector<1x256xf32>
    %mul3A_66 = arith.mulf %div3A_58, %div3A_58 : vector<1x256xf32>
    %sub3A_67 = arith.subf %div3A_65, %mul3A_66 : vector<1x256xf32>
    %sub3A_68 = vector.broadcast %div3A_58 : vector<1x256xf32> to vector<16x256xf32>
    %sub3A_69 = arith.subf %add3A_52, %sub3A_68 : vector<16x256xf32>
    %add3A_70 = arith.constant 9.99999974E-6 : f32
    %add3A_71 = vector.broadcast %add3A_70 : f32 to vector<1x256xf32>
    %add3A_72 = arith.addf %sub3A_67, %add3A_71 : vector<1x256xf32>
    %rsqrt3A_73 = math.rsqrt %add3A_72 : vector<1x256xf32>
    %mul3A_74 = vector.broadcast %rsqrt3A_73 : vector<1x256xf32> to vector<16x256xf32>
    %mul3A_75 = arith.mulf %sub3A_69, %mul3A_74 : vector<16x256xf32>
    %get3A_76 = arith.constant 0 : index
    %get3A_77 = arith.constant 0 : index
    %get3A_78 = vector.load %arg8[%get3A_76, %get3A_77] : memref<1x256xf32, #tpu.memory_space<vmem>>, vector<1x256xf32>
    %mul3A_79 = vector.broadcast %get3A_78 : vector<1x256xf32> to vector<16x256xf32>
    %mul3A_80 = arith.mulf %mul3A_75, %mul3A_79 : vector<16x256xf32>
    %get3A_81 = arith.constant 0 : index
    %get3A_82 = arith.constant 0 : index
    %get3A_83 = vector.load %arg9[%get3A_81, %get3A_82] : memref<1x256xf32, #tpu.memory_space<vmem>>, vector<1x256xf32>
    %add3A_84 = vector.broadcast %get3A_83 : vector<1x256xf32> to vector<16x256xf32>
    %add3A_85 = arith.addf %mul3A_80, %add3A_84 : vector<16x256xf32>
    %max3A_86 = arith.constant 0.000000e+00 : f32
    %max3A_87 = vector.broadcast %max3A_86 : f32 to vector<16x256xf32>
    %max3A_88 = arith.maximumf %add3A_85, %max3A_87 : vector<16x256xf32>
    %get3A_89 = arith.constant 0 : index
    %get3A_90 = arith.constant 0 : index
    %get3A_91 = vector.load %arg1[%get3A_89, %get3A_90] : memref<16x256xf32, #tpu.memory_space<vmem>>, vector<16x256xf32>
    %add3A_92 = arith.addf %get3A_91, %max3A_88 : vector<16x256xf32>
    %swap3A = arith.constant 0 : index
    %swap3A_93 = arith.constant 0 : index
    %swap3A_94 = vector.load %arg10[%swap3A, %swap3A_93] : memref<16x256xf32, #tpu.memory_space<vmem>>, vector<16x256xf32>
    tpu.vector_store %arg10[%swap3A, %swap3A_93], %add3A_92 {strides = array<i32>} : memref<16x256xf32, #tpu.memory_space<vmem>>, vector<16x256xf32>,
    return
  }
}

module attributes {stable_mosaic.version = 14 : i64} {
  func.func @_vn_add_body(%arg0: i32, %arg1: memref<2000x256xf32, #tpu.memory_space<vmem>>, %arg2: memref<16x256xf32, #tpu.memory_space<vmem>>, %arg3: memref<1x1x2000xi32, #tpu.memory_space<vmem>>, %arg4: memref<2000x256xf32, #tpu.memory_space<vmem>>) attributes {dimension_semantics = [#tpu.dimension_semantics<arbitrary>], iteration_bounds = array<i64: 5>, scalar_prefetch = 0 : i64, scratch_operands = 0 : i64, tpu.core_type = #tpu.core_type<tc>, window_params = [{transform_indices = @transform_0, window_bounds = array<i64: 2000, 256>}, {pipeline_mode = #tpu.pipeline_mode<synchronous>, transform_indices = @transform_1, window_bounds = array<i64: 16, 256>}, {transform_indices = @transform_2, window_bounds = array<i64: 1, 1, 2000>}, {transform_indices = @transform_3, window_bounds = array<i64: 2000, 256>}]} {
    %get3A = arith.constant 0 : index
    %get3A_0 = arith.constant 0 : index
    %get3A_1 = arith.constant 0 : index
    %get3A_2 = vector.load %arg3[%get3A, %get3A_0, %get3A_1] : memref<1x1x2000xi32, #tpu.memory_space<vmem>>, vector<1x1x2000xi32>
    %get3A_3 = vector.shape_cast %get3A_2 : vector<1x1x2000xi32> to vector<2000xi32>
    %broadcast_in_dim3A = vector.shape_cast %get3A_3 : vector<2000xi32> to vector<2000x1xi32>
    %iota3A = tpu.iota {dimensions = array<i32: 1>} : vector<2000x16xi32>
    %eq3A = vector.broadcast %broadcast_in_dim3A : vector<2000x1xi32> to vector<2000x16xi32>
    %eq3A_4 = arith.cmpi eq, %eq3A, %iota3A : vector<2000x16xi32>
    %convert_element_type3A = arith.extui %eq3A_4 : vector<2000x16xi1> to vector<2000x16xi32>
    %convert_element_type3A_5 = arith.sitofp %convert_element_type3A : vector<2000x16xi32> to vector<2000x16xf32>
    %get3A_6 = arith.constant 0 : index
    %get3A_7 = arith.constant 0 : index
    %get3A_8 = vector.load %arg1[%get3A_6, %get3A_7] : memref<2000x256xf32, #tpu.memory_space<vmem>>, vector<2000x256xf32>
    %get3A_9 = arith.constant 0 : index
    %get3A_10 = arith.constant 0 : index
    %get3A_11 = vector.load %arg2[%get3A_9, %get3A_10] : memref<16x256xf32, #tpu.memory_space<vmem>>, vector<16x256xf32>
    %dot_general3A = arith.constant dense<0.000000e+00> : vector<2000x256xf32>
    %dot_general3A_12 = tpu.matmul %convert_element_type3A_5, %get3A_11, %dot_general3A {dimension_numbers = #tpu.dot_dimension_numbers<[1], [0], [0], [1], [0, 0, 1, 1], [], []>, precision = #tpu.contract_precision<fp32>, transpose_lhs_hint = false} : vector<2000x16xf32>, vector<16x256xf32>, vector<2000x256xf32> -> vector<2000x256xf32>
    %add3A = arith.addf %get3A_8, %dot_general3A_12 : vector<2000x256xf32>
    %swap3A = arith.constant 0 : index
    %swap3A_13 = arith.constant 0 : index
    %swap3A_14 = vector.load %arg4[%swap3A, %swap3A_13] : memref<2000x256xf32, #tpu.memory_space<vmem>>, vector<2000x256xf32>
    tpu.vector_store %arg4[%swap3A, %swap3A_13], %add3A {strides = array<i32>} : memref<2000x256xf32, #tpu.memory_space<vmem>>, vector<2000x256xf32>,
    return
  }
  func.func @transform_0(%arg0: i32) -> (i32, i32) {
    %c0_i32 = arith.constant 0 : i32
    %c0_i32_0 = arith.constant 0 : i32
    return %arg0, %c0_i32 : i32, i32
  }
  func.func @transform_1(%arg0: i32) -> (i32, i32) {
    %c0_i32 = arith.constant 0 : i32
    %c0_i32_0 = arith.constant 0 : i32
    %c0_i32_1 = arith.constant 0 : i32
    return %c0_i32, %c0_i32_0 : i32, i32
  }
  func.func @transform_2(%arg0: i32) -> (i32, i32, i32) {
    %c0_i32 = arith.constant 0 : i32
    %c0_i32_0 = arith.constant 0 : i32
    %c0_i32_1 = arith.constant 0 : i32
    return %arg0, %c0_i32, %c0_i32_0 : i32, i32, i32
  }
  func.func @transform_3(%arg0: i32) -> (i32, i32) {
    %c0_i32 = arith.constant 0 : i32
    %c0_i32_0 = arith.constant 0 : i32
    return %arg0, %c0_i32 : i32, i32
  }
}

module attributes {stable_mosaic.version = 14 : i64} {
  func.func @_bnres_head_body(%arg0: i32, %arg1: memref<2000x256xf32, #tpu.memory_space<vmem>>, %arg2: memref<2000x256xf32, #tpu.memory_space<vmem>>, %arg3: memref<8x256xf32, #tpu.memory_space<vmem>>, %arg4: memref<1x256xf32, #tpu.memory_space<vmem>>, %arg5: memref<1x256xf32, #tpu.memory_space<vmem>>, %arg6: memref<256x256xf32, #tpu.memory_space<vmem>>, %arg7: memref<1x256xf32, #tpu.memory_space<vmem>>, %arg8: memref<2000x256xf32, #tpu.memory_space<vmem>>) attributes {dimension_semantics = [#tpu.dimension_semantics<arbitrary>], iteration_bounds = array<i64: 5>, scalar_prefetch = 0 : i64, scratch_operands = 0 : i64, tpu.core_type = #tpu.core_type<tc>, window_params = [{transform_indices = @transform_0, window_bounds = array<i64: 2000, 256>}, {transform_indices = @transform_1, window_bounds = array<i64: 2000, 256>}, {pipeline_mode = #tpu.pipeline_mode<synchronous>, transform_indices = @transform_2, window_bounds = array<i64: 8, 256>}, {pipeline_mode = #tpu.pipeline_mode<synchronous>, transform_indices = @transform_3, window_bounds = array<i64: 1, 256>}, {pipeline_mode = #tpu.pipeline_mode<synchronous>, transform_indices = @transform_4, window_bounds = array<i64: 1, 256>}, {pipeline_mode = #tpu.pipeline_mode<synchronous>, transform_indices = @transform_5, window_bounds = array<i64: 256, 256>}, {pipeline_mode = #tpu.pipeline_mode<synchronous>, transform_indices = @transform_6, window_bounds = array<i64: 1, 256>}, {transform_indices = @transform_7, window_bounds = array<i64: 2000, 256>}]} {
    %get3A = arith.constant 0 : index
    %get3A_0 = arith.constant 0 : index
    %get3A_1 = vector.load %arg3[%get3A, %get3A_0] : memref<8x256xf32, #tpu.memory_space<vmem>>, vector<1x256xf32>
    %div3A = arith.constant 1.000000e+04 : f32
    %div3A_2 = vector.broadcast %div3A : f32 to vector<1x256xf32>
    %div3A_3 = arith.divf %get3A_1, %div3A_2 : vector<1x256xf32>
    %get3A_4 = arith.constant 1 : index
    %get3A_5 = arith.constant 0 : index
    %get3A_6 = vector.load %arg3[%get3A_4, %get3A_5] : memref<8x256xf32, #tpu.memory_space<vmem>>, vector<1x256xf32>
    %div3A_7 = arith.constant 1.000000e+04 : f32
    %div3A_8 = vector.broadcast %div3A_7 : f32 to vector<1x256xf32>
    %div3A_9 = arith.divf %get3A_6, %div3A_8 : vector<1x256xf32>
    %mul3A = arith.mulf %div3A_3, %div3A_3 : vector<1x256xf32>
    %sub3A = arith.subf %div3A_9, %mul3A : vector<1x256xf32>
    %get3A_10 = arith.constant 0 : index
    %get3A_11 = arith.constant 0 : index
    %get3A_12 = vector.load %arg4[%get3A_10, %get3A_11] : memref<1x256xf32, #tpu.memory_space<vmem>>, vector<1x256xf32>
    %add3A = arith.constant 9.99999974E-6 : f32
    %add3A_13 = vector.broadcast %add3A : f32 to vector<1x256xf32>
    %add3A_14 = arith.addf %sub3A, %add3A_13 : vector<1x256xf32>
    %rsqrt3A = math.rsqrt %add3A_14 : vector<1x256xf32>
    %mul3A_15 = arith.mulf %get3A_12, %rsqrt3A : vector<1x256xf32>
    %get3A_16 = arith.constant 0 : index
    %get3A_17 = arith.constant 0 : index
    %get3A_18 = vector.load %arg5[%get3A_16, %get3A_17] : memref<1x256xf32, #tpu.memory_space<vmem>>, vector<1x256xf32>
    %mul3A_19 = arith.mulf %div3A_3, %mul3A_15 : vector<1x256xf32>
    %sub3A_20 = arith.subf %get3A_18, %mul3A_19 : vector<1x256xf32>
    %get3A_21 = arith.constant 0 : index
    %get3A_22 = arith.constant 0 : index
    %get3A_23 = vector.load %arg1[%get3A_21, %get3A_22] : memref<2000x256xf32, #tpu.memory_space<vmem>>, vector<2000x256xf32>
    %get3A_24 = arith.constant 0 : index
    %get3A_25 = arith.constant 0 : index
    %get3A_26 = vector.load %arg2[%get3A_24, %get3A_25] : memref<2000x256xf32, #tpu.memory_space<vmem>>, vector<2000x256xf32>
    %mul3A_27 = vector.broadcast %mul3A_15 : vector<1x256xf32> to vector<2000x256xf32>
    %mul3A_28 = arith.mulf %get3A_26, %mul3A_27 : vector<2000x256xf32>
    %add3A_29 = vector.broadcast %sub3A_20 : vector<1x256xf32> to vector<2000x256xf32>
    %add3A_30 = arith.addf %mul3A_28, %add3A_29 : vector<2000x256xf32>
    %max3A = arith.constant 0.000000e+00 : f32
    %max3A_31 = vector.broadcast %max3A : f32 to vector<2000x256xf32>
    %max3A_32 = arith.maximumf %add3A_30, %max3A_31 : vector<2000x256xf32>
    %add3A_33 = arith.addf %get3A_23, %max3A_32 : vector<2000x256xf32>
    %get3A_34 = arith.constant 0 : index
    %get3A_35 = arith.constant 0 : index
    %get3A_36 = vector.load %arg6[%get3A_34, %get3A_35] : memref<256x256xf32, #tpu.memory_space<vmem>>, vector<256x256xf32>
    %dot_general3A = arith.constant dense<0.000000e+00> : vector<2000x256xf32>
    %dot_general3A_37 = tpu.matmul %add3A_33, %get3A_36, %dot_general3A {dimension_numbers = #tpu.dot_dimension_numbers<[1], [0], [0], [1], [0, 0, 1, 1], [], []>, transpose_lhs_hint = false} : vector<2000x256xf32>, vector<256x256xf32>, vector<2000x256xf32> -> vector<2000x256xf32>
    %get3A_38 = arith.constant 0 : index
    %get3A_39 = arith.constant 0 : index
    %get3A_40 = vector.load %arg7[%get3A_38, %get3A_39] : memref<1x256xf32, #tpu.memory_space<vmem>>, vector<1x256xf32>
    %add3A_41 = vector.broadcast %get3A_40 : vector<1x256xf32> to vector<2000x256xf32>
    %add3A_42 = arith.addf %dot_general3A_37, %add3A_41 : vector<2000x256xf32>
    %swap3A = arith.constant 0 : index
    %swap3A_43 = arith.constant 0 : index
    %swap3A_44 = vector.load %arg8[%swap3A, %swap3A_43] : memref<2000x256xf32, #tpu.memory_space<vmem>>, vector<2000x256xf32>
    tpu.vector_store %arg8[%swap3A, %swap3A_43], %add3A_42 {strides = array<i32>} : memref<2000x256xf32, #tpu.memory_space<vmem>>, vector<2000x256xf32>,
    return
  }
  func.func @transform_0(%arg0: i32) -> (i32, i32) {
    %c0_i32 = arith.constant 0 : i32
    %c0_i32_0 = arith.constant 0 : i32
    return %arg0, %c0_i32 : i32, i32
  }
  func.func @transform_1(%arg0: i32) -> (i32, i32) {
    %c0_i32 = arith.constant 0 : i32
    %c0_i32_0 = arith.constant 0 : i32
    return %arg0, %c0_i32 : i32, i32
  }
  func.func @transform_2(%arg0: i32) -> (i32, i32) {
    %c0_i32 = arith.constant 0 : i32
    %c0_i32_0 = arith.constant 0 : i32
    %c0_i32_1 = arith.constant 0 : i32
    return %c0_i32, %c0_i32_0 : i32, i32
  }
  func.func @transform_3(%arg0: i32) -> (i32, i32) {
    %c0_i32 = arith.constant 0 : i32
    %c0_i32_0 = arith.constant 0 : i32
    %c0_i32_1 = arith.constant 0 : i32
    return %c0_i32, %c0_i32_0 : i32, i32
  }
  func.func @transform_4(%arg0: i32) -> (i32, i32) {
    %c0_i32 = arith.constant 0 : i32
    %c0_i32_0 = arith.constant 0 : i32
    %c0_i32_1 = arith.constant 0 : i32
    return %c0_i32, %c0_i32_0 : i32, i32
  }
  func.func @transform_5(%arg0: i32) -> (i32, i32) {
    %c0_i32 = arith.constant 0 : i32
    %c0_i32_0 = arith.constant 0 : i32
    %c0_i32_1 = arith.constant 0 : i32
    return %c0_i32, %c0_i32_0 : i32, i32
  }
  func.func @transform_6(%arg0: i32) -> (i32, i32) {
    %c0_i32 = arith.constant 0 : i32
    %c0_i32_0 = arith.constant 0 : i32
    %c0_i32_1 = arith.constant 0 : i32
    return %c0_i32, %c0_i32_0 : i32, i32
  }
  func.func @transform_7(%arg0: i32) -> (i32, i32) {
    %c0_i32 = arith.constant 0 : i32
    %c0_i32_0 = arith.constant 0 : i32
    return %arg0, %c0_i32 : i32, i32
  }
}

</mosaic_0001>

<sc_bundles>
// kernel: kernel.15.cloned.1.call-start
scs
__scs_entry_jumppad:
0x0: {  	(pc) =	sbr.rel $0x88, $3  }
0x1: {  	(tag) =	ssettag $0x0;
	lr =	simm.s32 $0x1  }
0x2: {  	[smem:$0x3F8D] =	sst lr;
	_ =	strace $0xD0000000  }
0x3: {  	_ = 	snop  }
0x4: {  	_ = 	snop  }
0x5: {  	_ = 	snop  }
0x6: {  	_ = 	snop  }
0x7: {  	_ = 	snop  }
__scs_overlays_trampoline_lowered:
0x8: {  	[smem:$0x3F9C] =	sst s0  }
0x9: {  	[smem:$0x3F9D] =	sst s1  }
0xa: {  	[smem:$0x3F9E] =	sst s2  }
0xb: {  	[smem:$0x3F9F] =	sst s3  }
0xc: {  	[smem:$0x3FA0] =	sst s4  }
0xd: {  	[smem:$0x3FA1] =	sst s5  }
0xe: {  	[smem:$0x3FA2] =	sst s6  }
0xf: {  	[smem:$0x3FA3] =	sst s7  }
0x10: {  	[smem:$0x3FA4] =	sst s8  }
0x11: {  	[smem:$0x3FA5] =	sst s9;
	s0 =	simm.s32 @!p0 $0x0  }
0x12: {  	s1 =	sld [smem:$0x3F8B];
	s0 =	simm.s32 @p0 $0x1  }
0x13: {  	[smem:$0x3FA6] =	sst s0;
	s0 =	simm.s32 @!p1 $0x0  }
0x14: {  	s2 =	sld [smem:$0x3F8A];
	s0 =	simm.s32 @p1 $0x1  }
0x15: {  	[smem:$0x3FA7] =	sst s0;
	s0 =	simm.s32 @!p2 $0x0  }
0x16: {  	s3 =	sld [smem:$0x3FDB];
	s0 =	simm.s32 @p2 $0x1  }
0x17: {  	s4 =	simm.s32 $0x1BF5;
	[smem:$0x3FA9] =	sst s0  }
0x18: {  	s0 =	sld [smem:$0x3F8C];
	_ =	swait.ge [sflag:s4], $0x0  }
0x19: {  	s7 =	sld [smem:$0x3F8D]  }
0x1a: {  	s8 =	sadd.s32 $0xFFFFE003, lr  }
0x1b: {  	s9 =	sadd.s32 $0xFFFFFEF7, lr;
	s5 =	simm.s32 $0xFFFFFFFF;
	p2 =	slt.u32 s8, $0xFFFFF086  }
0x1c: {  	p1 =	slt.u32 s9, $0xF7A;
	s5 =	simm.s32 @!p2 $0x0  }
0x1d: {  	s5 =	simm.s32 @p1 $0x1;
	p0 =	seq.s32 s7, s2  }
0x1e: {  	s7 =	smul.u32 @!p0 $0xF7A, s2;
	p2 =	seq.s32 @!p0 s5, $0x0  }
0x1f: {  	s9 =	smul.u32 $0xF7A, s1;
	s8 =	simm.s32 @!p0 $0x1BF5;
	p2 =	por !p2, p0  }
0x20: {  	[sflag:s8] =	ssyncset.s32 @!p0 $0xFFFFF086;
	s6 =	sadd.s32 @!p0 s3, s7;
	s7 =	simm.s32 @!p0 $0x108  }
0x21: {  	s3 =	sadd.s32 s3, s9;
	s6 =	sadd.s32 @!p0 $0x88, s6;
	s7 =	simm.s32 @p2 $0x1082  }
0x22: {  	[simem:s7], [sflag:s8] =	dma.local @!p0 [hbm:s6], $0xF7A  }
0x23: {  	s9 =	sor.u32 $0xD0000000, s2;
	s6 =	simm.s32 $0x108;
	_ =	swait.ge @!p0 [sflag:s8], $0x0  }
0x24: {  	s3 =	sadd.s32 $0x88, s3;
	s6 =	simm.s32 @!p1 $0x1082;
	[sflag:s4] =	ssyncset.s32 $0xFFFFF086  }
0x25: {  	[simem:s6], [sflag:s4] =	dma.local [hbm:s3], $0xF7A  }
0x26: {  	[smem:$0x3F8D] =	sst s1;
	(tag) =	ssettag s2;
	_ =	strace s9  }
0x27: {  	s1 =	sld [smem:$0x3F9D]  }
0x28: {  	s2 =	sld [smem:$0x3F9E]  }
0x29: {  	s4 =	sld [smem:$0x3FA0]  }
0x2a: {  	p0 =	seq.s32 s5, $0x0;
	s5 =	sld [smem:$0x3FA1]  }
0x2b: {  	s6 =	sld [smem:$0x3FA2]  }
0x2c: {  	s7 =	sld [smem:$0x3FA3]  }
0x2d: {  	s3 =	simm.s32 $0x108;
	s8 =	sld [smem:$0x3FA4]  }
0x2e: {  	s3 =	simm.s32 @!p0 $0x1082;
	s9 =	sld [smem:$0x3FA5]  }
0x2f: {  	lr =	sadd.s32 s0, s3;
	s0 =	sld [smem:$0x3F9C]  }
0x30: {  	s3 =	sld [smem:$0x3F9F]  }
0x31: {  	[smem:$0x3FA8] =	sst s10  }
0x32: {  	s10 =	sld [smem:$0x3FA6];
	_ =	sdelay $0x3  }
0x33: {  	p0 =	seq.s32 s10, $0x1;
	s10 =	sld [smem:$0x3FA8];
	_ =	sdelay $0x3  }
0x34: {  	[smem:$0x3FA8] =	sst s10  }
0x35: {  	s10 =	sld [smem:$0x3FA7];
	_ =	sdelay $0x3  }
0x36: {  	p1 =	seq.s32 s10, $0x1;
	s10 =	sld [smem:$0x3FA8];
	_ =	sdelay $0x3  }
0x37: {  	[smem:$0x3FA8] =	sst s10  }
0x38: {  	s10 =	sld [smem:$0x3FA9]  }
0x39: {  	_ = 	snop;
	(pc) =	sbr.ind lr, $3  }
0x3a: {  	_ = 	snop  }
0x3b: {  	_ = 	snop  }
0x3c: {  	p2 =	seq.s32 s10, $0x1;
	s10 =	sld [smem:$0x3FA8]  }
0x3d: {  	_ =	shalt  }
0x3e: {  	_ =	shalt  }
0x3f: {  	_ =	shalt  }
0x40: {  	_ =	shalt  }
0x41: {  	_ =	shalt  }
0x42: {  	_ =	shalt  }
0x43: {  	_ =	shalt  }
0x44: {  	_ =	shalt  }
0x45: {  	_ =	shalt  }
0x46: {  	_ =	shalt  }
0x47: {  	_ =	shalt  }
0x48: {  	_ =	shalt  }
0x49: {  	_ =	shalt  }
0x4a: {  	_ =	shalt  }
0x4b: {  	_ =	shalt  }
0x4c: {  	_ =	shalt  }
0x4d: {  	_ =	shalt  }
0x4e: {  	_ =	shalt  }
0x4f: {  	_ =	shalt  }
0x50: {  	_ =	shalt  }
0x51: {  	_ =	shalt  }
0x52: {  	_ =	shalt  }
0x53: {  	_ =	shalt  }
0x54: {  	_ =	shalt  }
0x55: {  	_ =	shalt  }
0x56: {  	_ =	shalt  }
0x57: {  	_ =	shalt  }
0x58: {  	_ =	shalt  }
0x59: {  	_ =	shalt  }
0x5a: {  	_ =	shalt  }
0x5b: {  	_ =	shalt  }
0x5c: {  	_ =	shalt  }
0x5d: {  	_ =	shalt  }
0x5e: {  	_ =	shalt  }
0x5f: {  	_ =	shalt  }
0x60: {  	_ =	shalt  }
0x61: {  	_ =	shalt  }
0x62: {  	_ =	shalt  }
0x63: {  	_ =	shalt  }
0x64: {  	_ =	shalt  }
0x65: {  	_ =	shalt  }
0x66: {  	_ =	shalt  }
0x67: {  	_ =	shalt  }
0x68: {  	_ =	shalt  }
0x69: {  	_ =	shalt  }
0x6a: {  	_ =	shalt  }
0x6b: {  	_ =	shalt  }
0x6c: {  	_ =	shalt  }
0x6d: {  	_ =	shalt  }
0x6e: {  	_ =	shalt  }
0x6f: {  	_ =	shalt  }
0x70: {  	_ =	shalt  }
0x71: {  	_ =	shalt  }
0x72: {  	_ =	shalt  }
0x73: {  	_ =	shalt  }
0x74: {  	_ =	shalt  }
0x75: {  	_ =	shalt  }
0x76: {  	_ =	shalt  }
0x77: {  	_ =	shalt  }
0x78: {  	_ =	shalt  }
0x79: {  	_ =	shalt  }
0x7a: {  	_ =	shalt  }
0x7b: {  	_ =	shalt  }
0x7c: {  	_ =	shalt  }
0x7d: {  	_ =	shalt  }
0x7e: {  	_ =	shalt  }
0x7f: {  	_ =	shalt  }
0x80: {  	_ =	shalt  }
0x81: {  	_ =	shalt  }
0x82: {  	_ =	shalt  }
0x83: {  	_ =	shalt  }
0x84: {  	_ =	shalt  }
0x85: {  	_ =	shalt  }
0x86: {  	_ =	shalt  }
0x87: {  	_ =	shalt  }
.Lfunc_end0:
.L_simem_size_0:
called_computation_lowered:
.L_overlay_start_0:
0x88: {  	s2 =	sld [smem:$0x3FD9]  }
0x89: {  	s3 =	sld [smem:$0x3FFE];
	_ =	sdelay $0x1  }
0x8a: {  	s1 =	srdreg.scid  }
0x8b: {  	s0 =	sand.u32 $0x1, s1  }
0x8c: {  	s17 =	sshll.u32 s0, $0xA;
	s2 =	sadd.s32 s3, s2  }
0x8d: {  	s2 =	sadd.s32 s2, s17  }
0x8e: {  	[smem:$0x3FB4] =	sst s2  }
0x8f: {  	_ = 	snop  }
0x90: {  	s2 =	sld [smem:$0x3FD0];
	(tm) =	ssettm $0x1  }
0x91: {  	s18 =	sld [smem:$0x3FFB];
	_ =	sdelay $0x3  }
0x92: {  	_ =	strace s18  }
0x93: {  	s3 =	sld [smem:$0x3FFC];
	_ =	sdelay $0x3  }
0x94: {  	_ =	strace s3  }
0x95: {  	s3 =	sld [smem:$0x3FFD];
	_ =	sdelay $0x3  }
0x96: {  	_ =	strace s3  }
0x97: {  	_ =	strace $0x8FFFFFFF  }
0x98: {  	s19 =	sld [smem:$0x3FDB];
	_ =	sdelay $0x1  }
0x99: {  	s4 =	simm.s32 $_scs_section_size  }
0x9a: {  	s5 =	simm.s32 $_size__tile_overlayer_lowered;
	s6 =	simm.s32 $_tile_overlayer_lowered  }
0x9b: {  	s22 =	simm.s32 $0x1BFF;
	s21 =	sshll.u32 s6, $0x1;
	s3 =	sadd.s32 s4, s19  }
0x9c: {  	s7 =	simm.s32 $0x0;
	s20 =	sshll.u32 s5, $0x1;
	s5 =	sadd.s32 s21, s3  }
0x9d: {  	[timem:s7], [sflag:s22] =	dma.local [hbm:s5], s20  }
0x9e: {  	_ =	swait.ge [sflag:s22], s20  }
0x9f: {  	s4 =	ssub.s32 $0x0, s20;
	[sflag:s22] =	ssyncset.done $0x0  }
0xa0: {  	[sflag:s22] =	ssyncadd.s32 s4;
	_ =	sdelay $0x1  }
0xa1: {  	s23 =	simm.s32 $0x1B8B  }
0xa2: {  	_ =	swait.ge [sflag:s23], $0x1  }
0xa3: {  	[sflag:s23] =	ssyncset.done $0x0  }
0xa4: {  	s25 =	simm.s32 $0x1B8E;
	s24 =	sld [smem:$0x3FFE];
	[sflag:s23] =	ssyncadd.s32 $0xFFFFFFFF  }
0xa5: {  	s26 =	simm.s32 $execute0_lowered;
	[smem:$0x3FD2] =	sst s25  }
0xa6: {  	s5 =	sshll.u32 s26, $0x1;
	_ =	strace $0x80000046;
	[dreg:$0x1] =	wrdreg $0xFFFFFFFF  }
0xa7: {  	s28 =	simm.s32 $_size_execute0_lowered;
	s3 =	sadd.s32 s3, s5;
	[dreg:$0x0] =	wrdreg $0x0  }
0xa8: {  	s5 =	sshll.u32 s28, $0x1;
	[dreg:$0x2] =	wrdreg s3  }
0xa9: {  	[dreg:$0x3] =	wrdreg s5  }
0xaa: {  	[dreg:$0x4] =	wrdreg $0xC0  }
0xab: {  	_ =	task [dreg:s7], $0x5FFFF  }
0xac: {  	[dreg:$0x1] =	wrdreg $0xFFFFFFFF  }
0xad: {  	[dreg:$0x0] =	wrdreg $0x60  }
0xae: {  	[dreg:$0x2] =	wrdreg s2  }
0xaf: {  	[dreg:$0x3] =	wrdreg s24  }
0xb0: {  	[dreg:$0x4] =	wrdreg $0xC3000  }
0xb1: {  	[dreg:$0x5] =	wrdreg $0x9  }
0xb2: {  	_ =	task.clear_ibuf [dreg:s7], $0x6FFFF;
	_ =	strace $0x90000046  }
0xb3: {  	s29 =	simm.s32 $0x9;
	_ =	strace $0x80000048  }
0xb4: {  	_ =	swait.ge [sflag:s29], $0x1  }
0xb5: {  	[sflag:s29] =	ssyncadd.s32 $0xFFFFFFFF  }
0xb6: {  	_ =	strace $0x90000048  }
0xb7: {  	_ =	sfence  }
0xb8: {  	s30 =	sld [smem:$0x0];
	_ =	sdelay $0x2  }
0xb9: {  	s31 =	sshll.u32 s1, $0xD;
	s1 =	sshrl.u32 s1, $0x2  }
0xba: {  	s3 =	sand.u32 $0x4000, s31;
	s1 =	sadd.s32 s1, s30  }
0xbb: {  	s0 =	sor.u32 s3, s0;
	s1 =	sshll.u32 s1, $0x11  }
0xbc: {  	s0 =	sor.u32 s1, s0  }
0xbd: {  	s0 =	sadd.s32 $0x8F2B, s0  }
0xbe: {  	[sflag:s0] =	ssyncadd.remote.s32 $0x1  }
0xbf: {  	_ =	sfence.sel $0xFFFF  }
0xc0: {  	[dreg:$0x0] =	wrdreg $0xFFFFFFFF;
	(pc) =	sbr.abs _section_cstart, $3  }
0xc1: {  	[dreg:$0x1] =	wrdreg $0xFFFFFFFF  }
0xc2: {  	_ =	task.clear_ibuf [dreg:s7], $0x2FFFF;
	_ =	strace $0x9FFFFFFF  }
0xc3: {  	(tm) =	ssettm $0x7FFFFFFF  }
tec
execute0_lowered:
.L_overlay_start_1:
0x0: {  	(tag) =	ssettag $0x1  }
0x1: {  	s1 =	rddreg [dreg:$0x0]  }
0x2: {  	s0 =	rddreg [dreg:$0x1]  }
0x3: {  	s2 =	rddreg [dreg:$0x2];
	s4 =	simm.s32 $0x0;
	s15 =	stileid.u32  }
0x4: {  	s3 =	srdreg.scid;
	s18 =	simm.s32 $0x100;
	s19 =	simm.s32 $0x80  }
0x5: {  	s20 =	simm.s32 $0x180;
	s28 =	simm.s32 $0x280;
	s29 =	simm.s32 $0x3300  }
0x6: {  	s30 =	simm.s32 $0x9300;
	s31 =	simm.s32 $0x3;
	[smem:$0x7FF] =	sst s4  }
0x7: {  	s5 =	sadd.s32 $0x8200, s0;
	s9 =	smul.u32 $0x13C00, s15;
	s6 =	sadd.s32 $0x505200, s0  }
0x8: {  	s13 =	sand.u32 $0x1, s3;
	s7 =	sadd.s32 $0x500200, s0;
	s11 =	smul.u32 $0x4F000, s15  }
0x9: {  	s22 =	sshll.u32 s15, $0x6;
	p0 =	seq.s32 s15, $0xF;
	_ =	strace $0x80000047  }
0xa: {  	s3 =	ssub.s32 $0x2, s13;
	s14 =	smul.u32 $0x138800, s13;
	s8 =	sshrl.u32 s9, $0x3  }
0xb: {  	s10 =	sshrl.u32 s3, $0x1;
	s21 =	sshrl.u32 s11, $0x2;
	s11 =	smul.u32 $0x27C0, s15  }
0xc: {  	s12 =	sadd.s32 s8, s0;
	s0 =	sadd.s32 $0x531A00, s0;
	s3 =	ssub.s32 s3, s10  }
0xd: {  	s8 =	sadd.s32 s21, s2;
	s10 =	sor.u32 $0x1C09, s22;
	s9 =	sadd.s32 s9, s14  }
0xe: {  	s14 =	sshrl.u32 s14, $0x3;
	s21 =	simm.s32 $0x1;
	s22 =	simm.s32 $0x60  }
0xf: {  	s23 =	sadd.s32 $0x50A200, s12;
	s12 =	smul.u32 $0x27C00, s13;
	s9 =	sshrl.u32 s9, $0x3  }
0x10: {  	s14 =	sadd.s32 s0, s14;
	s25 =	smax.u32 s3, $0x1;
	[dreg:$0x4] =	wrdreg s8  }
0x11: {  	s26 =	sshrl.u32 s8, $0x3;
	s3 =	simm.s32 $0x4;
	[dreg:$0x5] =	wrdreg s23  }
0x12: {  	s0 =	sadd.s32 s0, s9;
	s24 =	sadd.s32 $0x25080, s14;
	[dreg:$0x8] =	wrdreg s25  }
0x13: {  	[dreg:$0x9] =	wrdreg s26;
	s23 =	simm.s32 $0x200;
	s25 =	simm.s32 $0x6300  }
0x14: {  	s26 =	simm.s32 $0x2;
	s9 =	simm.s32 $0x6;
	[dreg:$0x6] =	wrdreg s0  }
0x15: {  	v0 =	vmov s13;
	[dreg:$0x7] =	wrdreg s24;
	s24 =	simm.s32 $0x300;
	s0 =	simm.s32 $0x5  }
.LBB2_1:
0x16: {  	s8 =	rddreg [dreg:$0x5]  }
0x17: {  	s13 =	rddreg [dreg:$0x9];
	s17 =	simm.s32 $0x9  }
0x18: {  	[spmem:s13], [sflag:s10] =	dma.local [hbm:s8], $0x2780  }
0x19: {  	_ =	swait.ge [sflag:s17], $0x2780  }
0x1a: {  	[sflag:s17] =	ssyncset.done $0x0  }
0x1b: {  	[sflag:s17] =	ssyncadd.s32 $0xFFFFD880  }
0x1c: {  	s15 =	simm.s32 $0x0;
	[bflag:$0x0] =	sbarrier.arrive $0xFFFF  }
.LBB2_2:
0x1d: {  	p1 =	seq.s32 s15, $0x0  }
0x1e: {  	s16 =	simm.s32 @!p1 $0x7  }
0x1f: {  	_ =	swait.ge @!p1 [sflag:s16], $0x3000  }
0x20: {  	s17 =	smul.u32 $0xC0, s15;
	[sflag:s16] =	ssyncset.done @!p1 $0x0  }
0x21: {  	[sflag:s16] =	ssyncadd.s32 @!p1 $0xFFFFD000;
	s16 =	simm.s32 @!p1 $0x8  }
0x22: {  	s13 =	sadd.s32 s11, s17;
	_ =	swait.ge @!p1 [sflag:s16], $0x3000  }
0x23: {  	s14 =	sshrl.u32 s13, $0x3;
	[sflag:s16] =	ssyncset.done @!p1 $0x0  }
0x24: {  	s8 =	sadd.s32 s6, s14;
	[sflag:s16] =	ssyncadd.s32 @!p1 $0xFFFFD000;
	s16 =	simm.s32 $0x0  }
0x25: {  	[tilespmem:s16], [sflag:$0x1] =	stream.linear.gather [hbm4b:s8+s16], $0x60, $0x38;
	[tilespmem:$0x1FF00] =	vst v63  }
0x26: {  	s17 =	sadd.s32 $0x60, s13;
	s14 =	sadd.s32 s7, s14  }
0x27: {  	[tilespmem:s18], [sflag:$0x1] =	stream.linear.gather [hbm4b:s14+s16], $0x60, $0x38;
	[tilespmem:$0x1FF00] =	vst v63  }
0x28: {  	s14 =	sshrl.u32 s17, $0x3  }
0x29: {  	s8 =	sadd.s32 s6, s14  }
0x2a: {  	[tilespmem:s19], [sflag:$0x2] =	stream.linear.gather [hbm4b:s8+s16], $0x60, $0x38;
	[tilespmem:$0x1FF00] =	vst v63  }
0x2b: {  	s14 =	sadd.s32 s7, s14  }
0x2c: {  	[tilespmem:s20], [sflag:$0x2] =	stream.linear.gather [hbm4b:s14+s16], $0x60, $0x38;
	[tilespmem:$0x1FF00] =	vst v63  }
0x2d: {  	_ =	swait.ge [sflag:s21], $0x60  }
0x2e: {  	[sflag:s21] =	ssyncset.done $0x0  }
0x2f: {  	[sflag:s21] =	ssyncadd.s32 $0xFFFFFFA0  }
0x30: {  	_ =	swait.ge [sflag:s21], $0x60  }
0x31: {  	[sflag:s21] =	ssyncset.done $0x0  }
0x32: {  	[sflag:s21] =	ssyncadd.s32 $0xFFFFFFA0  }
0x33: {  	v1 =	vld [tilespmem:$0x0]  }
0x34: {  	v2 =	vld [tilespmem:$0x10]  }
0x35: {  	v3 =	vld [tilespmem:$0x20]  }
0x36: {  	v4 =	vld [tilespmem:$0x30]  }
0x37: {  	v5 =	vld [tilespmem:$0x40]  }
0x38: {  	v6 =	vld [tilespmem:$0x50];
	v1 =	vshll.u32 v1, $0x1  }
0x39: {  	v2 =	vshll.u32 v2, $0x1;
	v1 =	vor.u32 v0, v1  }
0x3a: {  	[tilespmem:$0x200] =	vst v1;
	v1 =	vor.u32 v0, v2;
	v2 =	vshll.u32 v3, $0x1  }
0x3b: {  	[tilespmem:$0x210] =	vst v1;
	v1 =	vor.u32 v0, v2;
	v2 =	vshll.u32 v4, $0x1  }
0x3c: {  	[tilespmem:$0x220] =	vst v1;
	v1 =	vor.u32 v0, v2;
	v2 =	vshll.u32 v5, $0x1  }
0x3d: {  	[tilespmem:$0x230] =	vst v1;
	v1 =	vor.u32 v0, v2;
	v2 =	vshll.u32 v6, $0x1  }
0x3e: {  	s14 =	sadd.s32 s12, s13;
	[tilespmem:$0x240] =	vst v1;
	v1 =	vor.u32 v0, v2  }
0x3f: {  	s8 =	sshll.u32 s14, $0x4;
	[tilespmem:$0x250] =	vst v1  }
0x40: {  	[tilespmem:s24], [sflag:$0x3] =	stream.indirect.gather [hbm4b:s1+s22], $0x80, s23, s22, $0xb8;
	[tilespmem:$0x1FF00] =	vst v63  }
0x41: {  	s8 =	sadd.s32 s5, s8  }
0x42: {  	[tilespmem:s25], [sflag:$0x5] =	stream.linear.gather [hbm4b:s8+s16], $0x3000, $0x38;
	[tilespmem:$0x1FF00] =	vst v63  }
0x43: {  	_ =	swait.ge [sflag:s26], $0x60  }
0x44: {  	[sflag:s26] =	ssyncset.done $0x0  }
0x45: {  	[sflag:s26] =	ssyncadd.s32 $0xFFFFFFA0  }
0x46: {  	_ =	swait.ge [sflag:s26], $0x60  }
0x47: {  	[sflag:s26] =	ssyncset.done $0x0  }
0x48: {  	[sflag:s26] =	ssyncadd.s32 $0xFFFFFFA0  }
0x49: {  	v1 =	vld [tilespmem:$0x80]  }
0x4a: {  	v2 =	vld [tilespmem:$0x90]  }
0x4b: {  	v3 =	vld [tilespmem:$0xA0]  }
0x4c: {  	v4 =	vld [tilespmem:$0xB0]  }
0x4d: {  	v5 =	vld [tilespmem:$0xC0]  }
0x4e: {  	v6 =	vld [tilespmem:$0xD0];
	v1 =	vshll.u32 v1, $0x1  }
0x4f: {  	v2 =	vshll.u32 v2, $0x1;
	v1 =	vor.u32 v0, v1  }
0x50: {  	[tilespmem:$0x280] =	vst v1;
	v1 =	vor.u32 v0, v2;
	v2 =	vshll.u32 v3, $0x1  }
0x51: {  	[tilespmem:$0x290] =	vst v1;
	v1 =	vor.u32 v0, v2;
	v2 =	vshll.u32 v4, $0x1  }
0x52: {  	[tilespmem:$0x2A0] =	vst v1;
	v1 =	vor.u32 v0, v2;
	v2 =	vshll.u32 v5, $0x1  }
0x53: {  	[tilespmem:$0x2B0] =	vst v1;
	v1 =	vor.u32 v0, v2;
	v2 =	vshll.u32 v6, $0x1  }
0x54: {  	s17 =	sadd.s32 s12, s17;
	[tilespmem:$0x2C0] =	vst v1;
	v1 =	vor.u32 v0, v2  }
0x55: {  	s8 =	sshll.u32 s17, $0x4;
	[tilespmem:$0x2D0] =	vst v1  }
0x56: {  	[tilespmem:s29], [sflag:$0x4] =	stream.indirect.gather [hbm4b:s1+s22], $0x80, s28, s22, $0xb8;
	[tilespmem:$0x1FF00] =	vst v63  }
0x57: {  	s8 =	sadd.s32 s5, s8  }
0x58: {  	[tilespmem:s30], [sflag:$0x6] =	stream.linear.gather [hbm4b:s8+s16], $0x3000, $0x38;
	[tilespmem:$0x1FF00] =	vst v63  }
0x59: {  	_ =	swait.ge [sflag:s31], $0x3000  }
0x5a: {  	[sflag:s31] =	ssyncset.done $0x0  }
0x5b: {  	[sflag:s31] =	ssyncadd.s32 $0xFFFFD000  }
0x5c: {  	_ =	swait.ge [sflag:s0], $0x3000  }
0x5d: {  	[sflag:s0] =	ssyncset.done $0x0  }
0x5e: {  	s16 =	simm.s32 $0x0;
	[sflag:s0] =	ssyncadd.s32 $0xFFFFD000  }
0x5f: {  	v7 =	vld [tilespmem:s16+$0x6300]  }
0x60: {  	v12 =	vld [tilespmem:s16+$0x6310]  }
0x61: {  	v6 =	vld [tilespmem:s16+$0x6320]  }
0x62: {  	v5 =	vld [tilespmem:s16+$0x6330]  }
0x63: {  	v4 =	vld [tilespmem:s16+$0x6340]  }
0x64: {  	v3 =	vld [tilespmem:s16+$0x6350]  }
0x65: {  	v2 =	vld [tilespmem:s16+$0x6360]  }
0x66: {  	v1 =	vld [tilespmem:s16+$0x6370]  }
0x67: {  	v13 =	vld [tilespmem:s16+$0x300]  }
0x68: {  	v14 =	vld [tilespmem:s16+$0x310]  }
0x69: {  	v11 =	vld [tilespmem:s16+$0x320]  }
0x6a: {  	v10 =	vld [tilespmem:s16+$0x330]  }
0x6b: {  	v9 =	vld [tilespmem:s16+$0x340]  }
0x6c: {  	v8 =	vld [tilespmem:s16+$0x350];
	v13 =	vadd.f32 v7, v13  }
0x6d: {  	s17 =	simm.s32 $0x200;
	v12 =	vadd.f32 v12, v14;
	v7 =	vld [tilespmem:s16+$0x360]  }
.LBB2_3:
0x6e: {  	s8 =	sshra.s32 s17, $0x2;
	p1 =	sne.s32 s17, $0xBE00;
	v13 =	vmax.f32 v13, $0.0e+00;
	v6 =	vadd.f32 v6, v11;
	v11 =	vld [tilespmem:s16+$0x370]  }
0x6f: {  	v14 =	vld [tilespmem:s8+$0x6300];
	[tilespmem:s16+$0x300] =	vst v13;
	v12 =	vmax.f32 v12, $0.0e+00;
	v5 =	vadd.f32 v5, v10  }
0x70: {  	v15 =	vld [tilespmem:s8+$0x6310];
	[tilespmem:s16+$0x310] =	vst v12;
	v10 =	vmax.f32 v6, $0.0e+00;
	v4 =	vadd.f32 v4, v9  }
0x71: {  	v6 =	vld [tilespmem:s8+$0x6320];
	[tilespmem:s16+$0x320] =	vst v10;
	v9 =	vmax.f32 v5, $0.0e+00;
	v3 =	vadd.f32 v3, v8  }
0x72: {  	v5 =	vld [tilespmem:s8+$0x6330];
	[tilespmem:s16+$0x330] =	vst v9;
	v8 =	vmax.f32 v4, $0.0e+00;
	v2 =	vadd.f32 v2, v7  }
0x73: {  	v4 =	vld [tilespmem:s8+$0x6340];
	[tilespmem:s16+$0x340] =	vst v8;
	v7 =	vmax.f32 v3, $0.0e+00;
	v1 =	vadd.f32 v1, v11  }
0x74: {  	v3 =	vld [tilespmem:s8+$0x6350];
	[tilespmem:s16+$0x350] =	vst v7;
	v7 =	vmax.f32 v2, $0.0e+00  }
0x75: {  	v2 =	vld [tilespmem:s8+$0x6360];
	[tilespmem:s16+$0x360] =	vst v7;
	v7 =	vmax.f32 v1, $0.0e+00  }
0x76: {  	v1 =	vld [tilespmem:s8+$0x6370];
	[tilespmem:s16+$0x370] =	vst v7;
	s16 =	smov.u32 s8  }
0x77: {  	v7 =	vld [tilespmem:s16+$0x300]  }
0x78: {  	v12 =	vld [tilespmem:s16+$0x310]  }
.Ltmp0:
0x79: {  	v11 =	vld [tilespmem:s16+$0x320];
	(pc) =	sbr.rel @p1 .LBB2_3-.Ltmp0, $4  }
0x7a: {  	v10 =	vld [tilespmem:s16+$0x330]  }
0x7b: {  	v9 =	vld [tilespmem:s16+$0x340]  }
0x7c: {  	v13 =	vadd.f32 v14, v7;
	v8 =	vld [tilespmem:s16+$0x350]  }
0x7d: {  	s17 =	sadd.s32 $0x200, s17;
	v12 =	vadd.f32 v15, v12;
	v7 =	vld [tilespmem:s16+$0x360]  }
0x7e: {  	v13 =	vmax.f32 v13, $0.0e+00;
	v6 =	vadd.f32 v6, v11;
	v11 =	vld [tilespmem:s16+$0x370]  }
0x7f: {  	[tilespmem:s16+$0x300] =	vst v13;
	v12 =	vmax.f32 v12, $0.0e+00;
	v5 =	vadd.f32 v5, v10  }
0x80: {  	[tilespmem:s16+$0x310] =	vst v12;
	v6 =	vmax.f32 v6, $0.0e+00;
	v4 =	vadd.f32 v4, v9  }
0x81: {  	[tilespmem:s16+$0x320] =	vst v6;
	v5 =	vmax.f32 v5, $0.0e+00;
	v3 =	vadd.f32 v3, v8  }
0x82: {  	[tilespmem:s16+$0x330] =	vst v5;
	v4 =	vmax.f32 v4, $0.0e+00;
	v2 =	vadd.f32 v2, v7  }
0x83: {  	[tilespmem:s16+$0x340] =	vst v4;
	v3 =	vmax.f32 v3, $0.0e+00;
	v1 =	vadd.f32 v1, v11  }
0x84: {  	[tilespmem:s16+$0x350] =	vst v3;
	v2 =	vmax.f32 v2, $0.0e+00  }
0x85: {  	[tilespmem:s16+$0x360] =	vst v2;
	v1 =	vmax.f32 v1, $0.0e+00  }
0x86: {  	[tilespmem:s16+$0x370] =	vst v1  }
0x87: {  	[spmem:s2] =	stream.indirect.scatter.add.f32 [tilespmem:s24], [sflag:$0x7], $0x80, s18, s22, $0xb8;
	[tilespmem:$0x1FF00] =	vst v63  }
0x88: {  	_ =	swait.ge [sflag:s3], $0x3000  }
0x89: {  	[sflag:s3] =	ssyncset.done $0x0  }
0x8a: {  	[sflag:s3] =	ssyncadd.s32 $0xFFFFD000  }
0x8b: {  	_ =	swait.ge [sflag:s9], $0x3000  }
0x8c: {  	[sflag:s9] =	ssyncset.done $0x0  }
0x8d: {  	s16 =	simm.s32 $0x0;
	[sflag:s9] =	ssyncadd.s32 $0xFFFFD000  }
0x8e: {  	v7 =	vld [tilespmem:s16+$0x9300]  }
0x8f: {  	v12 =	vld [tilespmem:s16+$0x9310]  }
0x90: {  	v6 =	vld [tilespmem:s16+$0x9320]  }
0x91: {  	v5 =	vld [tilespmem:s16+$0x9330]  }
0x92: {  	v4 =	vld [tilespmem:s16+$0x9340]  }
0x93: {  	v3 =	vld [tilespmem:s16+$0x9350]  }
0x94: {  	v2 =	vld [tilespmem:s16+$0x9360]  }
0x95: {  	v1 =	vld [tilespmem:s16+$0x9370]  }
0x96: {  	v13 =	vld [tilespmem:s16+$0x3300]  }
0x97: {  	v14 =	vld [tilespmem:s16+$0x3310]  }
0x98: {  	v11 =	vld [tilespmem:s16+$0x3320]  }
0x99: {  	v10 =	vld [tilespmem:s16+$0x3330]  }
0x9a: {  	v9 =	vld [tilespmem:s16+$0x3340]  }
0x9b: {  	v8 =	vld [tilespmem:s16+$0x3350];
	v13 =	vadd.f32 v7, v13  }
0x9c: {  	s17 =	simm.s32 $0x200;
	v12 =	vadd.f32 v12, v14;
	v7 =	vld [tilespmem:s16+$0x3360]  }
.LBB2_5:
0x9d: {  	s8 =	sshra.s32 s17, $0x2;
	p1 =	sne.s32 s17, $0xBE00;
	v13 =	vmax.f32 v13, $0.0e+00;
	v6 =	vadd.f32 v6, v11;
	v11 =	vld [tilespmem:s16+$0x3370]  }
0x9e: {  	v14 =	vld [tilespmem:s8+$0x9300];
	[tilespmem:s16+$0x3300] =	vst v13;
	v12 =	vmax.f32 v12, $0.0e+00;
	v5 =	vadd.f32 v5, v10  }
0x9f: {  	v15 =	vld [tilespmem:s8+$0x9310];
	[tilespmem:s16+$0x3310] =	vst v12;
	v10 =	vmax.f32 v6, $0.0e+00;
	v4 =	vadd.f32 v4, v9  }
0xa0: {  	v6 =	vld [tilespmem:s8+$0x9320];
	[tilespmem:s16+$0x3320] =	vst v10;
	v9 =	vmax.f32 v5, $0.0e+00;
	v3 =	vadd.f32 v3, v8  }
0xa1: {  	v5 =	vld [tilespmem:s8+$0x9330];
	[tilespmem:s16+$0x3330] =	vst v9;
	v8 =	vmax.f32 v4, $0.0e+00;
	v2 =	vadd.f32 v2, v7  }
0xa2: {  	v4 =	vld [tilespmem:s8+$0x9340];
	[tilespmem:s16+$0x3340] =	vst v8;
	v7 =	vmax.f32 v3, $0.0e+00;
	v1 =	vadd.f32 v1, v11  }
0xa3: {  	v3 =	vld [tilespmem:s8+$0x9350];
	[tilespmem:s16+$0x3350] =	vst v7;
	v7 =	vmax.f32 v2, $0.0e+00  }
0xa4: {  	v2 =	vld [tilespmem:s8+$0x9360];
	[tilespmem:s16+$0x3360] =	vst v7;
	v7 =	vmax.f32 v1, $0.0e+00  }
0xa5: {  	v1 =	vld [tilespmem:s8+$0x9370];
	[tilespmem:s16+$0x3370] =	vst v7;
	s16 =	smov.u32 s8  }
0xa6: {  	v7 =	vld [tilespmem:s16+$0x3300]  }
0xa7: {  	v12 =	vld [tilespmem:s16+$0x3310]  }
.Ltmp1:
0xa8: {  	v11 =	vld [tilespmem:s16+$0x3320];
	(pc) =	sbr.rel @p1 .LBB2_5-.Ltmp1, $4  }
0xa9: {  	v10 =	vld [tilespmem:s16+$0x3330]  }
0xaa: {  	v9 =	vld [tilespmem:s16+$0x3340]  }
0xab: {  	v13 =	vadd.f32 v14, v7;
	v8 =	vld [tilespmem:s16+$0x3350]  }
0xac: {  	s17 =	sadd.s32 $0x200, s17;
	v12 =	vadd.f32 v15, v12;
	v7 =	vld [tilespmem:s16+$0x3360]  }
0xad: {  	v13 =	vmax.f32 v13, $0.0e+00;
	v6 =	vadd.f32 v6, v11;
	v63 =	vld [tilespmem:s16+$0x3370]  }
0xae: {  	[tilespmem:s16+$0x3300] =	vst v13;
	v12 =	vmax.f32 v12, $0.0e+00;
	v5 =	vadd.f32 v5, v10  }
0xaf: {  	[tilespmem:s16+$0x3310] =	vst v12;
	v6 =	vmax.f32 v6, $0.0e+00;
	v4 =	vadd.f32 v4, v9  }
0xb0: {  	s15 =	sadd.s32 $0x1, s15;
	[tilespmem:s16+$0x3320] =	vst v6;
	v5 =	vmax.f32 v5, $0.0e+00;
	v3 =	vadd.f32 v3, v8  }
0xb1: {  	p1 =	sne.s32 s15, $0x35;
	[tilespmem:s16+$0x3330] =	vst v5;
	v4 =	vmax.f32 v4, $0.0e+00;
	v2 =	vadd.f32 v2, v7  }
.Ltmp2:
0xb2: {  	[tilespmem:s16+$0x3340] =	vst v4;
	v3 =	vmax.f32 v3, $0.0e+00;
	v1 =	vadd.f32 v1, v63;
	(pc) =	sbr.rel @p1 .LBB2_2-.Ltmp2, $4  }
0xb3: {  	[tilespmem:s16+$0x3350] =	vst v3;
	v2 =	vmax.f32 v2, $0.0e+00  }
0xb4: {  	[tilespmem:s16+$0x3360] =	vst v2;
	v1 =	vmax.f32 v1, $0.0e+00  }
0xb5: {  	[tilespmem:s16+$0x3370] =	vst v1  }
0xb6: {  	[spmem:s2] =	stream.indirect.scatter.add.f32 [tilespmem:s29], [sflag:$0x8], $0x80, s20, s22, $0xb8;
	[tilespmem:$0x1FF00] =	vst v63  }
0xb7: {  	s8 =	simm.s32 $0x7  }
0xb8: {  	_ =	swait.ge [sflag:s8], $0x3000  }
0xb9: {  	[sflag:s8] =	ssyncset.done $0x0  }
0xba: {  	s16 =	simm.s32 $0x8;
	[sflag:s8] =	ssyncadd.s32 $0xFFFFD000  }
0xbb: {  	_ =	swait.ge [sflag:s16], $0x3000  }
0xbc: {  	[sflag:s16] =	ssyncset.done $0x0  }
0xbd: {  	[sflag:s16] =	ssyncadd.s32 $0xFFFFD000  }
0xbe: {  	[bflag:$0x0] =	sbarrier.arrive $0xFFFF  }
0xbf: {  	s13 =	rddreg [dreg:$0x4]  }
0xc0: {  	s14 =	rddreg [dreg:$0x7];
	s8 =	sshrl.u32 @p0 s13, $0x3  }
0xc1: {  	[hbm:s14], [sflag:s10] =	dma.local @p0 [spmem:s8], $0x2080  }
0xc2: {  	s8 =	simm.s32 @p0 $0x9  }
0xc3: {  	_ =	swait.ge @p0 [sflag:s8], $0x2080  }
0xc4: {  	[sflag:s8] =	ssyncset.done @p0 $0x0  }
0xc5: {  	[sflag:s8] =	ssyncadd.s32 @p0 $0xFFFFDF80;
	s8 =	sshrl.u32 @!p0 s13, $0x3;
	s13 =	rddreg [dreg:$0x6]  }
0xc6: {  	[hbm:s13], [sflag:s10] =	dma.local @!p0 [spmem:s8], $0x2780  }
0xc7: {  	s8 =	simm.s32 @!p0 $0x9  }
0xc8: {  	_ =	swait.ge @!p0 [sflag:s8], $0x2780  }
0xc9: {  	s4 =	sadd.s32 $0x1, s4;
	s17 =	rddreg [dreg:$0x8]  }
0xca: {  	p1 =	sne.s32 s4, s17  }
.Ltmp3:
0xcb: {  	_ = 	snop;
	(pc) =	sbr.rel @p1 .LBB2_1-.Ltmp3, $3  }
0xcc: {  	_ =	sdelay $0x1  }
0xcd: {  	[sflag:s8] =	ssyncset.done @!p0 $0x0  }
0xce: {  	[sflag:s8] =	ssyncadd.s32 @!p0 $0xFFFFD880  }
0xcf: {  	_ =	sfence.sel $0x180000  }
0xd0: {  	[bflag:$0x0] =	sbarrier.arrive $0xFFFF  }
0xd1: {  	_ =	strace $0x90000047  }
0xd2: {  	s0 =	stileid.u32;
	[bflag:$0x2] =	sbarrier.arrive $0xFFFF  }
0xd3: {  	p0 =	sne.s32 s0, $0x0;
	s0 =	rddreg [dreg:$0x3]  }
0xd4: {  	s0 =	sadd.s32 @!p0 $0x100000, s0  }
0xd5: {  	[sflag:s0] =	ssyncadd.tile.s32 @!p0 $0x1;
	_ =	shalt  }
.Lfunc_end2:
_tile_overlayer_lowered:
.L_overlay_start_2:
0xd6: {  	(tag) =	ssettag $0x2  }
0xd7: {  	s0 =	rddreg [dreg:$0x0];
	s2 =	stileid.u32  }
0xd8: {  	s1 =	rddreg [dreg:$0x1];
	p0 =	sne.s32 s2, $0x0  }
0xd9: {  	s3 =	rddreg [dreg:$0x2];
	[bflag:$0x3] =	sbarrier.arrive $0xFFFF;
	s2 =	simm.s32 @!p0 $0x1C09  }
0xda: {  	[timem:s3], [sflag:s2] =	dma.local @!p0 [hbm:s0], s1  }
0xdb: {  	s0 =	simm.s32 @!p0 $0x9  }
0xdc: {  	_ =	swait.ge @!p0 [sflag:s0], s1  }
0xdd: {  	s1 =	ssub.s32 @!p0 $0x0, s1;
	[sflag:s0] =	ssyncset.done @!p0 $0x0  }
0xde: {  	[sflag:s0] =	ssyncadd.s32 @!p0 s1  }
0xdf: {  	[bflag:$0x3] =	sbarrier.arrive $0xFFFF  }
0xe0: {  	_ =	shalt  }

// kernel: kernel.18.cloned.1.call-start
scs
__scs_entry_jumppad:
0x0: {  	(pc) =	sbr.rel $0x88, $3  }
0x1: {  	(tag) =	ssettag $0x0;
	lr =	simm.s32 $0x1  }
0x2: {  	[smem:$0x3F8D] =	sst lr;
	_ =	strace $0xD0000000  }
0x3: {  	_ = 	snop  }
0x4: {  	_ = 	snop  }
0x5: {  	_ = 	snop  }
0x6: {  	_ = 	snop  }
0x7: {  	_ = 	snop  }
__scs_overlays_trampoline_lowered:
0x8: {  	[smem:$0x3F9C] =	sst s0  }
0x9: {  	[smem:$0x3F9D] =	sst s1  }
0xa: {  	[smem:$0x3F9E] =	sst s2  }
0xb: {  	[smem:$0x3F9F] =	sst s3  }
0xc: {  	[smem:$0x3FA0] =	sst s4  }
0xd: {  	[smem:$0x3FA1] =	sst s5  }
0xe: {  	[smem:$0x3FA2] =	sst s6  }
0xf: {  	[smem:$0x3FA3] =	sst s7  }
0x10: {  	[smem:$0x3FA4] =	sst s8  }
0x11: {  	[smem:$0x3FA5] =	sst s9;
	s0 =	simm.s32 @!p0 $0x0  }
0x12: {  	s1 =	sld [smem:$0x3F8B];
	s0 =	simm.s32 @p0 $0x1  }
0x13: {  	[smem:$0x3FA6] =	sst s0;
	s0 =	simm.s32 @!p1 $0x0  }
0x14: {  	s2 =	sld [smem:$0x3F8A];
	s0 =	simm.s32 @p1 $0x1  }
0x15: {  	[smem:$0x3FA7] =	sst s0;
	s0 =	simm.s32 @!p2 $0x0  }
0x16: {  	s3 =	sld [smem:$0x3FDB];
	s0 =	simm.s32 @p2 $0x1  }
0x17: {  	s4 =	simm.s32 $0x1BF5;
	[smem:$0x3FA9] =	sst s0  }
0x18: {  	s0 =	sld [smem:$0x3F8C];
	_ =	swait.ge [sflag:s4], $0x0  }
0x19: {  	s7 =	sld [smem:$0x3F8D]  }
0x1a: {  	s8 =	sadd.s32 $0xFFFFE003, lr  }
0x1b: {  	s9 =	sadd.s32 $0xFFFFFEF7, lr;
	s5 =	simm.s32 $0xFFFFFFFF;
	p2 =	slt.u32 s8, $0xFFFFF086  }
0x1c: {  	p1 =	slt.u32 s9, $0xF7A;
	s5 =	simm.s32 @!p2 $0x0  }
0x1d: {  	s5 =	simm.s32 @p1 $0x1;
	p0 =	seq.s32 s7, s2  }
0x1e: {  	s7 =	smul.u32 @!p0 $0xF7A, s2;
	p2 =	seq.s32 @!p0 s5, $0x0  }
0x1f: {  	s9 =	smul.u32 $0xF7A, s1;
	s8 =	simm.s32 @!p0 $0x1BF5;
	p2 =	por !p2, p0  }
0x20: {  	[sflag:s8] =	ssyncset.s32 @!p0 $0xFFFFF086;
	s6 =	sadd.s32 @!p0 s3, s7;
	s7 =	simm.s32 @!p0 $0x108  }
0x21: {  	s3 =	sadd.s32 s3, s9;
	s6 =	sadd.s32 @!p0 $0x88, s6;
	s7 =	simm.s32 @p2 $0x1082  }
0x22: {  	[simem:s7], [sflag:s8] =	dma.local @!p0 [hbm:s6], $0xF7A  }
0x23: {  	s9 =	sor.u32 $0xD0000000, s2;
	s6 =	simm.s32 $0x108;
	_ =	swait.ge @!p0 [sflag:s8], $0x0  }
0x24: {  	s3 =	sadd.s32 $0x88, s3;
	s6 =	simm.s32 @!p1 $0x1082;
	[sflag:s4] =	ssyncset.s32 $0xFFFFF086  }
0x25: {  	[simem:s6], [sflag:s4] =	dma.local [hbm:s3], $0xF7A  }
0x26: {  	[smem:$0x3F8D] =	sst s1;
	(tag) =	ssettag s2;
	_ =	strace s9  }
0x27: {  	s1 =	sld [smem:$0x3F9D]  }
0x28: {  	s2 =	sld [smem:$0x3F9E]  }
0x29: {  	s4 =	sld [smem:$0x3FA0]  }
0x2a: {  	p0 =	seq.s32 s5, $0x0;
	s5 =	sld [smem:$0x3FA1]  }
0x2b: {  	s6 =	sld [smem:$0x3FA2]  }
0x2c: {  	s7 =	sld [smem:$0x3FA3]  }
0x2d: {  	s3 =	simm.s32 $0x108;
	s8 =	sld [smem:$0x3FA4]  }
0x2e: {  	s3 =	simm.s32 @!p0 $0x1082;
	s9 =	sld [smem:$0x3FA5]  }
0x2f: {  	lr =	sadd.s32 s0, s3;
	s0 =	sld [smem:$0x3F9C]  }
0x30: {  	s3 =	sld [smem:$0x3F9F]  }
0x31: {  	[smem:$0x3FA8] =	sst s10  }
0x32: {  	s10 =	sld [smem:$0x3FA6];
	_ =	sdelay $0x3  }
0x33: {  	p0 =	seq.s32 s10, $0x1;
	s10 =	sld [smem:$0x3FA8];
	_ =	sdelay $0x3  }
0x34: {  	[smem:$0x3FA8] =	sst s10  }
0x35: {  	s10 =	sld [smem:$0x3FA7];
	_ =	sdelay $0x3  }
0x36: {  	p1 =	seq.s32 s10, $0x1;
	s10 =	sld [smem:$0x3FA8];
	_ =	sdelay $0x3  }
0x37: {  	[smem:$0x3FA8] =	sst s10  }
0x38: {  	s10 =	sld [smem:$0x3FA9]  }
0x39: {  	_ = 	snop;
	(pc) =	sbr.ind lr, $3  }
0x3a: {  	_ = 	snop  }
0x3b: {  	_ = 	snop  }
0x3c: {  	p2 =	seq.s32 s10, $0x1;
	s10 =	sld [smem:$0x3FA8]  }
0x3d: {  	_ =	shalt  }
0x3e: {  	_ =	shalt  }
0x3f: {  	_ =	shalt  }
0x40: {  	_ =	shalt  }
0x41: {  	_ =	shalt  }
0x42: {  	_ =	shalt  }
0x43: {  	_ =	shalt  }
0x44: {  	_ =	shalt  }
0x45: {  	_ =	shalt  }
0x46: {  	_ =	shalt  }
0x47: {  	_ =	shalt  }
0x48: {  	_ =	shalt  }
0x49: {  	_ =	shalt  }
0x4a: {  	_ =	shalt  }
0x4b: {  	_ =	shalt  }
0x4c: {  	_ =	shalt  }
0x4d: {  	_ =	shalt  }
0x4e: {  	_ =	shalt  }
0x4f: {  	_ =	shalt  }
0x50: {  	_ =	shalt  }
0x51: {  	_ =	shalt  }
0x52: {  	_ =	shalt  }
0x53: {  	_ =	shalt  }
0x54: {  	_ =	shalt  }
0x55: {  	_ =	shalt  }
0x56: {  	_ =	shalt  }
0x57: {  	_ =	shalt  }
0x58: {  	_ =	shalt  }
0x59: {  	_ =	shalt  }
0x5a: {  	_ =	shalt  }
0x5b: {  	_ =	shalt  }
0x5c: {  	_ =	shalt  }
0x5d: {  	_ =	shalt  }
0x5e: {  	_ =	shalt  }
0x5f: {  	_ =	shalt  }
0x60: {  	_ =	shalt  }
0x61: {  	_ =	shalt  }
0x62: {  	_ =	shalt  }
0x63: {  	_ =	shalt  }
0x64: {  	_ =	shalt  }
0x65: {  	_ =	shalt  }
0x66: {  	_ =	shalt  }
0x67: {  	_ =	shalt  }
0x68: {  	_ =	shalt  }
0x69: {  	_ =	shalt  }
0x6a: {  	_ =	shalt  }
0x6b: {  	_ =	shalt  }
0x6c: {  	_ =	shalt  }
0x6d: {  	_ =	shalt  }
0x6e: {  	_ =	shalt  }
0x6f: {  	_ =	shalt  }
0x70: {  	_ =	shalt  }
0x71: {  	_ =	shalt  }
0x72: {  	_ =	shalt  }
0x73: {  	_ =	shalt  }
0x74: {  	_ =	shalt  }
0x75: {  	_ =	shalt  }
0x76: {  	_ =	shalt  }
0x77: {  	_ =	shalt  }
0x78: {  	_ =	shalt  }
0x79: {  	_ =	shalt  }
0x7a: {  	_ =	shalt  }
0x7b: {  	_ =	shalt  }
0x7c: {  	_ =	shalt  }
0x7d: {  	_ =	shalt  }
0x7e: {  	_ =	shalt  }
0x7f: {  	_ =	shalt  }
0x80: {  	_ =	shalt  }
0x81: {  	_ =	shalt  }
0x82: {  	_ =	shalt  }
0x83: {  	_ =	shalt  }
0x84: {  	_ =	shalt  }
0x85: {  	_ =	shalt  }
0x86: {  	_ =	shalt  }
0x87: {  	_ =	shalt  }
.Lfunc_end0:
.L_simem_size_0:
called_computation.1_lowered:
.L_overlay_start_0:
0x88: {  	s2 =	sld [smem:$0x3FD9]  }
0x89: {  	s3 =	sld [smem:$0x3FFE];
	_ =	sdelay $0x1  }
0x8a: {  	s1 =	srdreg.scid  }
0x8b: {  	s0 =	sand.u32 $0x1, s1  }
0x8c: {  	s16 =	sshll.u32 s0, $0xA;
	s2 =	sadd.s32 s3, s2  }
0x8d: {  	s2 =	sadd.s32 s2, s16  }
0x8e: {  	[smem:$0x3FB4] =	sst s2  }
0x8f: {  	_ = 	snop  }
0x90: {  	(tm) =	ssettm $0x1  }
0x91: {  	s17 =	sld [smem:$0x3FFB];
	_ =	sdelay $0x3  }
0x92: {  	_ =	strace s17  }
0x93: {  	s2 =	sld [smem:$0x3FFC];
	_ =	sdelay $0x3  }
0x94: {  	_ =	strace s2  }
0x95: {  	s2 =	sld [smem:$0x3FFD];
	_ =	sdelay $0x3  }
0x96: {  	_ =	strace s2  }
0x97: {  	_ =	strace $0x8FFFFFFF  }
0x98: {  	s18 =	sld [smem:$0x3FDB];
	_ =	sdelay $0x1  }
0x99: {  	s19 =	simm.s32 $_scs_section_size  }
0x9a: {  	s4 =	simm.s32 $_size__tile_overlayer_lowered;
	s5 =	simm.s32 $_tile_overlayer_lowered  }
0x9b: {  	s22 =	simm.s32 $0x1BFF;
	s21 =	sshll.u32 s5, $0x1;
	s2 =	sadd.s32 s19, s18  }
0x9c: {  	s6 =	simm.s32 $0x0;
	s20 =	sshll.u32 s4, $0x1;
	s4 =	sadd.s32 s21, s2  }
0x9d: {  	[timem:s6], [sflag:s22] =	dma.local [hbm:s4], s20  }
0x9e: {  	_ =	swait.ge [sflag:s22], s20  }
0x9f: {  	s3 =	ssub.s32 $0x0, s20;
	[sflag:s22] =	ssyncset.done $0x0  }
0xa0: {  	[sflag:s22] =	ssyncadd.s32 s3;
	_ =	sdelay $0x1  }
0xa1: {  	s23 =	simm.s32 $0x1B8B  }
0xa2: {  	_ =	swait.ge [sflag:s23], $0x1  }
0xa3: {  	[sflag:s23] =	ssyncset.done $0x0  }
0xa4: {  	s25 =	simm.s32 $0x1B8E;
	s24 =	sld [smem:$0x3FFE];
	[sflag:s23] =	ssyncadd.s32 $0xFFFFFFFF  }
0xa5: {  	s26 =	simm.s32 $execute0_lowered;
	[smem:$0x3FD2] =	sst s25  }
0xa6: {  	s4 =	sshll.u32 s26, $0x1;
	_ =	strace $0x80000049;
	[dreg:$0x1] =	wrdreg $0xFFFFFFFF  }
0xa7: {  	s28 =	simm.s32 $_size_execute0_lowered;
	s2 =	sadd.s32 s2, s4;
	[dreg:$0x0] =	wrdreg $0x0  }
0xa8: {  	s4 =	sshll.u32 s28, $0x1;
	[dreg:$0x2] =	wrdreg s2  }
0xa9: {  	[dreg:$0x3] =	wrdreg s4  }
0xaa: {  	[dreg:$0x4] =	wrdreg $0xC0  }
0xab: {  	_ =	task [dreg:s6], $0x5FFFF  }
0xac: {  	[dreg:$0x1] =	wrdreg $0xFFFFFFFF  }
0xad: {  	[dreg:$0x0] =	wrdreg $0x60  }
0xae: {  	[dreg:$0x2] =	wrdreg s24  }
0xaf: {  	[dreg:$0x3] =	wrdreg $0xC3000  }
0xb0: {  	[dreg:$0x4] =	wrdreg $0x9  }
0xb1: {  	_ =	task.clear_ibuf [dreg:s6], $0x5FFFF;
	_ =	strace $0x90000049  }
0xb2: {  	s29 =	simm.s32 $0x9;
	_ =	strace $0x8000004B  }
0xb3: {  	_ =	swait.ge [sflag:s29], $0x1  }
0xb4: {  	[sflag:s29] =	ssyncadd.s32 $0xFFFFFFFF  }
0xb5: {  	_ =	strace $0x9000004B  }
0xb6: {  	_ =	sfence  }
0xb7: {  	s30 =	sld [smem:$0x0];
	_ =	sdelay $0x2  }
0xb8: {  	s31 =	sshll.u32 s1, $0xD;
	s1 =	sshrl.u32 s1, $0x2  }
0xb9: {  	s3 =	sand.u32 $0x4000, s31;
	s1 =	sadd.s32 s1, s30  }
0xba: {  	s0 =	sor.u32 s3, s0;
	s1 =	sshll.u32 s1, $0x11  }
0xbb: {  	s0 =	sor.u32 s1, s0  }
0xbc: {  	s0 =	sadd.s32 $0x8F2B, s0  }
0xbd: {  	[sflag:s0] =	ssyncadd.remote.s32 $0x1  }
0xbe: {  	_ =	sfence.sel $0xFFFF  }
0xbf: {  	[dreg:$0x0] =	wrdreg $0xFFFFFFFF;
	(pc) =	sbr.abs _section_cstart, $3  }
0xc0: {  	[dreg:$0x1] =	wrdreg $0xFFFFFFFF  }
0xc1: {  	_ =	task.clear_ibuf [dreg:s6], $0x2FFFF;
	_ =	strace $0x9FFFFFFF  }
0xc2: {  	(tm) =	ssettm $0x7FFFFFFF  }
0xc3: {  	_ =	shalt  }
tec
execute0_lowered:
.L_overlay_start_1:
0x0: {  	(tag) =	ssettag $0x1  }
0x1: {  	s0 =	rddreg [dreg:$0x0]  }
0x2: {  	s1 =	rddreg [dreg:$0x1]  }
0x3: {  	s3 =	simm.s32 $0x0;
	s15 =	stileid.u32;
	s2 =	srdreg.scid  }
0x4: {  	s18 =	simm.s32 $0x100;
	s19 =	simm.s32 $0x80;
	s20 =	simm.s32 $0x180  }
0x5: {  	s28 =	simm.s32 $0x280;
	s29 =	simm.s32 $0x3300;
	s30 =	simm.s32 $0x9300  }
0x6: {  	s31 =	simm.s32 $0x3;
	[smem:$0x7FF] =	sst s3;
	s4 =	sadd.s32 $0x58DE00, s0  }
0x7: {  	s5 =	sadd.s32 $0x8200, s0;
	s9 =	smul.u32 $0x13C00, s15;
	s6 =	sadd.s32 $0x505200, s0  }
0x8: {  	s13 =	sand.u32 $0x1, s2;
	s7 =	sadd.s32 $0x500200, s0;
	s11 =	smul.u32 $0x4F000, s15  }
0x9: {  	s22 =	sshll.u32 s15, $0x6;
	p0 =	seq.s32 s15, $0xF;
	_ =	strace $0x8000004A  }
0xa: {  	s2 =	ssub.s32 $0x2, s13;
	s14 =	smul.u32 $0x138800, s13;
	s8 =	sshrl.u32 s9, $0x3  }
0xb: {  	s10 =	sshrl.u32 s2, $0x1;
	s21 =	sshrl.u32 s11, $0x2;
	s11 =	smul.u32 $0x27C0, s15  }
0xc: {  	s12 =	sadd.s32 s8, s0;
	s0 =	sadd.s32 $0x5DC000, s0;
	s2 =	ssub.s32 s2, s10  }
0xd: {  	s8 =	sadd.s32 s21, s1;
	s10 =	sor.u32 $0x1C09, s22;
	s9 =	sadd.s32 s9, s14  }
0xe: {  	s14 =	sshrl.u32 s14, $0x3;
	s21 =	simm.s32 $0x1;
	s22 =	simm.s32 $0x60  }
0xf: {  	s23 =	sadd.s32 $0x50A200, s12;
	s12 =	smul.u32 $0x27C00, s13;
	s9 =	sshrl.u32 s9, $0x3  }
0x10: {  	s14 =	sadd.s32 s0, s14;
	s25 =	smax.u32 s2, $0x1;
	[dreg:$0x3] =	wrdreg s8  }
0x11: {  	s26 =	sshrl.u32 s8, $0x3;
	s2 =	simm.s32 $0x4;
	[dreg:$0x4] =	wrdreg s23  }
0x12: {  	s0 =	sadd.s32 s0, s9;
	s24 =	sadd.s32 $0x25080, s14;
	[dreg:$0x7] =	wrdreg s25  }
0x13: {  	[dreg:$0x8] =	wrdreg s26;
	s23 =	simm.s32 $0x200;
	s25 =	simm.s32 $0x6300  }
0x14: {  	s26 =	simm.s32 $0x2;
	s9 =	simm.s32 $0x6;
	[dreg:$0x5] =	wrdreg s0  }
0x15: {  	v0 =	vmov s13;
	[dreg:$0x6] =	wrdreg s24;
	s24 =	simm.s32 $0x300;
	s0 =	simm.s32 $0x5  }
.LBB2_1:
0x16: {  	s8 =	rddreg [dreg:$0x4]  }
0x17: {  	s13 =	rddreg [dreg:$0x8];
	s17 =	simm.s32 $0x9  }
0x18: {  	[spmem:s13], [sflag:s10] =	dma.local [hbm:s8], $0x2780  }
0x19: {  	_ =	swait.ge [sflag:s17], $0x2780  }
0x1a: {  	[sflag:s17] =	ssyncset.done $0x0  }
0x1b: {  	[sflag:s17] =	ssyncadd.s32 $0xFFFFD880  }
0x1c: {  	s15 =	simm.s32 $0x0;
	[bflag:$0x0] =	sbarrier.arrive $0xFFFF  }
.LBB2_2:
0x1d: {  	p1 =	seq.s32 s15, $0x0  }
0x1e: {  	s16 =	simm.s32 @!p1 $0x7  }
0x1f: {  	_ =	swait.ge @!p1 [sflag:s16], $0x3000  }
0x20: {  	s17 =	smul.u32 $0xC0, s15;
	[sflag:s16] =	ssyncset.done @!p1 $0x0  }
0x21: {  	[sflag:s16] =	ssyncadd.s32 @!p1 $0xFFFFD000;
	s16 =	simm.s32 @!p1 $0x8  }
0x22: {  	s13 =	sadd.s32 s11, s17;
	_ =	swait.ge @!p1 [sflag:s16], $0x3000  }
0x23: {  	s14 =	sshrl.u32 s13, $0x3;
	[sflag:s16] =	ssyncset.done @!p1 $0x0  }
0x24: {  	s8 =	sadd.s32 s6, s14;
	[sflag:s16] =	ssyncadd.s32 @!p1 $0xFFFFD000;
	s16 =	simm.s32 $0x0  }
0x25: {  	[tilespmem:s16], [sflag:$0x1] =	stream.linear.gather [hbm4b:s8+s16], $0x60, $0x38;
	[tilespmem:$0x1FF00] =	vst v63  }
0x26: {  	s17 =	sadd.s32 $0x60, s13;
	s14 =	sadd.s32 s7, s14  }
0x27: {  	[tilespmem:s18], [sflag:$0x1] =	stream.linear.gather [hbm4b:s14+s16], $0x60, $0x38;
	[tilespmem:$0x1FF00] =	vst v63  }
0x28: {  	s14 =	sshrl.u32 s17, $0x3  }
0x29: {  	s8 =	sadd.s32 s6, s14  }
0x2a: {  	[tilespmem:s19], [sflag:$0x2] =	stream.linear.gather [hbm4b:s8+s16], $0x60, $0x38;
	[tilespmem:$0x1FF00] =	vst v63  }
0x2b: {  	s14 =	sadd.s32 s7, s14  }
0x2c: {  	[tilespmem:s20], [sflag:$0x2] =	stream.linear.gather [hbm4b:s14+s16], $0x60, $0x38;
	[tilespmem:$0x1FF00] =	vst v63  }
0x2d: {  	_ =	swait.ge [sflag:s21], $0x60  }
0x2e: {  	[sflag:s21] =	ssyncset.done $0x0  }
0x2f: {  	[sflag:s21] =	ssyncadd.s32 $0xFFFFFFA0  }
0x30: {  	_ =	swait.ge [sflag:s21], $0x60  }
0x31: {  	[sflag:s21] =	ssyncset.done $0x0  }
0x32: {  	[sflag:s21] =	ssyncadd.s32 $0xFFFFFFA0  }
0x33: {  	v1 =	vld [tilespmem:$0x0]  }
0x34: {  	v2 =	vld [tilespmem:$0x10]  }
0x35: {  	v3 =	vld [tilespmem:$0x20]  }
0x36: {  	v4 =	vld [tilespmem:$0x30]  }
0x37: {  	v5 =	vld [tilespmem:$0x40]  }
0x38: {  	v6 =	vld [tilespmem:$0x50];
	v1 =	vshll.u32 v1, $0x1  }
0x39: {  	v2 =	vshll.u32 v2, $0x1;
	v1 =	vor.u32 v0, v1  }
0x3a: {  	[tilespmem:$0x200] =	vst v1;
	v1 =	vor.u32 v0, v2;
	v2 =	vshll.u32 v3, $0x1  }
0x3b: {  	[tilespmem:$0x210] =	vst v1;
	v1 =	vor.u32 v0, v2;
	v2 =	vshll.u32 v4, $0x1  }
0x3c: {  	[tilespmem:$0x220] =	vst v1;
	v1 =	vor.u32 v0, v2;
	v2 =	vshll.u32 v5, $0x1  }
0x3d: {  	[tilespmem:$0x230] =	vst v1;
	v1 =	vor.u32 v0, v2;
	v2 =	vshll.u32 v6, $0x1  }
0x3e: {  	s14 =	sadd.s32 s12, s13;
	[tilespmem:$0x240] =	vst v1;
	v1 =	vor.u32 v0, v2  }
0x3f: {  	s8 =	sshll.u32 s14, $0x4;
	[tilespmem:$0x250] =	vst v1  }
0x40: {  	[tilespmem:s24], [sflag:$0x3] =	stream.indirect.gather [hbm4b:s4+s22], $0x80, s23, s22, $0xb8;
	[tilespmem:$0x1FF00] =	vst v63  }
0x41: {  	s8 =	sadd.s32 s5, s8  }
0x42: {  	[tilespmem:s25], [sflag:$0x5] =	stream.linear.gather [hbm4b:s8+s16], $0x3000, $0x38;
	[tilespmem:$0x1FF00] =	vst v63  }
0x43: {  	_ =	swait.ge [sflag:s26], $0x60  }
0x44: {  	[sflag:s26] =	ssyncset.done $0x0  }
0x45: {  	[sflag:s26] =	ssyncadd.s32 $0xFFFFFFA0  }
0x46: {  	_ =	swait.ge [sflag:s26], $0x60  }
0x47: {  	[sflag:s26] =	ssyncset.done $0x0  }
0x48: {  	[sflag:s26] =	ssyncadd.s32 $0xFFFFFFA0  }
0x49: {  	v1 =	vld [tilespmem:$0x80]  }
0x4a: {  	v2 =	vld [tilespmem:$0x90]  }
0x4b: {  	v3 =	vld [tilespmem:$0xA0]  }
0x4c: {  	v4 =	vld [tilespmem:$0xB0]  }
0x4d: {  	v5 =	vld [tilespmem:$0xC0]  }
0x4e: {  	v6 =	vld [tilespmem:$0xD0];
	v1 =	vshll.u32 v1, $0x1  }
0x4f: {  	v2 =	vshll.u32 v2, $0x1;
	v1 =	vor.u32 v0, v1  }
0x50: {  	[tilespmem:$0x280] =	vst v1;
	v1 =	vor.u32 v0, v2;
	v2 =	vshll.u32 v3, $0x1  }
0x51: {  	[tilespmem:$0x290] =	vst v1;
	v1 =	vor.u32 v0, v2;
	v2 =	vshll.u32 v4, $0x1  }
0x52: {  	[tilespmem:$0x2A0] =	vst v1;
	v1 =	vor.u32 v0, v2;
	v2 =	vshll.u32 v5, $0x1  }
0x53: {  	[tilespmem:$0x2B0] =	vst v1;
	v1 =	vor.u32 v0, v2;
	v2 =	vshll.u32 v6, $0x1  }
0x54: {  	s17 =	sadd.s32 s12, s17;
	[tilespmem:$0x2C0] =	vst v1;
	v1 =	vor.u32 v0, v2  }
0x55: {  	s8 =	sshll.u32 s17, $0x4;
	[tilespmem:$0x2D0] =	vst v1  }
0x56: {  	[tilespmem:s29], [sflag:$0x4] =	stream.indirect.gather [hbm4b:s4+s22], $0x80, s28, s22, $0xb8;
	[tilespmem:$0x1FF00] =	vst v63  }
0x57: {  	s8 =	sadd.s32 s5, s8  }
0x58: {  	[tilespmem:s30], [sflag:$0x6] =	stream.linear.gather [hbm4b:s8+s16], $0x3000, $0x38;
	[tilespmem:$0x1FF00] =	vst v63  }
0x59: {  	_ =	swait.ge [sflag:s31], $0x3000  }
0x5a: {  	[sflag:s31] =	ssyncset.done $0x0  }
0x5b: {  	[sflag:s31] =	ssyncadd.s32 $0xFFFFD000  }
0x5c: {  	_ =	swait.ge [sflag:s0], $0x3000  }
0x5d: {  	[sflag:s0] =	ssyncset.done $0x0  }
0x5e: {  	s16 =	simm.s32 $0x0;
	[sflag:s0] =	ssyncadd.s32 $0xFFFFD000  }
0x5f: {  	v7 =	vld [tilespmem:s16+$0x6300]  }
0x60: {  	v12 =	vld [tilespmem:s16+$0x6310]  }
0x61: {  	v6 =	vld [tilespmem:s16+$0x6320]  }
0x62: {  	v5 =	vld [tilespmem:s16+$0x6330]  }
0x63: {  	v4 =	vld [tilespmem:s16+$0x6340]  }
0x64: {  	v3 =	vld [tilespmem:s16+$0x6350]  }
0x65: {  	v2 =	vld [tilespmem:s16+$0x6360]  }
0x66: {  	v1 =	vld [tilespmem:s16+$0x6370]  }
0x67: {  	v13 =	vld [tilespmem:s16+$0x300]  }
0x68: {  	v14 =	vld [tilespmem:s16+$0x310]  }
0x69: {  	v11 =	vld [tilespmem:s16+$0x320]  }
0x6a: {  	v10 =	vld [tilespmem:s16+$0x330]  }
0x6b: {  	v9 =	vld [tilespmem:s16+$0x340]  }
0x6c: {  	v8 =	vld [tilespmem:s16+$0x350];
	v13 =	vadd.f32 v7, v13  }
0x6d: {  	s17 =	simm.s32 $0x200;
	v12 =	vadd.f32 v12, v14;
	v7 =	vld [tilespmem:s16+$0x360]  }
.LBB2_3:
0x6e: {  	s8 =	sshra.s32 s17, $0x2;
	p1 =	sne.s32 s17, $0xBE00;
	v13 =	vmax.f32 v13, $0.0e+00;
	v6 =	vadd.f32 v6, v11;
	v11 =	vld [tilespmem:s16+$0x370]  }
0x6f: {  	v14 =	vld [tilespmem:s8+$0x6300];
	[tilespmem:s16+$0x300] =	vst v13;
	v12 =	vmax.f32 v12, $0.0e+00;
	v5 =	vadd.f32 v5, v10  }
0x70: {  	v15 =	vld [tilespmem:s8+$0x6310];
	[tilespmem:s16+$0x310] =	vst v12;
	v10 =	vmax.f32 v6, $0.0e+00;
	v4 =	vadd.f32 v4, v9  }
0x71: {  	v6 =	vld [tilespmem:s8+$0x6320];
	[tilespmem:s16+$0x320] =	vst v10;
	v9 =	vmax.f32 v5, $0.0e+00;
	v3 =	vadd.f32 v3, v8  }
0x72: {  	v5 =	vld [tilespmem:s8+$0x6330];
	[tilespmem:s16+$0x330] =	vst v9;
	v8 =	vmax.f32 v4, $0.0e+00;
	v2 =	vadd.f32 v2, v7  }
0x73: {  	v4 =	vld [tilespmem:s8+$0x6340];
	[tilespmem:s16+$0x340] =	vst v8;
	v7 =	vmax.f32 v3, $0.0e+00;
	v1 =	vadd.f32 v1, v11  }
0x74: {  	v3 =	vld [tilespmem:s8+$0x6350];
	[tilespmem:s16+$0x350] =	vst v7;
	v7 =	vmax.f32 v2, $0.0e+00  }
0x75: {  	v2 =	vld [tilespmem:s8+$0x6360];
	[tilespmem:s16+$0x360] =	vst v7;
	v7 =	vmax.f32 v1, $0.0e+00  }
0x76: {  	v1 =	vld [tilespmem:s8+$0x6370];
	[tilespmem:s16+$0x370] =	vst v7;
	s16 =	smov.u32 s8  }
0x77: {  	v7 =	vld [tilespmem:s16+$0x300]  }
0x78: {  	v12 =	vld [tilespmem:s16+$0x310]  }
.Ltmp0:
0x79: {  	v11 =	vld [tilespmem:s16+$0x320];
	(pc) =	sbr.rel @p1 .LBB2_3-.Ltmp0, $4  }
0x7a: {  	v10 =	vld [tilespmem:s16+$0x330]  }
0x7b: {  	v9 =	vld [tilespmem:s16+$0x340]  }
0x7c: {  	v13 =	vadd.f32 v14, v7;
	v8 =	vld [tilespmem:s16+$0x350]  }
0x7d: {  	s17 =	sadd.s32 $0x200, s17;
	v12 =	vadd.f32 v15, v12;
	v7 =	vld [tilespmem:s16+$0x360]  }
0x7e: {  	v13 =	vmax.f32 v13, $0.0e+00;
	v6 =	vadd.f32 v6, v11;
	v11 =	vld [tilespmem:s16+$0x370]  }
0x7f: {  	[tilespmem:s16+$0x300] =	vst v13;
	v12 =	vmax.f32 v12, $0.0e+00;
	v5 =	vadd.f32 v5, v10  }
0x80: {  	[tilespmem:s16+$0x310] =	vst v12;
	v6 =	vmax.f32 v6, $0.0e+00;
	v4 =	vadd.f32 v4, v9  }
0x81: {  	[tilespmem:s16+$0x320] =	vst v6;
	v5 =	vmax.f32 v5, $0.0e+00;
	v3 =	vadd.f32 v3, v8  }
0x82: {  	[tilespmem:s16+$0x330] =	vst v5;
	v4 =	vmax.f32 v4, $0.0e+00;
	v2 =	vadd.f32 v2, v7  }
0x83: {  	[tilespmem:s16+$0x340] =	vst v4;
	v3 =	vmax.f32 v3, $0.0e+00;
	v1 =	vadd.f32 v1, v11  }
0x84: {  	[tilespmem:s16+$0x350] =	vst v3;
	v2 =	vmax.f32 v2, $0.0e+00  }
0x85: {  	[tilespmem:s16+$0x360] =	vst v2;
	v1 =	vmax.f32 v1, $0.0e+00  }
0x86: {  	[tilespmem:s16+$0x370] =	vst v1  }
0x87: {  	[spmem:s1] =	stream.indirect.scatter.add.f32 [tilespmem:s24], [sflag:$0x7], $0x80, s18, s22, $0xb8;
	[tilespmem:$0x1FF00] =	vst v63  }
0x88: {  	_ =	swait.ge [sflag:s2], $0x3000  }
0x89: {  	[sflag:s2] =	ssyncset.done $0x0  }
0x8a: {  	[sflag:s2] =	ssyncadd.s32 $0xFFFFD000  }
0x8b: {  	_ =	swait.ge [sflag:s9], $0x3000  }
0x8c: {  	[sflag:s9] =	ssyncset.done $0x0  }
0x8d: {  	s16 =	simm.s32 $0x0;
	[sflag:s9] =	ssyncadd.s32 $0xFFFFD000  }
0x8e: {  	v7 =	vld [tilespmem:s16+$0x9300]  }
0x8f: {  	v12 =	vld [tilespmem:s16+$0x9310]  }
0x90: {  	v6 =	vld [tilespmem:s16+$0x9320]  }
0x91: {  	v5 =	vld [tilespmem:s16+$0x9330]  }
0x92: {  	v4 =	vld [tilespmem:s16+$0x9340]  }
0x93: {  	v3 =	vld [tilespmem:s16+$0x9350]  }
0x94: {  	v2 =	vld [tilespmem:s16+$0x9360]  }
0x95: {  	v1 =	vld [tilespmem:s16+$0x9370]  }
0x96: {  	v13 =	vld [tilespmem:s16+$0x3300]  }
0x97: {  	v14 =	vld [tilespmem:s16+$0x3310]  }
0x98: {  	v11 =	vld [tilespmem:s16+$0x3320]  }
0x99: {  	v10 =	vld [tilespmem:s16+$0x3330]  }
0x9a: {  	v9 =	vld [tilespmem:s16+$0x3340]  }
0x9b: {  	v8 =	vld [tilespmem:s16+$0x3350];
	v13 =	vadd.f32 v7, v13  }
0x9c: {  	s17 =	simm.s32 $0x200;
	v12 =	vadd.f32 v12, v14;
	v7 =	vld [tilespmem:s16+$0x3360]  }
.LBB2_5:
0x9d: {  	s8 =	sshra.s32 s17, $0x2;
	p1 =	sne.s32 s17, $0xBE00;
	v13 =	vmax.f32 v13, $0.0e+00;
	v6 =	vadd.f32 v6, v11;
	v11 =	vld [tilespmem:s16+$0x3370]  }
0x9e: {  	v14 =	vld [tilespmem:s8+$0x9300];
	[tilespmem:s16+$0x3300] =	vst v13;
	v12 =	vmax.f32 v12, $0.0e+00;
	v5 =	vadd.f32 v5, v10  }
0x9f: {  	v15 =	vld [tilespmem:s8+$0x9310];
	[tilespmem:s16+$0x3310] =	vst v12;
	v10 =	vmax.f32 v6, $0.0e+00;
	v4 =	vadd.f32 v4, v9  }
0xa0: {  	v6 =	vld [tilespmem:s8+$0x9320];
	[tilespmem:s16+$0x3320] =	vst v10;
	v9 =	vmax.f32 v5, $0.0e+00;
	v3 =	vadd.f32 v3, v8  }
0xa1: {  	v5 =	vld [tilespmem:s8+$0x9330];
	[tilespmem:s16+$0x3330] =	vst v9;
	v8 =	vmax.f32 v4, $0.0e+00;
	v2 =	vadd.f32 v2, v7  }
0xa2: {  	v4 =	vld [tilespmem:s8+$0x9340];
	[tilespmem:s16+$0x3340] =	vst v8;
	v7 =	vmax.f32 v3, $0.0e+00;
	v1 =	vadd.f32 v1, v11  }
0xa3: {  	v3 =	vld [tilespmem:s8+$0x9350];
	[tilespmem:s16+$0x3350] =	vst v7;
	v7 =	vmax.f32 v2, $0.0e+00  }
0xa4: {  	v2 =	vld [tilespmem:s8+$0x9360];
	[tilespmem:s16+$0x3360] =	vst v7;
	v7 =	vmax.f32 v1, $0.0e+00  }
0xa5: {  	v1 =	vld [tilespmem:s8+$0x9370];
	[tilespmem:s16+$0x3370] =	vst v7;
	s16 =	smov.u32 s8  }
0xa6: {  	v7 =	vld [tilespmem:s16+$0x3300]  }
0xa7: {  	v12 =	vld [tilespmem:s16+$0x3310]  }
.Ltmp1:
0xa8: {  	v11 =	vld [tilespmem:s16+$0x3320];
	(pc) =	sbr.rel @p1 .LBB2_5-.Ltmp1, $4  }
0xa9: {  	v10 =	vld [tilespmem:s16+$0x3330]  }
0xaa: {  	v9 =	vld [tilespmem:s16+$0x3340]  }
0xab: {  	v13 =	vadd.f32 v14, v7;
	v8 =	vld [tilespmem:s16+$0x3350]  }
0xac: {  	s17 =	sadd.s32 $0x200, s17;
	v12 =	vadd.f32 v15, v12;
	v7 =	vld [tilespmem:s16+$0x3360]  }
0xad: {  	v13 =	vmax.f32 v13, $0.0e+00;
	v6 =	vadd.f32 v6, v11;
	v63 =	vld [tilespmem:s16+$0x3370]  }
0xae: {  	[tilespmem:s16+$0x3300] =	vst v13;
	v12 =	vmax.f32 v12, $0.0e+00;
	v5 =	vadd.f32 v5, v10  }
0xaf: {  	[tilespmem:s16+$0x3310] =	vst v12;
	v6 =	vmax.f32 v6, $0.0e+00;
	v4 =	vadd.f32 v4, v9  }
0xb0: {  	s15 =	sadd.s32 $0x1, s15;
	[tilespmem:s16+$0x3320] =	vst v6;
	v5 =	vmax.f32 v5, $0.0e+00;
	v3 =	vadd.f32 v3, v8  }
0xb1: {  	p1 =	sne.s32 s15, $0x35;
	[tilespmem:s16+$0x3330] =	vst v5;
	v4 =	vmax.f32 v4, $0.0e+00;
	v2 =	vadd.f32 v2, v7  }
.Ltmp2:
0xb2: {  	[tilespmem:s16+$0x3340] =	vst v4;
	v3 =	vmax.f32 v3, $0.0e+00;
	v1 =	vadd.f32 v1, v63;
	(pc) =	sbr.rel @p1 .LBB2_2-.Ltmp2, $4  }
0xb3: {  	[tilespmem:s16+$0x3350] =	vst v3;
	v2 =	vmax.f32 v2, $0.0e+00  }
0xb4: {  	[tilespmem:s16+$0x3360] =	vst v2;
	v1 =	vmax.f32 v1, $0.0e+00  }
0xb5: {  	[tilespmem:s16+$0x3370] =	vst v1  }
0xb6: {  	[spmem:s1] =	stream.indirect.scatter.add.f32 [tilespmem:s29], [sflag:$0x8], $0x80, s20, s22, $0xb8;
	[tilespmem:$0x1FF00] =	vst v63  }
0xb7: {  	s8 =	simm.s32 $0x7  }
0xb8: {  	_ =	swait.ge [sflag:s8], $0x3000  }
0xb9: {  	[sflag:s8] =	ssyncset.done $0x0  }
0xba: {  	s16 =	simm.s32 $0x8;
	[sflag:s8] =	ssyncadd.s32 $0xFFFFD000  }
0xbb: {  	_ =	swait.ge [sflag:s16], $0x3000  }
0xbc: {  	[sflag:s16] =	ssyncset.done $0x0  }
0xbd: {  	[sflag:s16] =	ssyncadd.s32 $0xFFFFD000  }
0xbe: {  	[bflag:$0x0] =	sbarrier.arrive $0xFFFF  }
0xbf: {  	s13 =	rddreg [dreg:$0x3]  }
0xc0: {  	s14 =	rddreg [dreg:$0x6];
	s8 =	sshrl.u32 @p0 s13, $0x3  }
0xc1: {  	[hbm:s14], [sflag:s10] =	dma.local @p0 [spmem:s8], $0x2080  }
0xc2: {  	s8 =	simm.s32 @p0 $0x9  }
0xc3: {  	_ =	swait.ge @p0 [sflag:s8], $0x2080  }
0xc4: {  	[sflag:s8] =	ssyncset.done @p0 $0x0  }
0xc5: {  	[sflag:s8] =	ssyncadd.s32 @p0 $0xFFFFDF80;
	s8 =	sshrl.u32 @!p0 s13, $0x3;
	s13 =	rddreg [dreg:$0x5]  }
0xc6: {  	[hbm:s13], [sflag:s10] =	dma.local @!p0 [spmem:s8], $0x2780  }
0xc7: {  	s8 =	simm.s32 @!p0 $0x9  }
0xc8: {  	_ =	swait.ge @!p0 [sflag:s8], $0x2780  }
0xc9: {  	s3 =	sadd.s32 $0x1, s3;
	s17 =	rddreg [dreg:$0x7]  }
0xca: {  	p1 =	sne.s32 s3, s17  }
.Ltmp3:
0xcb: {  	_ = 	snop;
	(pc) =	sbr.rel @p1 .LBB2_1-.Ltmp3, $3  }
0xcc: {  	_ =	sdelay $0x1  }
0xcd: {  	[sflag:s8] =	ssyncset.done @!p0 $0x0  }
0xce: {  	[sflag:s8] =	ssyncadd.s32 @!p0 $0xFFFFD880  }
0xcf: {  	_ =	sfence.sel $0x180000  }
0xd0: {  	[bflag:$0x0] =	sbarrier.arrive $0xFFFF  }
0xd1: {  	_ =	strace $0x9000004A  }
0xd2: {  	s0 =	stileid.u32;
	[bflag:$0x2] =	sbarrier.arrive $0xFFFF  }
0xd3: {  	p0 =	sne.s32 s0, $0x0;
	s0 =	rddreg [dreg:$0x2]  }
0xd4: {  	s0 =	sadd.s32 @!p0 $0x100000, s0  }
0xd5: {  	[sflag:s0] =	ssyncadd.tile.s32 @!p0 $0x1;
	_ =	shalt  }
.Lfunc_end2:
_tile_overlayer_lowered:
.L_overlay_start_2:
0xd6: {  	(tag) =	ssettag $0x2  }
0xd7: {  	s0 =	rddreg [dreg:$0x0];
	s2 =	stileid.u32  }
0xd8: {  	s1 =	rddreg [dreg:$0x1];
	p0 =	sne.s32 s2, $0x0  }
0xd9: {  	s3 =	rddreg [dreg:$0x2];
	[bflag:$0x3] =	sbarrier.arrive $0xFFFF;
	s2 =	simm.s32 @!p0 $0x1C09  }
0xda: {  	[timem:s3], [sflag:s2] =	dma.local @!p0 [hbm:s0], s1  }
0xdb: {  	s0 =	simm.s32 @!p0 $0x9  }
0xdc: {  	_ =	swait.ge @!p0 [sflag:s0], s1  }
0xdd: {  	s1 =	ssub.s32 @!p0 $0x0, s1;
	[sflag:s0] =	ssyncset.done @!p0 $0x0  }
0xde: {  	[sflag:s0] =	ssyncadd.s32 @!p0 s1  }
0xdf: {  	[bflag:$0x3] =	sbarrier.arrive $0xFFFF  }
0xe0: {  	_ =	shalt  }

// kernel: kernel.21.cloned.1.call-start
scs
__scs_entry_jumppad:
0x0: {  	(pc) =	sbr.rel $0x88, $3  }
0x1: {  	(tag) =	ssettag $0x0;
	lr =	simm.s32 $0x1  }
0x2: {  	[smem:$0x3F8D] =	sst lr;
	_ =	strace $0xD0000000  }
0x3: {  	_ = 	snop  }
0x4: {  	_ = 	snop  }
0x5: {  	_ = 	snop  }
0x6: {  	_ = 	snop  }
0x7: {  	_ = 	snop  }
__scs_overlays_trampoline_lowered:
0x8: {  	[smem:$0x3F9C] =	sst s0  }
0x9: {  	[smem:$0x3F9D] =	sst s1  }
0xa: {  	[smem:$0x3F9E] =	sst s2  }
0xb: {  	[smem:$0x3F9F] =	sst s3  }
0xc: {  	[smem:$0x3FA0] =	sst s4  }
0xd: {  	[smem:$0x3FA1] =	sst s5  }
0xe: {  	[smem:$0x3FA2] =	sst s6  }
0xf: {  	[smem:$0x3FA3] =	sst s7  }
0x10: {  	[smem:$0x3FA4] =	sst s8  }
0x11: {  	[smem:$0x3FA5] =	sst s9;
	s0 =	simm.s32 @!p0 $0x0  }
0x12: {  	s1 =	sld [smem:$0x3F8B];
	s0 =	simm.s32 @p0 $0x1  }
0x13: {  	[smem:$0x3FA6] =	sst s0;
	s0 =	simm.s32 @!p1 $0x0  }
0x14: {  	s2 =	sld [smem:$0x3F8A];
	s0 =	simm.s32 @p1 $0x1  }
0x15: {  	[smem:$0x3FA7] =	sst s0;
	s0 =	simm.s32 @!p2 $0x0  }
0x16: {  	s3 =	sld [smem:$0x3FDB];
	s0 =	simm.s32 @p2 $0x1  }
0x17: {  	s4 =	simm.s32 $0x1BF5;
	[smem:$0x3FA9] =	sst s0  }
0x18: {  	s0 =	sld [smem:$0x3F8C];
	_ =	swait.ge [sflag:s4], $0x0  }
0x19: {  	s7 =	sld [smem:$0x3F8D]  }
0x1a: {  	s8 =	sadd.s32 $0xFFFFE003, lr  }
0x1b: {  	s9 =	sadd.s32 $0xFFFFFEF7, lr;
	s5 =	simm.s32 $0xFFFFFFFF;
	p2 =	slt.u32 s8, $0xFFFFF086  }
0x1c: {  	p1 =	slt.u32 s9, $0xF7A;
	s5 =	simm.s32 @!p2 $0x0  }
0x1d: {  	s5 =	simm.s32 @p1 $0x1;
	p0 =	seq.s32 s7, s2  }
0x1e: {  	s7 =	smul.u32 @!p0 $0xF7A, s2;
	p2 =	seq.s32 @!p0 s5, $0x0  }
0x1f: {  	s9 =	smul.u32 $0xF7A, s1;
	s8 =	simm.s32 @!p0 $0x1BF5;
	p2 =	por !p2, p0  }
0x20: {  	[sflag:s8] =	ssyncset.s32 @!p0 $0xFFFFF086;
	s6 =	sadd.s32 @!p0 s3, s7;
	s7 =	simm.s32 @!p0 $0x108  }
0x21: {  	s3 =	sadd.s32 s3, s9;
	s6 =	sadd.s32 @!p0 $0x88, s6;
	s7 =	simm.s32 @p2 $0x1082  }
0x22: {  	[simem:s7], [sflag:s8] =	dma.local @!p0 [hbm:s6], $0xF7A  }
0x23: {  	s9 =	sor.u32 $0xD0000000, s2;
	s6 =	simm.s32 $0x108;
	_ =	swait.ge @!p0 [sflag:s8], $0x0  }
0x24: {  	s3 =	sadd.s32 $0x88, s3;
	s6 =	simm.s32 @!p1 $0x1082;
	[sflag:s4] =	ssyncset.s32 $0xFFFFF086  }
0x25: {  	[simem:s6], [sflag:s4] =	dma.local [hbm:s3], $0xF7A  }
0x26: {  	[smem:$0x3F8D] =	sst s1;
	(tag) =	ssettag s2;
	_ =	strace s9  }
0x27: {  	s1 =	sld [smem:$0x3F9D]  }
0x28: {  	s2 =	sld [smem:$0x3F9E]  }
0x29: {  	s4 =	sld [smem:$0x3FA0]  }
0x2a: {  	p0 =	seq.s32 s5, $0x0;
	s5 =	sld [smem:$0x3FA1]  }
0x2b: {  	s6 =	sld [smem:$0x3FA2]  }
0x2c: {  	s7 =	sld [smem:$0x3FA3]  }
0x2d: {  	s3 =	simm.s32 $0x108;
	s8 =	sld [smem:$0x3FA4]  }
0x2e: {  	s3 =	simm.s32 @!p0 $0x1082;
	s9 =	sld [smem:$0x3FA5]  }
0x2f: {  	lr =	sadd.s32 s0, s3;
	s0 =	sld [smem:$0x3F9C]  }
0x30: {  	s3 =	sld [smem:$0x3F9F]  }
0x31: {  	[smem:$0x3FA8] =	sst s10  }
0x32: {  	s10 =	sld [smem:$0x3FA6];
	_ =	sdelay $0x3  }
0x33: {  	p0 =	seq.s32 s10, $0x1;
	s10 =	sld [smem:$0x3FA8];
	_ =	sdelay $0x3  }
0x34: {  	[smem:$0x3FA8] =	sst s10  }
0x35: {  	s10 =	sld [smem:$0x3FA7];
	_ =	sdelay $0x3  }
0x36: {  	p1 =	seq.s32 s10, $0x1;
	s10 =	sld [smem:$0x3FA8];
	_ =	sdelay $0x3  }
0x37: {  	[smem:$0x3FA8] =	sst s10  }
0x38: {  	s10 =	sld [smem:$0x3FA9]  }
0x39: {  	_ = 	snop;
	(pc) =	sbr.ind lr, $3  }
0x3a: {  	_ = 	snop  }
0x3b: {  	_ = 	snop  }
0x3c: {  	p2 =	seq.s32 s10, $0x1;
	s10 =	sld [smem:$0x3FA8]  }
0x3d: {  	_ =	shalt  }
0x3e: {  	_ =	shalt  }
0x3f: {  	_ =	shalt  }
0x40: {  	_ =	shalt  }
0x41: {  	_ =	shalt  }
0x42: {  	_ =	shalt  }
0x43: {  	_ =	shalt  }
0x44: {  	_ =	shalt  }
0x45: {  	_ =	shalt  }
0x46: {  	_ =	shalt  }
0x47: {  	_ =	shalt  }
0x48: {  	_ =	shalt  }
0x49: {  	_ =	shalt  }
0x4a: {  	_ =	shalt  }
0x4b: {  	_ =	shalt  }
0x4c: {  	_ =	shalt  }
0x4d: {  	_ =	shalt  }
0x4e: {  	_ =	shalt  }
0x4f: {  	_ =	shalt  }
0x50: {  	_ =	shalt  }
0x51: {  	_ =	shalt  }
0x52: {  	_ =	shalt  }
0x53: {  	_ =	shalt  }
0x54: {  	_ =	shalt  }
0x55: {  	_ =	shalt  }
0x56: {  	_ =	shalt  }
0x57: {  	_ =	shalt  }
0x58: {  	_ =	shalt  }
0x59: {  	_ =	shalt  }
0x5a: {  	_ =	shalt  }
0x5b: {  	_ =	shalt  }
0x5c: {  	_ =	shalt  }
0x5d: {  	_ =	shalt  }
0x5e: {  	_ =	shalt  }
0x5f: {  	_ =	shalt  }
0x60: {  	_ =	shalt  }
0x61: {  	_ =	shalt  }
0x62: {  	_ =	shalt  }
0x63: {  	_ =	shalt  }
0x64: {  	_ =	shalt  }
0x65: {  	_ =	shalt  }
0x66: {  	_ =	shalt  }
0x67: {  	_ =	shalt  }
0x68: {  	_ =	shalt  }
0x69: {  	_ =	shalt  }
0x6a: {  	_ =	shalt  }
0x6b: {  	_ =	shalt  }
0x6c: {  	_ =	shalt  }
0x6d: {  	_ =	shalt  }
0x6e: {  	_ =	shalt  }
0x6f: {  	_ =	shalt  }
0x70: {  	_ =	shalt  }
0x71: {  	_ =	shalt  }
0x72: {  	_ =	shalt  }
0x73: {  	_ =	shalt  }
0x74: {  	_ =	shalt  }
0x75: {  	_ =	shalt  }
0x76: {  	_ =	shalt  }
0x77: {  	_ =	shalt  }
0x78: {  	_ =	shalt  }
0x79: {  	_ =	shalt  }
0x7a: {  	_ =	shalt  }
0x7b: {  	_ =	shalt  }
0x7c: {  	_ =	shalt  }
0x7d: {  	_ =	shalt  }
0x7e: {  	_ =	shalt  }
0x7f: {  	_ =	shalt  }
0x80: {  	_ =	shalt  }
0x81: {  	_ =	shalt  }
0x82: {  	_ =	shalt  }
0x83: {  	_ =	shalt  }
0x84: {  	_ =	shalt  }
0x85: {  	_ =	shalt  }
0x86: {  	_ =	shalt  }
0x87: {  	_ =	shalt  }
.Lfunc_end0:
.L_simem_size_0:
called_computation.2_lowered:
.L_overlay_start_0:
0x88: {  	s2 =	sld [smem:$0x3FD9]  }
0x89: {  	s3 =	sld [smem:$0x3FFE];
	_ =	sdelay $0x1  }
0x8a: {  	s1 =	srdreg.scid  }
0x8b: {  	s0 =	sand.u32 $0x1, s1  }
0x8c: {  	s16 =	sshll.u32 s0, $0xA;
	s2 =	sadd.s32 s3, s2  }
0x8d: {  	s2 =	sadd.s32 s2, s16  }
0x8e: {  	[smem:$0x3FB4] =	sst s2  }
0x8f: {  	_ = 	snop  }
0x90: {  	(tm) =	ssettm $0x1  }
0x91: {  	s17 =	sld [smem:$0x3FFB];
	_ =	sdelay $0x3  }
0x92: {  	_ =	strace s17  }
0x93: {  	s2 =	sld [smem:$0x3FFC];
	_ =	sdelay $0x3  }
0x94: {  	_ =	strace s2  }
0x95: {  	s2 =	sld [smem:$0x3FFD];
	_ =	sdelay $0x3  }
0x96: {  	_ =	strace s2  }
0x97: {  	_ =	strace $0x8FFFFFFF  }
0x98: {  	s18 =	sld [smem:$0x3FDB];
	_ =	sdelay $0x1  }
0x99: {  	s19 =	simm.s32 $_scs_section_size  }
0x9a: {  	s4 =	simm.s32 $_size__tile_overlayer_lowered;
	s5 =	simm.s32 $_tile_overlayer_lowered  }
0x9b: {  	s22 =	simm.s32 $0x1BFF;
	s21 =	sshll.u32 s5, $0x1;
	s2 =	sadd.s32 s19, s18  }
0x9c: {  	s6 =	simm.s32 $0x0;
	s20 =	sshll.u32 s4, $0x1;
	s4 =	sadd.s32 s21, s2  }
0x9d: {  	[timem:s6], [sflag:s22] =	dma.local [hbm:s4], s20  }
0x9e: {  	_ =	swait.ge [sflag:s22], s20  }
0x9f: {  	s3 =	ssub.s32 $0x0, s20;
	[sflag:s22] =	ssyncset.done $0x0  }
0xa0: {  	[sflag:s22] =	ssyncadd.s32 s3;
	_ =	sdelay $0x1  }
0xa1: {  	s23 =	simm.s32 $0x1B8B  }
0xa2: {  	_ =	swait.ge [sflag:s23], $0x1  }
0xa3: {  	[sflag:s23] =	ssyncset.done $0x0  }
0xa4: {  	s25 =	simm.s32 $0x1B8E;
	s24 =	sld [smem:$0x3FFE];
	[sflag:s23] =	ssyncadd.s32 $0xFFFFFFFF  }
0xa5: {  	s26 =	simm.s32 $execute0_lowered;
	[smem:$0x3FD2] =	sst s25  }
0xa6: {  	s4 =	sshll.u32 s26, $0x1;
	_ =	strace $0x8000004C;
	[dreg:$0x1] =	wrdreg $0xFFFFFFFF  }
0xa7: {  	s28 =	simm.s32 $_size_execute0_lowered;
	s2 =	sadd.s32 s2, s4;
	[dreg:$0x0] =	wrdreg $0x0  }
0xa8: {  	s4 =	sshll.u32 s28, $0x1;
	[dreg:$0x2] =	wrdreg s2  }
0xa9: {  	[dreg:$0x3] =	wrdreg s4  }
0xaa: {  	[dreg:$0x4] =	wrdreg $0xC0  }
0xab: {  	_ =	task [dreg:s6], $0x5FFFF  }
0xac: {  	[dreg:$0x1] =	wrdreg $0xFFFFFFFF  }
0xad: {  	[dreg:$0x0] =	wrdreg $0x60  }
0xae: {  	[dreg:$0x2] =	wrdreg s24  }
0xaf: {  	[dreg:$0x3] =	wrdreg $0xC3000  }
0xb0: {  	[dreg:$0x4] =	wrdreg $0x9  }
0xb1: {  	_ =	task.clear_ibuf [dreg:s6], $0x5FFFF;
	_ =	strace $0x9000004C  }
0xb2: {  	s29 =	simm.s32 $0x9;
	_ =	strace $0x8000004E  }
0xb3: {  	_ =	swait.ge [sflag:s29], $0x1  }
0xb4: {  	[sflag:s29] =	ssyncadd.s32 $0xFFFFFFFF  }
0xb5: {  	_ =	strace $0x9000004E  }
0xb6: {  	_ =	sfence  }
0xb7: {  	s30 =	sld [smem:$0x0];
	_ =	sdelay $0x2  }
0xb8: {  	s31 =	sshll.u32 s1, $0xD;
	s1 =	sshrl.u32 s1, $0x2  }
0xb9: {  	s3 =	sand.u32 $0x4000, s31;
	s1 =	sadd.s32 s1, s30  }
0xba: {  	s0 =	sor.u32 s3, s0;
	s1 =	sshll.u32 s1, $0x11  }
0xbb: {  	s0 =	sor.u32 s1, s0  }
0xbc: {  	s0 =	sadd.s32 $0x8F2B, s0  }
0xbd: {  	[sflag:s0] =	ssyncadd.remote.s32 $0x1  }
0xbe: {  	_ =	sfence.sel $0xFFFF  }
0xbf: {  	[dreg:$0x0] =	wrdreg $0xFFFFFFFF;
	(pc) =	sbr.abs _section_cstart, $3  }
0xc0: {  	[dreg:$0x1] =	wrdreg $0xFFFFFFFF  }
0xc1: {  	_ =	task.clear_ibuf [dreg:s6], $0x2FFFF;
	_ =	strace $0x9FFFFFFF  }
0xc2: {  	(tm) =	ssettm $0x7FFFFFFF  }
0xc3: {  	_ =	shalt  }
tec
execute0_lowered:
.L_overlay_start_1:
0x0: {  	(tag) =	ssettag $0x1  }
0x1: {  	s0 =	rddreg [dreg:$0x0]  }
0x2: {  	s1 =	rddreg [dreg:$0x1]  }
0x3: {  	s3 =	simm.s32 $0x0;
	s15 =	stileid.u32;
	s2 =	srdreg.scid  }
0x4: {  	s18 =	simm.s32 $0x100;
	s19 =	simm.s32 $0x80;
	s20 =	simm.s32 $0x180  }
0x5: {  	s28 =	simm.s32 $0x280;
	s29 =	simm.s32 $0x3300;
	s30 =	simm.s32 $0x9300  }
0x6: {  	s31 =	simm.s32 $0x3;
	[smem:$0x7FF] =	sst s3;
	s4 =	sadd.s32 $0x531A00, s0  }
0x7: {  	s5 =	sadd.s32 $0x8200, s0;
	s9 =	smul.u32 $0x13C00, s15;
	s6 =	sadd.s32 $0x505200, s0  }
0x8: {  	s13 =	sand.u32 $0x1, s2;
	s7 =	sadd.s32 $0x500200, s0;
	s11 =	smul.u32 $0x4F000, s15  }
0x9: {  	s22 =	sshll.u32 s15, $0x6;
	p0 =	seq.s32 s15, $0xF;
	_ =	strace $0x8000004D  }
0xa: {  	s2 =	ssub.s32 $0x2, s13;
	s14 =	smul.u32 $0x138800, s13;
	s8 =	sshrl.u32 s9, $0x3  }
0xb: {  	s10 =	sshrl.u32 s2, $0x1;
	s21 =	sshrl.u32 s11, $0x2;
	s11 =	smul.u32 $0x27C0, s15  }
0xc: {  	s12 =	sadd.s32 s8, s0;
	s0 =	sadd.s32 $0x58DE00, s0;
	s2 =	ssub.s32 s2, s10  }
0xd: {  	s8 =	sadd.s32 s21, s1;
	s10 =	sor.u32 $0x1C09, s22;
	s9 =	sadd.s32 s9, s14  }
0xe: {  	s14 =	sshrl.u32 s14, $0x3;
	s21 =	simm.s32 $0x1;
	s22 =	simm.s32 $0x60  }
0xf: {  	s23 =	sadd.s32 $0x50A200, s12;
	s12 =	smul.u32 $0x27C00, s13;
	s9 =	sshrl.u32 s9, $0x3  }
0x10: {  	s14 =	sadd.s32 s0, s14;
	s25 =	smax.u32 s2, $0x1;
	[dreg:$0x3] =	wrdreg s8  }
0x11: {  	s26 =	sshrl.u32 s8, $0x3;
	s2 =	simm.s32 $0x4;
	[dreg:$0x4] =	wrdreg s23  }
0x12: {  	s0 =	sadd.s32 s0, s9;
	s24 =	sadd.s32 $0x25080, s14;
	[dreg:$0x7] =	wrdreg s25  }
0x13: {  	[dreg:$0x8] =	wrdreg s26;
	s23 =	simm.s32 $0x200;
	s25 =	simm.s32 $0x6300  }
0x14: {  	s26 =	simm.s32 $0x2;
	s9 =	simm.s32 $0x6;
	[dreg:$0x5] =	wrdreg s0  }
0x15: {  	v0 =	vmov s13;
	[dreg:$0x6] =	wrdreg s24;
	s24 =	simm.s32 $0x300;
	s0 =	simm.s32 $0x5  }
.LBB2_1:
0x16: {  	s8 =	rddreg [dreg:$0x4]  }
0x17: {  	s13 =	rddreg [dreg:$0x8];
	s17 =	simm.s32 $0x9  }
0x18: {  	[spmem:s13], [sflag:s10] =	dma.local [hbm:s8], $0x2780  }
0x19: {  	_ =	swait.ge [sflag:s17], $0x2780  }
0x1a: {  	[sflag:s17] =	ssyncset.done $0x0  }
0x1b: {  	[sflag:s17] =	ssyncadd.s32 $0xFFFFD880  }
0x1c: {  	s15 =	simm.s32 $0x0;
	[bflag:$0x0] =	sbarrier.arrive $0xFFFF  }
.LBB2_2:
0x1d: {  	p1 =	seq.s32 s15, $0x0  }
0x1e: {  	s16 =	simm.s32 @!p1 $0x7  }
0x1f: {  	_ =	swait.ge @!p1 [sflag:s16], $0x3000  }
0x20: {  	s17 =	smul.u32 $0xC0, s15;
	[sflag:s16] =	ssyncset.done @!p1 $0x0  }
0x21: {  	[sflag:s16] =	ssyncadd.s32 @!p1 $0xFFFFD000;
	s16 =	simm.s32 @!p1 $0x8  }
0x22: {  	s13 =	sadd.s32 s11, s17;
	_ =	swait.ge @!p1 [sflag:s16], $0x3000  }
0x23: {  	s14 =	sshrl.u32 s13, $0x3;
	[sflag:s16] =	ssyncset.done @!p1 $0x0  }
0x24: {  	s8 =	sadd.s32 s6, s14;
	[sflag:s16] =	ssyncadd.s32 @!p1 $0xFFFFD000;
	s16 =	simm.s32 $0x0  }
0x25: {  	[tilespmem:s16], [sflag:$0x1] =	stream.linear.gather [hbm4b:s8+s16], $0x60, $0x38;
	[tilespmem:$0x1FF00] =	vst v63  }
0x26: {  	s17 =	sadd.s32 $0x60, s13;
	s14 =	sadd.s32 s7, s14  }
0x27: {  	[tilespmem:s18], [sflag:$0x1] =	stream.linear.gather [hbm4b:s14+s16], $0x60, $0x38;
	[tilespmem:$0x1FF00] =	vst v63  }
0x28: {  	s14 =	sshrl.u32 s17, $0x3  }
0x29: {  	s8 =	sadd.s32 s6, s14  }
0x2a: {  	[tilespmem:s19], [sflag:$0x2] =	stream.linear.gather [hbm4b:s8+s16], $0x60, $0x38;
	[tilespmem:$0x1FF00] =	vst v63  }
0x2b: {  	s14 =	sadd.s32 s7, s14  }
0x2c: {  	[tilespmem:s20], [sflag:$0x2] =	stream.linear.gather [hbm4b:s14+s16], $0x60, $0x38;
	[tilespmem:$0x1FF00] =	vst v63  }
0x2d: {  	_ =	swait.ge [sflag:s21], $0x60  }
0x2e: {  	[sflag:s21] =	ssyncset.done $0x0  }
0x2f: {  	[sflag:s21] =	ssyncadd.s32 $0xFFFFFFA0  }
0x30: {  	_ =	swait.ge [sflag:s21], $0x60  }
0x31: {  	[sflag:s21] =	ssyncset.done $0x0  }
0x32: {  	[sflag:s21] =	ssyncadd.s32 $0xFFFFFFA0  }
0x33: {  	v1 =	vld [tilespmem:$0x0]  }
0x34: {  	v2 =	vld [tilespmem:$0x10]  }
0x35: {  	v3 =	vld [tilespmem:$0x20]  }
0x36: {  	v4 =	vld [tilespmem:$0x30]  }
0x37: {  	v5 =	vld [tilespmem:$0x40]  }
0x38: {  	v6 =	vld [tilespmem:$0x50];
	v1 =	vshll.u32 v1, $0x1  }
0x39: {  	v2 =	vshll.u32 v2, $0x1;
	v1 =	vor.u32 v0, v1  }
0x3a: {  	[tilespmem:$0x200] =	vst v1;
	v1 =	vor.u32 v0, v2;
	v2 =	vshll.u32 v3, $0x1  }
0x3b: {  	[tilespmem:$0x210] =	vst v1;
	v1 =	vor.u32 v0, v2;
	v2 =	vshll.u32 v4, $0x1  }
0x3c: {  	[tilespmem:$0x220] =	vst v1;
	v1 =	vor.u32 v0, v2;
	v2 =	vshll.u32 v5, $0x1  }
0x3d: {  	[tilespmem:$0x230] =	vst v1;
	v1 =	vor.u32 v0, v2;
	v2 =	vshll.u32 v6, $0x1  }
0x3e: {  	s14 =	sadd.s32 s12, s13;
	[tilespmem:$0x240] =	vst v1;
	v1 =	vor.u32 v0, v2  }
0x3f: {  	s8 =	sshll.u32 s14, $0x4;
	[tilespmem:$0x250] =	vst v1  }
0x40: {  	[tilespmem:s24], [sflag:$0x3] =	stream.indirect.gather [hbm4b:s4+s22], $0x80, s23, s22, $0xb8;
	[tilespmem:$0x1FF00] =	vst v63  }
0x41: {  	s8 =	sadd.s32 s5, s8  }
0x42: {  	[tilespmem:s25], [sflag:$0x5] =	stream.linear.gather [hbm4b:s8+s16], $0x3000, $0x38;
	[tilespmem:$0x1FF00] =	vst v63  }
0x43: {  	_ =	swait.ge [sflag:s26], $0x60  }
0x44: {  	[sflag:s26] =	ssyncset.done $0x0  }
0x45: {  	[sflag:s26] =	ssyncadd.s32 $0xFFFFFFA0  }
0x46: {  	_ =	swait.ge [sflag:s26], $0x60  }
0x47: {  	[sflag:s26] =	ssyncset.done $0x0  }
0x48: {  	[sflag:s26] =	ssyncadd.s32 $0xFFFFFFA0  }
0x49: {  	v1 =	vld [tilespmem:$0x80]  }
0x4a: {  	v2 =	vld [tilespmem:$0x90]  }
0x4b: {  	v3 =	vld [tilespmem:$0xA0]  }
0x4c: {  	v4 =	vld [tilespmem:$0xB0]  }
0x4d: {  	v5 =	vld [tilespmem:$0xC0]  }
0x4e: {  	v6 =	vld [tilespmem:$0xD0];
	v1 =	vshll.u32 v1, $0x1  }
0x4f: {  	v2 =	vshll.u32 v2, $0x1;
	v1 =	vor.u32 v0, v1  }
0x50: {  	[tilespmem:$0x280] =	vst v1;
	v1 =	vor.u32 v0, v2;
	v2 =	vshll.u32 v3, $0x1  }
0x51: {  	[tilespmem:$0x290] =	vst v1;
	v1 =	vor.u32 v0, v2;
	v2 =	vshll.u32 v4, $0x1  }
0x52: {  	[tilespmem:$0x2A0] =	vst v1;
	v1 =	vor.u32 v0, v2;
	v2 =	vshll.u32 v5, $0x1  }
0x53: {  	[tilespmem:$0x2B0] =	vst v1;
	v1 =	vor.u32 v0, v2;
	v2 =	vshll.u32 v6, $0x1  }
0x54: {  	s17 =	sadd.s32 s12, s17;
	[tilespmem:$0x2C0] =	vst v1;
	v1 =	vor.u32 v0, v2  }
0x55: {  	s8 =	sshll.u32 s17, $0x4;
	[tilespmem:$0x2D0] =	vst v1  }
0x56: {  	[tilespmem:s29], [sflag:$0x4] =	stream.indirect.gather [hbm4b:s4+s22], $0x80, s28, s22, $0xb8;
	[tilespmem:$0x1FF00] =	vst v63  }
0x57: {  	s8 =	sadd.s32 s5, s8  }
0x58: {  	[tilespmem:s30], [sflag:$0x6] =	stream.linear.gather [hbm4b:s8+s16], $0x3000, $0x38;
	[tilespmem:$0x1FF00] =	vst v63  }
0x59: {  	_ =	swait.ge [sflag:s31], $0x3000  }
0x5a: {  	[sflag:s31] =	ssyncset.done $0x0  }
0x5b: {  	[sflag:s31] =	ssyncadd.s32 $0xFFFFD000  }
0x5c: {  	_ =	swait.ge [sflag:s0], $0x3000  }
0x5d: {  	[sflag:s0] =	ssyncset.done $0x0  }
0x5e: {  	s16 =	simm.s32 $0x0;
	[sflag:s0] =	ssyncadd.s32 $0xFFFFD000  }
0x5f: {  	v7 =	vld [tilespmem:s16+$0x6300]  }
0x60: {  	v12 =	vld [tilespmem:s16+$0x6310]  }
0x61: {  	v6 =	vld [tilespmem:s16+$0x6320]  }
0x62: {  	v5 =	vld [tilespmem:s16+$0x6330]  }
0x63: {  	v4 =	vld [tilespmem:s16+$0x6340]  }
0x64: {  	v3 =	vld [tilespmem:s16+$0x6350]  }
0x65: {  	v2 =	vld [tilespmem:s16+$0x6360]  }
0x66: {  	v1 =	vld [tilespmem:s16+$0x6370]  }
0x67: {  	v13 =	vld [tilespmem:s16+$0x300]  }
0x68: {  	v14 =	vld [tilespmem:s16+$0x310]  }
0x69: {  	v11 =	vld [tilespmem:s16+$0x320]  }
0x6a: {  	v10 =	vld [tilespmem:s16+$0x330]  }
0x6b: {  	v9 =	vld [tilespmem:s16+$0x340]  }
0x6c: {  	v8 =	vld [tilespmem:s16+$0x350];
	v13 =	vadd.f32 v7, v13  }
0x6d: {  	s17 =	simm.s32 $0x200;
	v12 =	vadd.f32 v12, v14;
	v7 =	vld [tilespmem:s16+$0x360]  }
.LBB2_3:
0x6e: {  	s8 =	sshra.s32 s17, $0x2;
	p1 =	sne.s32 s17, $0xBE00;
	v13 =	vmax.f32 v13, $0.0e+00;
	v6 =	vadd.f32 v6, v11;
	v11 =	vld [tilespmem:s16+$0x370]  }
0x6f: {  	v14 =	vld [tilespmem:s8+$0x6300];
	[tilespmem:s16+$0x300] =	vst v13;
	v12 =	vmax.f32 v12, $0.0e+00;
	v5 =	vadd.f32 v5, v10  }
0x70: {  	v15 =	vld [tilespmem:s8+$0x6310];
	[tilespmem:s16+$0x310] =	vst v12;
	v10 =	vmax.f32 v6, $0.0e+00;
	v4 =	vadd.f32 v4, v9  }
0x71: {  	v6 =	vld [tilespmem:s8+$0x6320];
	[tilespmem:s16+$0x320] =	vst v10;
	v9 =	vmax.f32 v5, $0.0e+00;
	v3 =	vadd.f32 v3, v8  }
0x72: {  	v5 =	vld [tilespmem:s8+$0x6330];
	[tilespmem:s16+$0x330] =	vst v9;
	v8 =	vmax.f32 v4, $0.0e+00;
	v2 =	vadd.f32 v2, v7  }
0x73: {  	v4 =	vld [tilespmem:s8+$0x6340];
	[tilespmem:s16+$0x340] =	vst v8;
	v7 =	vmax.f32 v3, $0.0e+00;
	v1 =	vadd.f32 v1, v11  }
0x74: {  	v3 =	vld [tilespmem:s8+$0x6350];
	[tilespmem:s16+$0x350] =	vst v7;
	v7 =	vmax.f32 v2, $0.0e+00  }
0x75: {  	v2 =	vld [tilespmem:s8+$0x6360];
	[tilespmem:s16+$0x360] =	vst v7;
	v7 =	vmax.f32 v1, $0.0e+00  }
0x76: {  	v1 =	vld [tilespmem:s8+$0x6370];
	[tilespmem:s16+$0x370] =	vst v7;
	s16 =	smov.u32 s8  }
0x77: {  	v7 =	vld [tilespmem:s16+$0x300]  }
0x78: {  	v12 =	vld [tilespmem:s16+$0x310]  }
.Ltmp0:
0x79: {  	v11 =	vld [tilespmem:s16+$0x320];
	(pc) =	sbr.rel @p1 .LBB2_3-.Ltmp0, $4  }
0x7a: {  	v10 =	vld [tilespmem:s16+$0x330]  }
0x7b: {  	v9 =	vld [tilespmem:s16+$0x340]  }
0x7c: {  	v13 =	vadd.f32 v14, v7;
	v8 =	vld [tilespmem:s16+$0x350]  }
0x7d: {  	s17 =	sadd.s32 $0x200, s17;
	v12 =	vadd.f32 v15, v12;
	v7 =	vld [tilespmem:s16+$0x360]  }
0x7e: {  	v13 =	vmax.f32 v13, $0.0e+00;
	v6 =	vadd.f32 v6, v11;
	v11 =	vld [tilespmem:s16+$0x370]  }
0x7f: {  	[tilespmem:s16+$0x300] =	vst v13;
	v12 =	vmax.f32 v12, $0.0e+00;
	v5 =	vadd.f32 v5, v10  }
0x80: {  	[tilespmem:s16+$0x310] =	vst v12;
	v6 =	vmax.f32 v6, $0.0e+00;
	v4 =	vadd.f32 v4, v9  }
0x81: {  	[tilespmem:s16+$0x320] =	vst v6;
	v5 =	vmax.f32 v5, $0.0e+00;
	v3 =	vadd.f32 v3, v8  }
0x82: {  	[tilespmem:s16+$0x330] =	vst v5;
	v4 =	vmax.f32 v4, $0.0e+00;
	v2 =	vadd.f32 v2, v7  }
0x83: {  	[tilespmem:s16+$0x340] =	vst v4;
	v3 =	vmax.f32 v3, $0.0e+00;
	v1 =	vadd.f32 v1, v11  }
0x84: {  	[tilespmem:s16+$0x350] =	vst v3;
	v2 =	vmax.f32 v2, $0.0e+00  }
0x85: {  	[tilespmem:s16+$0x360] =	vst v2;
	v1 =	vmax.f32 v1, $0.0e+00  }
0x86: {  	[tilespmem:s16+$0x370] =	vst v1  }
0x87: {  	[spmem:s1] =	stream.indirect.scatter.add.f32 [tilespmem:s24], [sflag:$0x7], $0x80, s18, s22, $0xb8;
	[tilespmem:$0x1FF00] =	vst v63  }
0x88: {  	_ =	swait.ge [sflag:s2], $0x3000  }
0x89: {  	[sflag:s2] =	ssyncset.done $0x0  }
0x8a: {  	[sflag:s2] =	ssyncadd.s32 $0xFFFFD000  }
0x8b: {  	_ =	swait.ge [sflag:s9], $0x3000  }
0x8c: {  	[sflag:s9] =	ssyncset.done $0x0  }
0x8d: {  	s16 =	simm.s32 $0x0;
	[sflag:s9] =	ssyncadd.s32 $0xFFFFD000  }
0x8e: {  	v7 =	vld [tilespmem:s16+$0x9300]  }
0x8f: {  	v12 =	vld [tilespmem:s16+$0x9310]  }
0x90: {  	v6 =	vld [tilespmem:s16+$0x9320]  }
0x91: {  	v5 =	vld [tilespmem:s16+$0x9330]  }
0x92: {  	v4 =	vld [tilespmem:s16+$0x9340]  }
0x93: {  	v3 =	vld [tilespmem:s16+$0x9350]  }
0x94: {  	v2 =	vld [tilespmem:s16+$0x9360]  }
0x95: {  	v1 =	vld [tilespmem:s16+$0x9370]  }
0x96: {  	v13 =	vld [tilespmem:s16+$0x3300]  }
0x97: {  	v14 =	vld [tilespmem:s16+$0x3310]  }
0x98: {  	v11 =	vld [tilespmem:s16+$0x3320]  }
0x99: {  	v10 =	vld [tilespmem:s16+$0x3330]  }
0x9a: {  	v9 =	vld [tilespmem:s16+$0x3340]  }
0x9b: {  	v8 =	vld [tilespmem:s16+$0x3350];
	v13 =	vadd.f32 v7, v13  }
0x9c: {  	s17 =	simm.s32 $0x200;
	v12 =	vadd.f32 v12, v14;
	v7 =	vld [tilespmem:s16+$0x3360]  }
.LBB2_5:
0x9d: {  	s8 =	sshra.s32 s17, $0x2;
	p1 =	sne.s32 s17, $0xBE00;
	v13 =	vmax.f32 v13, $0.0e+00;
	v6 =	vadd.f32 v6, v11;
	v11 =	vld [tilespmem:s16+$0x3370]  }
0x9e: {  	v14 =	vld [tilespmem:s8+$0x9300];
	[tilespmem:s16+$0x3300] =	vst v13;
	v12 =	vmax.f32 v12, $0.0e+00;
	v5 =	vadd.f32 v5, v10  }
0x9f: {  	v15 =	vld [tilespmem:s8+$0x9310];
	[tilespmem:s16+$0x3310] =	vst v12;
	v10 =	vmax.f32 v6, $0.0e+00;
	v4 =	vadd.f32 v4, v9  }
0xa0: {  	v6 =	vld [tilespmem:s8+$0x9320];
	[tilespmem:s16+$0x3320] =	vst v10;
	v9 =	vmax.f32 v5, $0.0e+00;
	v3 =	vadd.f32 v3, v8  }
0xa1: {  	v5 =	vld [tilespmem:s8+$0x9330];
	[tilespmem:s16+$0x3330] =	vst v9;
	v8 =	vmax.f32 v4, $0.0e+00;
	v2 =	vadd.f32 v2, v7  }
0xa2: {  	v4 =	vld [tilespmem:s8+$0x9340];
	[tilespmem:s16+$0x3340] =	vst v8;
	v7 =	vmax.f32 v3, $0.0e+00;
	v1 =	vadd.f32 v1, v11  }
0xa3: {  	v3 =	vld [tilespmem:s8+$0x9350];
	[tilespmem:s16+$0x3350] =	vst v7;
	v7 =	vmax.f32 v2, $0.0e+00  }
0xa4: {  	v2 =	vld [tilespmem:s8+$0x9360];
	[tilespmem:s16+$0x3360] =	vst v7;
	v7 =	vmax.f32 v1, $0.0e+00  }
0xa5: {  	v1 =	vld [tilespmem:s8+$0x9370];
	[tilespmem:s16+$0x3370] =	vst v7;
	s16 =	smov.u32 s8  }
0xa6: {  	v7 =	vld [tilespmem:s16+$0x3300]  }
0xa7: {  	v12 =	vld [tilespmem:s16+$0x3310]  }
.Ltmp1:
0xa8: {  	v11 =	vld [tilespmem:s16+$0x3320];
	(pc) =	sbr.rel @p1 .LBB2_5-.Ltmp1, $4  }
0xa9: {  	v10 =	vld [tilespmem:s16+$0x3330]  }
0xaa: {  	v9 =	vld [tilespmem:s16+$0x3340]  }
0xab: {  	v13 =	vadd.f32 v14, v7;
	v8 =	vld [tilespmem:s16+$0x3350]  }
0xac: {  	s17 =	sadd.s32 $0x200, s17;
	v12 =	vadd.f32 v15, v12;
	v7 =	vld [tilespmem:s16+$0x3360]  }
0xad: {  	v13 =	vmax.f32 v13, $0.0e+00;
	v6 =	vadd.f32 v6, v11;
	v63 =	vld [tilespmem:s16+$0x3370]  }
0xae: {  	[tilespmem:s16+$0x3300] =	vst v13;
	v12 =	vmax.f32 v12, $0.0e+00;
	v5 =	vadd.f32 v5, v10  }
0xaf: {  	[tilespmem:s16+$0x3310] =	vst v12;
	v6 =	vmax.f32 v6, $0.0e+00;
	v4 =	vadd.f32 v4, v9  }
0xb0: {  	s15 =	sadd.s32 $0x1, s15;
	[tilespmem:s16+$0x3320] =	vst v6;
	v5 =	vmax.f32 v5, $0.0e+00;
	v3 =	vadd.f32 v3, v8  }
0xb1: {  	p1 =	sne.s32 s15, $0x35;
	[tilespmem:s16+$0x3330] =	vst v5;
	v4 =	vmax.f32 v4, $0.0e+00;
	v2 =	vadd.f32 v2, v7  }
.Ltmp2:
0xb2: {  	[tilespmem:s16+$0x3340] =	vst v4;
	v3 =	vmax.f32 v3, $0.0e+00;
	v1 =	vadd.f32 v1, v63;
	(pc) =	sbr.rel @p1 .LBB2_2-.Ltmp2, $4  }
0xb3: {  	[tilespmem:s16+$0x3350] =	vst v3;
	v2 =	vmax.f32 v2, $0.0e+00  }
0xb4: {  	[tilespmem:s16+$0x3360] =	vst v2;
	v1 =	vmax.f32 v1, $0.0e+00  }
0xb5: {  	[tilespmem:s16+$0x3370] =	vst v1  }
0xb6: {  	[spmem:s1] =	stream.indirect.scatter.add.f32 [tilespmem:s29], [sflag:$0x8], $0x80, s20, s22, $0xb8;
	[tilespmem:$0x1FF00] =	vst v63  }
0xb7: {  	s8 =	simm.s32 $0x7  }
0xb8: {  	_ =	swait.ge [sflag:s8], $0x3000  }
0xb9: {  	[sflag:s8] =	ssyncset.done $0x0  }
0xba: {  	s16 =	simm.s32 $0x8;
	[sflag:s8] =	ssyncadd.s32 $0xFFFFD000  }
0xbb: {  	_ =	swait.ge [sflag:s16], $0x3000  }
0xbc: {  	[sflag:s16] =	ssyncset.done $0x0  }
0xbd: {  	[sflag:s16] =	ssyncadd.s32 $0xFFFFD000  }
0xbe: {  	[bflag:$0x0] =	sbarrier.arrive $0xFFFF  }
0xbf: {  	s13 =	rddreg [dreg:$0x3]  }
0xc0: {  	s14 =	rddreg [dreg:$0x6];
	s8 =	sshrl.u32 @p0 s13, $0x3  }
0xc1: {  	[hbm:s14], [sflag:s10] =	dma.local @p0 [spmem:s8], $0x2080  }
0xc2: {  	s8 =	simm.s32 @p0 $0x9  }
0xc3: {  	_ =	swait.ge @p0 [sflag:s8], $0x2080  }
0xc4: {  	[sflag:s8] =	ssyncset.done @p0 $0x0  }
0xc5: {  	[sflag:s8] =	ssyncadd.s32 @p0 $0xFFFFDF80;
	s8 =	sshrl.u32 @!p0 s13, $0x3;
	s13 =	rddreg [dreg:$0x5]  }
0xc6: {  	[hbm:s13], [sflag:s10] =	dma.local @!p0 [spmem:s8], $0x2780  }
0xc7: {  	s8 =	simm.s32 @!p0 $0x9  }
0xc8: {  	_ =	swait.ge @!p0 [sflag:s8], $0x2780  }
0xc9: {  	s3 =	sadd.s32 $0x1, s3;
	s17 =	rddreg [dreg:$0x7]  }
0xca: {  	p1 =	sne.s32 s3, s17  }
.Ltmp3:
0xcb: {  	_ = 	snop;
	(pc) =	sbr.rel @p1 .LBB2_1-.Ltmp3, $3  }
0xcc: {  	_ =	sdelay $0x1  }
0xcd: {  	[sflag:s8] =	ssyncset.done @!p0 $0x0  }
0xce: {  	[sflag:s8] =	ssyncadd.s32 @!p0 $0xFFFFD880  }
0xcf: {  	_ =	sfence.sel $0x180000  }
0xd0: {  	[bflag:$0x0] =	sbarrier.arrive $0xFFFF  }
0xd1: {  	_ =	strace $0x9000004D  }
0xd2: {  	s0 =	stileid.u32;
	[bflag:$0x2] =	sbarrier.arrive $0xFFFF  }
0xd3: {  	p0 =	sne.s32 s0, $0x0;
	s0 =	rddreg [dreg:$0x2]  }
0xd4: {  	s0 =	sadd.s32 @!p0 $0x100000, s0  }
0xd5: {  	[sflag:s0] =	ssyncadd.tile.s32 @!p0 $0x1;
	_ =	shalt  }
.Lfunc_end2:
_tile_overlayer_lowered:
.L_overlay_start_2:
0xd6: {  	(tag) =	ssettag $0x2  }
0xd7: {  	s0 =	rddreg [dreg:$0x0];
	s2 =	stileid.u32  }
0xd8: {  	s1 =	rddreg [dreg:$0x1];
	p0 =	sne.s32 s2, $0x0  }
0xd9: {  	s3 =	rddreg [dreg:$0x2];
	[bflag:$0x3] =	sbarrier.arrive $0xFFFF;
	s2 =	simm.s32 @!p0 $0x1C09  }
0xda: {  	[timem:s3], [sflag:s2] =	dma.local @!p0 [hbm:s0], s1  }
0xdb: {  	s0 =	simm.s32 @!p0 $0x9  }
0xdc: {  	_ =	swait.ge @!p0 [sflag:s0], s1  }
0xdd: {  	s1 =	ssub.s32 @!p0 $0x0, s1;
	[sflag:s0] =	ssyncset.done @!p0 $0x0  }
0xde: {  	[sflag:s0] =	ssyncadd.s32 @!p0 s1  }
0xdf: {  	[bflag:$0x3] =	sbarrier.arrive $0xFFFF  }
0xe0: {  	_ =	shalt  }

</sc_bundles>
